<compile_context>
chip_gen: v7x
topology: tpu7x:2x2x1
jax: 0.10.2.dev20260603
libtpu: 0.0.44.dev20260713+nightly
codegen_flags: <defaults>
</compile_context>

<pallas_src>
import functools

import jax
import jax.numpy as jnp
from jax import lax
from jax.experimental import pallas as pl
from jax.experimental.pallas import tpu as pltpu
from jax.experimental.pallas import tpu_sc as plsc

N_NODES = 10000
N_EDGES = 320000
HID = 128
NGRAPH = 64

_INFO = plsc.get_sparse_core_info()
NC = _INFO.num_cores
NS = _INFO.num_subcores
NW = NC * NS
EPW = N_EDGES // NW
CH = 80
NCHUNK = EPW // CH
NBUF = 3
NRING = NCHUNK // NBUF
RPT = 624
TAIL = N_NODES - RPT * NS
TAIL_OFF = RPT * NS


def _src_at(src_all, i):
    return src_all.at[pl.ds(pl.multiple_of(i * CH, 8), CH)]


def _sc_agg_body(g_hbm, src_hbm, dst_hbm, out_hbm, src_all, dst_all,
                 rows_a, rows_b, rows_c, isem0, isem1,
                 gsem_a, gsem_b, gsem_c, ssem_a, ssem_b, ssem_c, acc_sh):
    c = lax.axis_index("c")
    s = lax.axis_index("s")
    wid = c * NS + s
    rows = [rows_a, rows_b, rows_c]
    gsems = [gsem_a, gsem_b, gsem_c]
    ssems = [ssem_a, ssem_b, ssem_c]

    ih0 = pltpu.async_copy(src_hbm.at[wid], src_all, isem0)
    ih1 = pltpu.async_copy(dst_hbm.at[wid], dst_all, isem1)

    pltpu.sync_copy(g_hbm.at[pl.ds(s * RPT, RPT)],
                    acc_sh.at[pl.ds(s * RPT, RPT)])

    @pl.when(s == 0)
    def _():
        pltpu.sync_copy(g_hbm.at[pl.ds(TAIL_OFF, TAIL)],
                        acc_sh.at[pl.ds(TAIL_OFF, TAIL)])

    ih0.wait()
    ih1.wait()
    plsc.subcore_barrier()

    for b in range(NBUF):
        pltpu.async_copy(g_hbm.at[_src_at(src_all, b)], rows[b], gsems[b])

    def ring(k, carry):
        i0 = k * NBUF
        for b in range(NBUF):
            pltpu.make_async_copy(g_hbm.at[_src_at(src_all, 0)], rows[b],
                                  gsems[b]).wait()
            pltpu.async_copy(
                rows[b], acc_sh.at[dst_all.at[pl.ds(
                    pl.multiple_of((i0 + b) * CH, 8), CH)]],
                ssems[b], add=True)
        for b in range(NBUF):
            pltpu.make_async_copy(
                rows[b], acc_sh.at[dst_all.at[pl.ds(0, CH)]],
                ssems[b]).wait()

            @pl.when(i0 + b + NBUF < NCHUNK)
            def _():
                pltpu.async_copy(
                    g_hbm.at[_src_at(src_all, i0 + b + NBUF)], rows[b],
                    gsems[b])
        return carry

    lax.fori_loop(0, NRING, ring, 0)
    for i in range(NRING * NBUF, NCHUNK):
        b = i - NRING * NBUF
        pltpu.make_async_copy(g_hbm.at[_src_at(src_all, 0)], rows[b],
                              gsems[b]).wait()
        pltpu.sync_copy(rows[b],
                        acc_sh.at[dst_all.at[pl.ds(i * CH, CH)]], add=True)

    plsc.subcore_barrier()
    pltpu.sync_copy(acc_sh.at[pl.ds(s * RPT, RPT)],
                    out_hbm.at[c, pl.ds(s * RPT, RPT)])

    @pl.when(s == 0)
    def _():
        pltpu.sync_copy(acc_sh.at[pl.ds(TAIL_OFF, TAIL)],
                        out_hbm.at[c, pl.ds(TAIL_OFF, TAIL)])


_sc_agg = functools.partial(
    pl.kernel,
    out_type=jax.ShapeDtypeStruct((NC, N_NODES, HID), jnp.float32),
    mesh=plsc.VectorSubcoreMesh(core_axis_name="c", subcore_axis_name="s"),
    scratch_types=[
        pltpu.VMEM((EPW,), jnp.int32),
        pltpu.VMEM((EPW,), jnp.int32),
        pltpu.VMEM((CH, HID), jnp.float32),
        pltpu.VMEM((CH, HID), jnp.float32),
        pltpu.VMEM((CH, HID), jnp.float32),
        pltpu.SemaphoreType.DMA,
        pltpu.SemaphoreType.DMA,
        pltpu.SemaphoreType.DMA,
        pltpu.SemaphoreType.DMA,
        pltpu.SemaphoreType.DMA,
        pltpu.SemaphoreType.DMA,
        pltpu.SemaphoreType.DMA,
        pltpu.SemaphoreType.DMA,
        pltpu.VMEM_SHARED((N_NODES, HID), jnp.float32),
    ],
)(_sc_agg_body)




DW = 16


def _sc_deg_body(ones_hbm, dst_hbm, out_hbm, dst_all, ones_v, acc_sh,
                 isem, sem_a, sem_b, sem_c, sem_d):
    c = lax.axis_index("c")
    s = lax.axis_index("s")
    wid = c * NS + s
    sems = [sem_a, sem_b, sem_c, sem_d]

    ih = pltpu.async_copy(dst_hbm.at[wid], dst_all, isem)
    pltpu.sync_copy(ones_hbm.at[pl.ds(s * RPT, RPT)],
                    acc_sh.at[pl.ds(s * RPT, RPT)])

    @pl.when(s == 0)
    def _():
        pltpu.sync_copy(ones_hbm.at[pl.ds(TAIL_OFF, TAIL)],
                        acc_sh.at[pl.ds(TAIL_OFF, TAIL)])

    pltpu.sync_copy(ones_hbm.at[pl.ds(0, CH)], ones_v)
    ih.wait()
    plsc.subcore_barrier()

    nq = NCHUNK // 4
    def quad(k, carry):
        i0 = k * 4
        handles = [
            pltpu.async_copy(ones_v, acc_sh.at[dst_all.at[i0 + b]], sems[b],
                             add=True)
            for b in range(4)
        ]
        for h in handles:
            h.wait()
        return carry

    lax.fori_loop(0, nq, quad, 0)
    for i in range(nq * 4, NCHUNK):
        pltpu.async_copy(ones_v, acc_sh.at[dst_all.at[i]], sem_a,
                         add=True).wait()

    plsc.subcore_barrier()
    pltpu.sync_copy(acc_sh.at[pl.ds(s * RPT, RPT)],
                    out_hbm.at[c, pl.ds(s * RPT, RPT)])

    @pl.when(s == 0)
    def _():
        pltpu.sync_copy(acc_sh.at[pl.ds(TAIL_OFF, TAIL)],
                        out_hbm.at[c, pl.ds(TAIL_OFF, TAIL)])


_sc_deg = functools.partial(
    pl.kernel,
    out_type=jax.ShapeDtypeStruct((NC, N_NODES, DW), jnp.float32),
    mesh=plsc.VectorSubcoreMesh(core_axis_name="c", subcore_axis_name="s"),
    scratch_types=[
        pltpu.VMEM((NCHUNK, CH), jnp.int32),
        pltpu.VMEM((CH, DW), jnp.float32),
        pltpu.VMEM_SHARED((N_NODES, DW), jnp.float32),
        pltpu.SemaphoreType.DMA,
        pltpu.SemaphoreType.DMA,
        pltpu.SemaphoreType.DMA,
        pltpu.SemaphoreType.DMA,
        pltpu.SemaphoreType.DMA,
    ],
)(_sc_deg_body)


def _tc_mlp_body(x_ref, w1_ref, b1_ref, w2_ref, b2_ref, h_ref):
    h = jnp.maximum(
        jnp.dot(x_ref[...], w1_ref[...], preferred_element_type=jnp.float32)
        + b1_ref[...], 0.0)
    h_ref[...] = (jnp.dot(h, w2_ref[...], preferred_element_type=jnp.float32)
                  + b2_ref[...])


def _tc_g0_body(h_ref, accd_ref, w0_ref, g_ref, dinv_ref):
    deg = accd_ref[0][:, 0:1] + accd_ref[1][:, 0:1] - 1.0
    dinv = 1.0 / jnp.sqrt(deg)
    g_ref[...] = dinv * jnp.dot(h_ref[...], w0_ref[...],
                                preferred_element_type=jnp.float32)
    dinv_ref[...] = dinv


def _tc_layer_body(acc_ref, g_ref, dinv_ref, b_ref, w_ref, gout_ref):
    dinv = dinv_ref[...]
    h = acc_ref[0] + acc_ref[1] - g_ref[...]
    h = jnp.maximum(dinv * h + b_ref[...], 0.0)
    gout_ref[...] = dinv * jnp.dot(h, w_ref[...],
                                   preferred_element_type=jnp.float32)


def _tc_final_body(acc_ref, g_ref, dinv_ref, b_ref, bi_ref, wout_ref,
                   bout_ref, out_ref):
    dinv = dinv_ref[...]
    h = acc_ref[0] + acc_ref[1] - g_ref[...]
    h = jnp.maximum(dinv * h + b_ref[...], 0.0)
    onehot = (bi_ref[...] == lax.broadcasted_iota(
        jnp.int32, (N_NODES, NGRAPH), 1)).astype(jnp.float32)
    pooled = lax.dot_general(onehot, h, (((0,), (0,)), ((), ())),
                             preferred_element_type=jnp.float32)
    counts = lax.dot_general(onehot, jnp.ones((N_NODES, 1), jnp.float32),
                             (((0,), (0,)), ((), ())),
                             preferred_element_type=jnp.float32)
    pooled = pooled / jnp.maximum(counts, 1.0)
    out_ref[...] = jnp.dot(pooled, wout_ref[...],
                           preferred_element_type=jnp.float32) + bout_ref[...]


def kernel(x, edge_index, edge_attr, batch_idx, W_emb1, b_emb1, W_emb2,
           b_emb2, W_gcn0, b_gcn0, W_gcn1, b_gcn1, W_gcn2, b_gcn2, W_out,
           b_out):
    del edge_attr
    src = edge_index[0].reshape(NW, EPW)
    dst = edge_index[1].reshape(NW, EPW)
    dst2d = edge_index[1].reshape(NW, NCHUNK, CH)
    b1 = b_emb1.reshape(1, HID)
    b2 = b_emb2.reshape(1, HID)
    bg0 = b_gcn0.reshape(1, HID)
    bg1 = b_gcn1.reshape(1, HID)
    bg2 = b_gcn2.reshape(1, HID)
    bo = b_out.reshape(1, 1)
    bi = batch_idx.reshape(N_NODES, 1)

    ones_tab = jnp.ones((N_NODES, DW), jnp.float32)
    acc_deg = _sc_deg(ones_tab, dst2d)

    h0 = pl.pallas_call(
        _tc_mlp_body,
        out_shape=jax.ShapeDtypeStruct((N_NODES, HID), jnp.float32),
    )(x, W_emb1, b1, W_emb2, b2)

    g0, dinv = pl.pallas_call(
        _tc_g0_body,
        out_shape=(jax.ShapeDtypeStruct((N_NODES, HID), jnp.float32),
                   jax.ShapeDtypeStruct((N_NODES, 1), jnp.float32)),
    )(h0, acc_deg, W_gcn0)

    acc0 = _sc_agg(g0, src, dst)
    g1 = pl.pallas_call(
        _tc_layer_body,
        out_shape=jax.ShapeDtypeStruct((N_NODES, HID), jnp.float32),
    )(acc0, g0, dinv, bg0, W_gcn1)

    acc1 = _sc_agg(g1, src, dst)
    g2 = pl.pallas_call(
        _tc_layer_body,
        out_shape=jax.ShapeDtypeStruct((N_NODES, HID), jnp.float32),
    )(acc1, g1, dinv, bg1, W_gcn2)

    acc2 = _sc_agg(g2, src, dst)
    out = pl.pallas_call(
        _tc_final_body,
        out_shape=jax.ShapeDtypeStruct((NGRAPH, 1), jnp.float32),
    )(acc2, g2, dinv, bg2, bi, W_out, bo)
    return out

# --- scband reference (transcript-rebuilt; emitter-appended) ---
"""Pipeline reference for scband-gnn-43009802502327 (READ-ONLY COPY).

The authoritative reference and input builder live on the scoring server;
editing this copy changes nothing except your own understanding.
"""

import jax, jax.numpy as jnp
import numpy as np

N = 10000
E = 320000
D_IN = 16
H = 128
G = 64
NB_LAYER = 3


def setup_inputs(seed: int = 0) -> dict:
    key = jax.random.key(seed)
    ks = jax.random.split(key, 20)
    inp = {}
    inp['x'] = jax.random.normal(ks[0], (N, D_IN), dtype=jnp.float32)
    inp['edge_index'] = jax.random.randint(ks[1], (2, E), 0, N, dtype=jnp.int32)
    inp['edge_attr'] = jax.random.normal(ks[2], (E, 4), dtype=jnp.float32)
    inp['batch_idx'] = jnp.sort(jax.random.randint(ks[3], (N,), 0, G, dtype=jnp.int32))
    # node embedding MLP: [16 -> 128 -> 128]
    inp['W_emb1'] = jax.random.normal(ks[4], (D_IN, H), dtype=jnp.float32) * (1.0 / np.sqrt(D_IN))
    inp['b_emb1'] = jnp.zeros((H,), dtype=jnp.float32)
    inp['W_emb2'] = jax.random.normal(ks[5], (H, H), dtype=jnp.float32) * (1.0 / np.sqrt(H))
    inp['b_emb2'] = jnp.zeros((H,), dtype=jnp.float32)
    # 3 GCN layers
    for i in range(NB_LAYER):
        inp[f'W_gcn{i}'] = jax.random.normal(ks[6 + i], (H, H), dtype=jnp.float32) * (1.0 / np.sqrt(H))
        inp[f'b_gcn{i}'] = jnp.zeros((H,), dtype=jnp.float32)
    # output layer 128 -> 1
    inp['W_out'] = jax.random.normal(ks[10], (H, 1), dtype=jnp.float32) * (1.0 / np.sqrt(H))
    inp['b_out'] = jnp.zeros((1,), dtype=jnp.float32)
    return inp


def _mlp_embed(x, W1, b1, W2, b2):
    h = jax.nn.relu(x @ W1 + b1)
    return h @ W2 + b2


def _gcn_conv(x, src, dst, W, b, n):
    # GCNConv: D^-1/2 (A + I) D^-1/2 X W + b, with self loops appended
    xw = x @ W
    ones = jnp.ones(src.shape[0], dtype=x.dtype)
    deg = jax.ops.segment_sum(ones, dst, num_segments=n)
    dinv = jnp.where(deg > 0, deg ** -0.5, 0.0)
    norm = dinv[src] * dinv[dst]
    msg = xw[src] * norm[:, None]
    out = jax.ops.segment_sum(msg, dst, num_segments=n)
    return out + b


def reference(x, edge_index, edge_attr, batch_idx, W_emb1, b_emb1, W_emb2, b_emb2,
              W_gcn0, b_gcn0, W_gcn1, b_gcn1, W_gcn2, b_gcn2, W_out, b_out):
    # embed nodes (use_edge_attribution=False -> edge_attr ignored)
    h = _mlp_embed(x, W_emb1, b_emb1, W_emb2, b_emb2)
    # add self loops once
    loop = jnp.arange(N, dtype=edge_index.dtype)
    src = jnp.concatenate([edge_index[0], loop])
    dst = jnp.concatenate([edge_index[1], loop])
    gcn_params = [(W_gcn0, b_gcn0), (W_gcn1, b_gcn1), (W_gcn2, b_gcn2)]
    for (W, b) in gcn_params:
        h = _gcn_conv(h, src, dst, W, b, N)
        h = jax.nn.relu(h)
        # dropout p=0.0 / eval mode -> identity
    # scatter mean over batch_idx
    counts = jax.ops.segment_sum(jnp.ones(N, dtype=h.dtype), batch_idx, num_segments=G)
    pooled = jax.ops.segment_sum(h, batch_idx, num_segments=G)
    pooled = pooled / jnp.clip(counts, 1.0)[:, None]
    return pooled @ W_out + b_out

if __name__ == "__main__":
    import jax
    _d = setup_inputs()
    print(jax.jit(kernel)(*tuple(_d.values())))

</pallas_src>

<mosaic_0001>
#map = affine_map<(d0, d1) -> (0, 0)>
#map1 = affine_map<(d0, d1) -> (0, 0, 0)>
module attributes {stable_mosaic.version = 14 : i64} {
  func.func @_sc_agg_body(%arg0: i32, %arg1: i32, %arg2: memref<10000x128xf32, #tpu.memory_space<hbm>>, %arg3: memref<32x10000xi32, #tpu.memory_space<hbm>>, %arg4: memref<32x10000xi32, #tpu.memory_space<hbm>>, %arg5: memref<2x10000x128xf32, #tpu.memory_space<hbm>>, %arg6: memref<10000xi32, #tpu.memory_space<vmem>>, %arg7: memref<10000xi32, #tpu.memory_space<vmem>>, %arg8: memref<80x128xf32, #tpu.memory_space<vmem>>, %arg9: memref<80x128xf32, #tpu.memory_space<vmem>>, %arg10: memref<80x128xf32, #tpu.memory_space<vmem>>, %arg11: memref<!tpu.dma_semaphore, #tpu.memory_space<semaphore_mem>>, %arg12: memref<!tpu.dma_semaphore, #tpu.memory_space<semaphore_mem>>, %arg13: memref<!tpu.dma_semaphore, #tpu.memory_space<semaphore_mem>>, %arg14: memref<!tpu.dma_semaphore, #tpu.memory_space<semaphore_mem>>, %arg15: memref<!tpu.dma_semaphore, #tpu.memory_space<semaphore_mem>>, %arg16: memref<!tpu.dma_semaphore, #tpu.memory_space<semaphore_mem>>, %arg17: memref<!tpu.dma_semaphore, #tpu.memory_space<semaphore_mem>>, %arg18: memref<!tpu.dma_semaphore, #tpu.memory_space<semaphore_mem>>, %arg19: memref<10000x128xf32, #tpu.memory_space<vmem_shared>>) attributes {dimension_semantics = [#tpu.dimension_semantics<core_parallel>, #tpu.dimension_semantics<subcore_parallel>], iteration_bounds = array<i64: 2, 16>, scalar_prefetch = 0 : i64, scratch_operands = 14 : i64, tpu.core_type = #tpu.core_type<sc_vector_subcore>, window_params = [{transform_indices = #map}, {transform_indices = #map}, {transform_indices = #map}, {transform_indices = #map1}]} {
    %mul3A = arith.constant 16 : i32
    %mul3A_0 = arith.muli %arg0, %mul3A : i32
    %add3A = arith.addi %mul3A_0, %arg1 : i32
    %dma_start3A = arith.constant 0 : i32
    %dma_start3A_1 = tpu.memref_slice %arg3[%add3A, %dma_start3A] : memref<32x10000xi32, #tpu.memory_space<hbm>> -> memref<1x10000xi32, #tpu.memory_space<hbm>>
    %dma_start3A_2 = tpu.memref_squeeze %dma_start3A_1 : memref<1x10000xi32, #tpu.memory_space<hbm>> -> memref<10000xi32, #tpu.memory_space<hbm>>
    %dma_start3A_3 = arith.constant 0 : i32
    %dma_start3A_4 = tpu.memref_slice %arg3[%add3A, %dma_start3A_3] : memref<32x10000xi32, #tpu.memory_space<hbm>> -> memref<1x10000xi32, #tpu.memory_space<hbm>>
    %dma_start3A_5 = tpu.memref_squeeze %dma_start3A_4 : memref<1x10000xi32, #tpu.memory_space<hbm>> -> memref<10000xi32, #tpu.memory_space<hbm>>
    tpu.enqueue_dma source(%dma_start3A_5 : memref<10000xi32, #tpu.memory_space<hbm>>) target(%arg6 : memref<10000xi32, #tpu.memory_space<vmem>>) target_semaphore(%arg11 : memref<!tpu.dma_semaphore, #tpu.memory_space<semaphore_mem>>)
    %dma_start3A_6 = arith.constant 0 : i32
    %dma_start3A_7 = tpu.memref_slice %arg4[%add3A, %dma_start3A_6] : memref<32x10000xi32, #tpu.memory_space<hbm>> -> memref<1x10000xi32, #tpu.memory_space<hbm>>
    %dma_start3A_8 = tpu.memref_squeeze %dma_start3A_7 : memref<1x10000xi32, #tpu.memory_space<hbm>> -> memref<10000xi32, #tpu.memory_space<hbm>>
    %dma_start3A_9 = arith.constant 0 : i32
    %dma_start3A_10 = tpu.memref_slice %arg4[%add3A, %dma_start3A_9] : memref<32x10000xi32, #tpu.memory_space<hbm>> -> memref<1x10000xi32, #tpu.memory_space<hbm>>
    %dma_start3A_11 = tpu.memref_squeeze %dma_start3A_10 : memref<1x10000xi32, #tpu.memory_space<hbm>> -> memref<10000xi32, #tpu.memory_space<hbm>>
    tpu.enqueue_dma source(%dma_start3A_11 : memref<10000xi32, #tpu.memory_space<hbm>>) target(%arg7 : memref<10000xi32, #tpu.memory_space<vmem>>) target_semaphore(%arg12 : memref<!tpu.dma_semaphore, #tpu.memory_space<semaphore_mem>>)
    %mul3A_12 = arith.constant 624 : i32
    %mul3A_13 = arith.muli %arg1, %mul3A_12 : i32
    %mul3A_14 = arith.constant 624 : i32
    %mul3A_15 = arith.muli %arg1, %mul3A_14 : i32
    "tpu.region"() ({
      %run_scoped3A = tpu.sem_alloc : memref<!tpu.dma_semaphore, #tpu.memory_space<semaphore_mem>>
      %dma_start3A_73 = arith.constant 0 : i32
      %dma_start3A_74 = tpu.memref_slice %arg19[%mul3A_15, %dma_start3A_73] : memref<10000x128xf32, #tpu.memory_space<vmem_shared>> -> memref<624x128xf32, #tpu.memory_space<vmem_shared>>
      %dma_start3A_75 = arith.constant 0 : i32
      %dma_start3A_76 = tpu.memref_slice %arg2[%mul3A_13, %dma_start3A_75] : memref<10000x128xf32, #tpu.memory_space<hbm>> -> memref<624x128xf32, #tpu.memory_space<hbm>>
      tpu.enqueue_dma source(%dma_start3A_76 : memref<624x128xf32, #tpu.memory_space<hbm>>) target(%dma_start3A_74 : memref<624x128xf32, #tpu.memory_space<vmem_shared>>) target_semaphore(%run_scoped3A : memref<!tpu.dma_semaphore, #tpu.memory_space<semaphore_mem>>)
      %dma_wait3A_77 = arith.constant 0 : i32
      %dma_wait3A_78 = tpu.memref_slice %arg19[%mul3A_15, %dma_wait3A_77] : memref<10000x128xf32, #tpu.memory_space<vmem_shared>> -> memref<624x128xf32, #tpu.memory_space<vmem_shared>>
      %dma_wait3A_79 = arith.constant 0 : i32
      %dma_wait3A_80 = tpu.memref_slice %arg2[%mul3A_13, %dma_wait3A_79] : memref<10000x128xf32, #tpu.memory_space<hbm>> -> memref<624x128xf32, #tpu.memory_space<hbm>>
      tpu.wait_dma2 semaphore(%run_scoped3A : memref<!tpu.dma_semaphore, #tpu.memory_space<semaphore_mem>>) src(%dma_wait3A_80 : memref<624x128xf32, #tpu.memory_space<hbm>>) dst(%dma_wait3A_78 : memref<624x128xf32, #tpu.memory_space<vmem_shared>>)
      tpu.yield
    }) : () -> ()
    %eq3A = arith.constant 0 : i32
    %eq3A_16 = arith.cmpi eq, %arg1, %eq3A : i32
    %convert_element_type3A = arith.extui %eq3A_16 : i1 to i32
    %cond3A = arith.constant 0 : i32
    %cond3A_17 = arith.cmpi ne, %convert_element_type3A, %cond3A : i32
    scf.if %cond3A_17 {
      "tpu.region"() ({
        %run_scoped3A = tpu.sem_alloc : memref<!tpu.dma_semaphore, #tpu.memory_space<semaphore_mem>>
        %dma_start3A_73 = arith.constant 9984 : i32
        %dma_start3A_74 = arith.constant 0 : i32
        %dma_start3A_75 = tpu.memref_slice %arg19[%dma_start3A_73, %dma_start3A_74] : memref<10000x128xf32, #tpu.memory_space<vmem_shared>> -> memref<16x128xf32, #tpu.memory_space<vmem_shared>>
        %dma_start3A_76 = arith.constant 9984 : i32
        %dma_start3A_77 = arith.constant 0 : i32
        %dma_start3A_78 = tpu.memref_slice %arg2[%dma_start3A_76, %dma_start3A_77] : memref<10000x128xf32, #tpu.memory_space<hbm>> -> memref<16x128xf32, #tpu.memory_space<hbm>>
        tpu.enqueue_dma source(%dma_start3A_78 : memref<16x128xf32, #tpu.memory_space<hbm>>) target(%dma_start3A_75 : memref<16x128xf32, #tpu.memory_space<vmem_shared>>) target_semaphore(%run_scoped3A : memref<!tpu.dma_semaphore, #tpu.memory_space<semaphore_mem>>)
        %dma_wait3A_79 = arith.constant 9984 : i32
        %dma_wait3A_80 = arith.constant 0 : i32
        %dma_wait3A_81 = tpu.memref_slice %arg19[%dma_wait3A_79, %dma_wait3A_80] : memref<10000x128xf32, #tpu.memory_space<vmem_shared>> -> memref<16x128xf32, #tpu.memory_space<vmem_shared>>
        %dma_wait3A_82 = arith.constant 9984 : i32
        %dma_wait3A_83 = arith.constant 0 : i32
        %dma_wait3A_84 = tpu.memref_slice %arg2[%dma_wait3A_82, %dma_wait3A_83] : memref<10000x128xf32, #tpu.memory_space<hbm>> -> memref<16x128xf32, #tpu.memory_space<hbm>>
        tpu.wait_dma2 semaphore(%run_scoped3A : memref<!tpu.dma_semaphore, #tpu.memory_space<semaphore_mem>>) src(%dma_wait3A_84 : memref<16x128xf32, #tpu.memory_space<hbm>>) dst(%dma_wait3A_81 : memref<16x128xf32, #tpu.memory_space<vmem_shared>>)
        tpu.yield
      }) : () -> ()
    } else {
    }
    %dma_wait3A = arith.constant 0 : i32
    %dma_wait3A_18 = tpu.memref_slice %arg3[%add3A, %dma_wait3A] : memref<32x10000xi32, #tpu.memory_space<hbm>> -> memref<1x10000xi32, #tpu.memory_space<hbm>>
    %dma_wait3A_19 = tpu.memref_squeeze %dma_wait3A_18 : memref<1x10000xi32, #tpu.memory_space<hbm>> -> memref<10000xi32, #tpu.memory_space<hbm>>
    %dma_wait3A_20 = arith.constant 0 : i32
    %dma_wait3A_21 = tpu.memref_slice %arg3[%add3A, %dma_wait3A_20] : memref<32x10000xi32, #tpu.memory_space<hbm>> -> memref<1x10000xi32, #tpu.memory_space<hbm>>
    %dma_wait3A_22 = tpu.memref_squeeze %dma_wait3A_21 : memref<1x10000xi32, #tpu.memory_space<hbm>> -> memref<10000xi32, #tpu.memory_space<hbm>>
    tpu.wait_dma2 semaphore(%arg11 : memref<!tpu.dma_semaphore, #tpu.memory_space<semaphore_mem>>) src(%dma_wait3A_22 : memref<10000xi32, #tpu.memory_space<hbm>>) dst(%arg6 : memref<10000xi32, #tpu.memory_space<vmem>>)
    %dma_wait3A_23 = arith.constant 0 : i32
    %dma_wait3A_24 = tpu.memref_slice %arg4[%add3A, %dma_wait3A_23] : memref<32x10000xi32, #tpu.memory_space<hbm>> -> memref<1x10000xi32, #tpu.memory_space<hbm>>
    %dma_wait3A_25 = tpu.memref_squeeze %dma_wait3A_24 : memref<1x10000xi32, #tpu.memory_space<hbm>> -> memref<10000xi32, #tpu.memory_space<hbm>>
    %dma_wait3A_26 = arith.constant 0 : i32
    %dma_wait3A_27 = tpu.memref_slice %arg4[%add3A, %dma_wait3A_26] : memref<32x10000xi32, #tpu.memory_space<hbm>> -> memref<1x10000xi32, #tpu.memory_space<hbm>>
    %dma_wait3A_28 = tpu.memref_squeeze %dma_wait3A_27 : memref<1x10000xi32, #tpu.memory_space<hbm>> -> memref<10000xi32, #tpu.memory_space<hbm>>
    tpu.wait_dma2 semaphore(%arg12 : memref<!tpu.dma_semaphore, #tpu.memory_space<semaphore_mem>>) src(%dma_wait3A_28 : memref<10000xi32, #tpu.memory_space<hbm>>) dst(%arg7 : memref<10000xi32, #tpu.memory_space<vmem>>)
    %barrier3A = arith.constant 0 : index
    tpu.barrier barrier_id(%barrier3A)
    %multiple_of3A = arith.constant 0 : i32
    %multiple_of3A_29 = tpu.assume_multiple %multiple_of3A, 8 : i32
    %dma_start3A_30 = tpu.memref_slice %arg6[%multiple_of3A_29] : memref<10000xi32, #tpu.memory_space<vmem>> -> memref<80xi32, #tpu.memory_space<vmem>>
    %dma_start3A_31 = arith.constant 0 : i32
    %dma_start3A_32 = arith.constant 0 : i32
    %dma_start3A_33 = tpu.memref_slice %arg2[%dma_start3A_31, %dma_start3A_32] : memref<10000x128xf32, #tpu.memory_space<hbm>> -> memref<10000x128xf32, #tpu.memory_space<hbm>>
    tpu.enqueue_indirect_dma source(%dma_start3A_33 : memref<10000x128xf32, #tpu.memory_space<hbm>>) target(%arg8 : memref<80x128xf32, #tpu.memory_space<vmem>>) offsets(%dma_start3A_30 : memref<80xi32, #tpu.memory_space<vmem>>) semaphore(%arg13 : memref<!tpu.dma_semaphore, #tpu.memory_space<semaphore_mem>>)
    %multiple_of3A_34 = arith.constant 80 : i32
    %multiple_of3A_35 = tpu.assume_multiple %multiple_of3A_34, 8 : i32
    %dma_start3A_36 = tpu.memref_slice %arg6[%multiple_of3A_35] : memref<10000xi32, #tpu.memory_space<vmem>> -> memref<80xi32, #tpu.memory_space<vmem>>
    %dma_start3A_37 = arith.constant 0 : i32
    %dma_start3A_38 = arith.constant 0 : i32
    %dma_start3A_39 = tpu.memref_slice %arg2[%dma_start3A_37, %dma_start3A_38] : memref<10000x128xf32, #tpu.memory_space<hbm>> -> memref<10000x128xf32, #tpu.memory_space<hbm>>
    tpu.enqueue_indirect_dma source(%dma_start3A_39 : memref<10000x128xf32, #tpu.memory_space<hbm>>) target(%arg9 : memref<80x128xf32, #tpu.memory_space<vmem>>) offsets(%dma_start3A_36 : memref<80xi32, #tpu.memory_space<vmem>>) semaphore(%arg14 : memref<!tpu.dma_semaphore, #tpu.memory_space<semaphore_mem>>)
    %multiple_of3A_40 = arith.constant 160 : i32
    %multiple_of3A_41 = tpu.assume_multiple %multiple_of3A_40, 8 : i32
    %dma_start3A_42 = tpu.memref_slice %arg6[%multiple_of3A_41] : memref<10000xi32, #tpu.memory_space<vmem>> -> memref<80xi32, #tpu.memory_space<vmem>>
    %dma_start3A_43 = arith.constant 0 : i32
    %dma_start3A_44 = arith.constant 0 : i32
    %dma_start3A_45 = tpu.memref_slice %arg2[%dma_start3A_43, %dma_start3A_44] : memref<10000x128xf32, #tpu.memory_space<hbm>> -> memref<10000x128xf32, #tpu.memory_space<hbm>>
    tpu.enqueue_indirect_dma source(%dma_start3A_45 : memref<10000x128xf32, #tpu.memory_space<hbm>>) target(%arg10 : memref<80x128xf32, #tpu.memory_space<vmem>>) offsets(%dma_start3A_42 : memref<80xi32, #tpu.memory_space<vmem>>) semaphore(%arg15 : memref<!tpu.dma_semaphore, #tpu.memory_space<semaphore_mem>>)
    %scan3A = arith.constant 0 : i32
    %scan3A_46 = arith.constant 0 : i32
    %scan3A_47 = arith.constant 41 : i32
    %scan3A_48 = arith.addi %scan3A_46, %scan3A_47 : i32
    %scan3A_49 = arith.constant 1 : i32
    scf.for %scan3A_73 = %scan3A_46 to %scan3A_48 step %scan3A_49  : i32 {
      %mul3A_74 = arith.constant 3 : i32
      %mul3A_75 = arith.muli %scan3A_73, %mul3A_74 : i32
      %multiple_of3A_76 = arith.constant 0 : i32
      %multiple_of3A_77 = tpu.assume_multiple %multiple_of3A_76, 8 : i32
      %dma_wait3A_78 = tpu.memref_slice %arg6[%multiple_of3A_77] : memref<10000xi32, #tpu.memory_space<vmem>> -> memref<80xi32, #tpu.memory_space<vmem>>
      %dma_wait3A_79 = arith.constant 0 : i32
      %dma_wait3A_80 = arith.constant 0 : i32
      %dma_wait3A_81 = tpu.memref_slice %arg2[%dma_wait3A_79, %dma_wait3A_80] : memref<10000x128xf32, #tpu.memory_space<hbm>> -> memref<10000x128xf32, #tpu.memory_space<hbm>>
      tpu.wait_indirect_dma semaphore(%arg13 : memref<!tpu.dma_semaphore, #tpu.memory_space<semaphore_mem>>) src(%dma_wait3A_81 : memref<10000x128xf32, #tpu.memory_space<hbm>>) dst(%arg8 : memref<80x128xf32, #tpu.memory_space<vmem>>)
      %add3A_82 = arith.constant 0 : i32
      %add3A_83 = arith.addi %mul3A_75, %add3A_82 : i32
      %mul3A_84 = arith.constant 80 : i32
      %mul3A_85 = arith.muli %add3A_83, %mul3A_84 : i32
      %multiple_of3A_86 = tpu.assume_multiple %mul3A_85, 8 : i32
      %dma_start3A_87 = tpu.memref_slice %arg7[%multiple_of3A_86] : memref<10000xi32, #tpu.memory_space<vmem>> -> memref<80xi32, #tpu.memory_space<vmem>>
      %dma_start3A_88 = arith.constant 0 : i32
      %dma_start3A_89 = arith.constant 0 : i32
      %dma_start3A_90 = tpu.memref_slice %arg19[%dma_start3A_88, %dma_start3A_89] : memref<10000x128xf32, #tpu.memory_space<vmem_shared>> -> memref<10000x128xf32, #tpu.memory_space<vmem_shared>>
      tpu.enqueue_indirect_dma source(%arg8 : memref<80x128xf32, #tpu.memory_space<vmem>>) target(%dma_start3A_90 : memref<10000x128xf32, #tpu.memory_space<vmem_shared>>) offsets(%dma_start3A_87 : memref<80xi32, #tpu.memory_space<vmem>>) semaphore(%arg16 : memref<!tpu.dma_semaphore, #tpu.memory_space<semaphore_mem>>) {add = true}
      %multiple_of3A_91 = arith.constant 0 : i32
      %multiple_of3A_92 = tpu.assume_multiple %multiple_of3A_91, 8 : i32
      %dma_wait3A_93 = tpu.memref_slice %arg6[%multiple_of3A_92] : memref<10000xi32, #tpu.memory_space<vmem>> -> memref<80xi32, #tpu.memory_space<vmem>>
      %dma_wait3A_94 = arith.constant 0 : i32
      %dma_wait3A_95 = arith.constant 0 : i32
      %dma_wait3A_96 = tpu.memref_slice %arg2[%dma_wait3A_94, %dma_wait3A_95] : memref<10000x128xf32, #tpu.memory_space<hbm>> -> memref<10000x128xf32, #tpu.memory_space<hbm>>
      tpu.wait_indirect_dma semaphore(%arg14 : memref<!tpu.dma_semaphore, #tpu.memory_space<semaphore_mem>>) src(%dma_wait3A_96 : memref<10000x128xf32, #tpu.memory_space<hbm>>) dst(%arg9 : memref<80x128xf32, #tpu.memory_space<vmem>>)
      %add3A_97 = arith.constant 1 : i32
      %add3A_98 = arith.addi %mul3A_75, %add3A_97 : i32
      %mul3A_99 = arith.constant 80 : i32
      %mul3A_100 = arith.muli %add3A_98, %mul3A_99 : i32
      %multiple_of3A_101 = tpu.assume_multiple %mul3A_100, 8 : i32
      %dma_start3A_102 = tpu.memref_slice %arg7[%multiple_of3A_101] : memref<10000xi32, #tpu.memory_space<vmem>> -> memref<80xi32, #tpu.memory_space<vmem>>
      %dma_start3A_103 = arith.constant 0 : i32
      %dma_start3A_104 = arith.constant 0 : i32
      %dma_start3A_105 = tpu.memref_slice %arg19[%dma_start3A_103, %dma_start3A_104] : memref<10000x128xf32, #tpu.memory_space<vmem_shared>> -> memref<10000x128xf32, #tpu.memory_space<vmem_shared>>
      tpu.enqueue_indirect_dma source(%arg9 : memref<80x128xf32, #tpu.memory_space<vmem>>) target(%dma_start3A_105 : memref<10000x128xf32, #tpu.memory_space<vmem_shared>>) offsets(%dma_start3A_102 : memref<80xi32, #tpu.memory_space<vmem>>) semaphore(%arg17 : memref<!tpu.dma_semaphore, #tpu.memory_space<semaphore_mem>>) {add = true}
      %multiple_of3A_106 = arith.constant 0 : i32
      %multiple_of3A_107 = tpu.assume_multiple %multiple_of3A_106, 8 : i32
      %dma_wait3A_108 = tpu.memref_slice %arg6[%multiple_of3A_107] : memref<10000xi32, #tpu.memory_space<vmem>> -> memref<80xi32, #tpu.memory_space<vmem>>
      %dma_wait3A_109 = arith.constant 0 : i32
      %dma_wait3A_110 = arith.constant 0 : i32
      %dma_wait3A_111 = tpu.memref_slice %arg2[%dma_wait3A_109, %dma_wait3A_110] : memref<10000x128xf32, #tpu.memory_space<hbm>> -> memref<10000x128xf32, #tpu.memory_space<hbm>>
      tpu.wait_indirect_dma semaphore(%arg15 : memref<!tpu.dma_semaphore, #tpu.memory_space<semaphore_mem>>) src(%dma_wait3A_111 : memref<10000x128xf32, #tpu.memory_space<hbm>>) dst(%arg10 : memref<80x128xf32, #tpu.memory_space<vmem>>)
      %add3A_112 = arith.constant 2 : i32
      %add3A_113 = arith.addi %mul3A_75, %add3A_112 : i32
      %mul3A_114 = arith.constant 80 : i32
      %mul3A_115 = arith.muli %add3A_113, %mul3A_114 : i32
      %multiple_of3A_116 = tpu.assume_multiple %mul3A_115, 8 : i32
      %dma_start3A_117 = tpu.memref_slice %arg7[%multiple_of3A_116] : memref<10000xi32, #tpu.memory_space<vmem>> -> memref<80xi32, #tpu.memory_space<vmem>>
      %dma_start3A_118 = arith.constant 0 : i32
      %dma_start3A_119 = arith.constant 0 : i32
      %dma_start3A_120 = tpu.memref_slice %arg19[%dma_start3A_118, %dma_start3A_119] : memref<10000x128xf32, #tpu.memory_space<vmem_shared>> -> memref<10000x128xf32, #tpu.memory_space<vmem_shared>>
      tpu.enqueue_indirect_dma source(%arg10 : memref<80x128xf32, #tpu.memory_space<vmem>>) target(%dma_start3A_120 : memref<10000x128xf32, #tpu.memory_space<vmem_shared>>) offsets(%dma_start3A_117 : memref<80xi32, #tpu.memory_space<vmem>>) semaphore(%arg18 : memref<!tpu.dma_semaphore, #tpu.memory_space<semaphore_mem>>) {add = true}
      %dma_wait3A_121 = arith.constant 0 : i32
      %dma_wait3A_122 = tpu.memref_slice %arg7[%dma_wait3A_121] : memref<10000xi32, #tpu.memory_space<vmem>> -> memref<80xi32, #tpu.memory_space<vmem>>
      %dma_wait3A_123 = arith.constant 0 : i32
      %dma_wait3A_124 = arith.constant 0 : i32
      %dma_wait3A_125 = tpu.memref_slice %arg19[%dma_wait3A_123, %dma_wait3A_124] : memref<10000x128xf32, #tpu.memory_space<vmem_shared>> -> memref<10000x128xf32, #tpu.memory_space<vmem_shared>>
      tpu.wait_indirect_dma semaphore(%arg16 : memref<!tpu.dma_semaphore, #tpu.memory_space<semaphore_mem>>) src(%arg8 : memref<80x128xf32, #tpu.memory_space<vmem>>) dst(%dma_wait3A_125 : memref<10000x128xf32, #tpu.memory_space<vmem_shared>>)
      %add3A_126 = arith.constant 0 : i32
      %add3A_127 = arith.addi %mul3A_75, %add3A_126 : i32
      %add3A_128 = arith.constant 3 : i32
      %add3A_129 = arith.addi %add3A_127, %add3A_128 : i32
      %lt3A = arith.constant 125 : i32
      %lt3A_130 = arith.cmpi slt, %add3A_129, %lt3A : i32
      %convert_element_type3A_131 = arith.extui %lt3A_130 : i1 to i32
      %cond3A_132 = arith.constant 0 : i32
      %cond3A_133 = arith.cmpi ne, %convert_element_type3A_131, %cond3A_132 : i32
      scf.if %cond3A_133 {
        %add3A_162 = arith.constant 0 : i32
        %add3A_163 = arith.addi %mul3A_75, %add3A_162 : i32
        %add3A_164 = arith.constant 3 : i32
        %add3A_165 = arith.addi %add3A_163, %add3A_164 : i32
        %mul3A_166 = arith.constant 80 : i32
        %mul3A_167 = arith.muli %add3A_165, %mul3A_166 : i32
        %multiple_of3A_168 = tpu.assume_multiple %mul3A_167, 8 : i32
        %dma_start3A_169 = tpu.memref_slice %arg6[%multiple_of3A_168] : memref<10000xi32, #tpu.memory_space<vmem>> -> memref<80xi32, #tpu.memory_space<vmem>>
        %dma_start3A_170 = arith.constant 0 : i32
        %dma_start3A_171 = arith.constant 0 : i32
        %dma_start3A_172 = tpu.memref_slice %arg2[%dma_start3A_170, %dma_start3A_171] : memref<10000x128xf32, #tpu.memory_space<hbm>> -> memref<10000x128xf32, #tpu.memory_space<hbm>>
        tpu.enqueue_indirect_dma source(%dma_start3A_172 : memref<10000x128xf32, #tpu.memory_space<hbm>>) target(%arg8 : memref<80x128xf32, #tpu.memory_space<vmem>>) offsets(%dma_start3A_169 : memref<80xi32, #tpu.memory_space<vmem>>) semaphore(%arg13 : memref<!tpu.dma_semaphore, #tpu.memory_space<semaphore_mem>>)
      } else {
      }
      %dma_wait3A_134 = arith.constant 0 : i32
      %dma_wait3A_135 = tpu.memref_slice %arg7[%dma_wait3A_134] : memref<10000xi32, #tpu.memory_space<vmem>> -> memref<80xi32, #tpu.memory_space<vmem>>
      %dma_wait3A_136 = arith.constant 0 : i32
      %dma_wait3A_137 = arith.constant 0 : i32
      %dma_wait3A_138 = tpu.memref_slice %arg19[%dma_wait3A_136, %dma_wait3A_137] : memref<10000x128xf32, #tpu.memory_space<vmem_shared>> -> memref<10000x128xf32, #tpu.memory_space<vmem_shared>>
      tpu.wait_indirect_dma semaphore(%arg17 : memref<!tpu.dma_semaphore, #tpu.memory_space<semaphore_mem>>) src(%arg9 : memref<80x128xf32, #tpu.memory_space<vmem>>) dst(%dma_wait3A_138 : memref<10000x128xf32, #tpu.memory_space<vmem_shared>>)
      %add3A_139 = arith.constant 1 : i32
      %add3A_140 = arith.addi %mul3A_75, %add3A_139 : i32
      %add3A_141 = arith.constant 3 : i32
      %add3A_142 = arith.addi %add3A_140, %add3A_141 : i32
      %lt3A_143 = arith.constant 125 : i32
      %lt3A_144 = arith.cmpi slt, %add3A_142, %lt3A_143 : i32
      %convert_element_type3A_145 = arith.extui %lt3A_144 : i1 to i32
      %cond3A_146 = arith.constant 0 : i32
      %cond3A_147 = arith.cmpi ne, %convert_element_type3A_145, %cond3A_146 : i32
      scf.if %cond3A_147 {
        %add3A_162 = arith.constant 1 : i32
        %add3A_163 = arith.addi %mul3A_75, %add3A_162 : i32
        %add3A_164 = arith.constant 3 : i32
        %add3A_165 = arith.addi %add3A_163, %add3A_164 : i32
        %mul3A_166 = arith.constant 80 : i32
        %mul3A_167 = arith.muli %add3A_165, %mul3A_166 : i32
        %multiple_of3A_168 = tpu.assume_multiple %mul3A_167, 8 : i32
        %dma_start3A_169 = tpu.memref_slice %arg6[%multiple_of3A_168] : memref<10000xi32, #tpu.memory_space<vmem>> -> memref<80xi32, #tpu.memory_space<vmem>>
        %dma_start3A_170 = arith.constant 0 : i32
        %dma_start3A_171 = arith.constant 0 : i32
        %dma_start3A_172 = tpu.memref_slice %arg2[%dma_start3A_170, %dma_start3A_171] : memref<10000x128xf32, #tpu.memory_space<hbm>> -> memref<10000x128xf32, #tpu.memory_space<hbm>>
        tpu.enqueue_indirect_dma source(%dma_start3A_172 : memref<10000x128xf32, #tpu.memory_space<hbm>>) target(%arg9 : memref<80x128xf32, #tpu.memory_space<vmem>>) offsets(%dma_start3A_169 : memref<80xi32, #tpu.memory_space<vmem>>) semaphore(%arg14 : memref<!tpu.dma_semaphore, #tpu.memory_space<semaphore_mem>>)
      } else {
      }
      %dma_wait3A_148 = arith.constant 0 : i32
      %dma_wait3A_149 = tpu.memref_slice %arg7[%dma_wait3A_148] : memref<10000xi32, #tpu.memory_space<vmem>> -> memref<80xi32, #tpu.memory_space<vmem>>
      %dma_wait3A_150 = arith.constant 0 : i32
      %dma_wait3A_151 = arith.constant 0 : i32
      %dma_wait3A_152 = tpu.memref_slice %arg19[%dma_wait3A_150, %dma_wait3A_151] : memref<10000x128xf32, #tpu.memory_space<vmem_shared>> -> memref<10000x128xf32, #tpu.memory_space<vmem_shared>>
      tpu.wait_indirect_dma semaphore(%arg18 : memref<!tpu.dma_semaphore, #tpu.memory_space<semaphore_mem>>) src(%arg10 : memref<80x128xf32, #tpu.memory_space<vmem>>) dst(%dma_wait3A_152 : memref<10000x128xf32, #tpu.memory_space<vmem_shared>>)
      %add3A_153 = arith.constant 2 : i32
      %add3A_154 = arith.addi %mul3A_75, %add3A_153 : i32
      %add3A_155 = arith.constant 3 : i32
      %add3A_156 = arith.addi %add3A_154, %add3A_155 : i32
      %lt3A_157 = arith.constant 125 : i32
      %lt3A_158 = arith.cmpi slt, %add3A_156, %lt3A_157 : i32
      %convert_element_type3A_159 = arith.extui %lt3A_158 : i1 to i32
      %cond3A_160 = arith.constant 0 : i32
      %cond3A_161 = arith.cmpi ne, %convert_element_type3A_159, %cond3A_160 : i32
      scf.if %cond3A_161 {
        %add3A_162 = arith.constant 2 : i32
        %add3A_163 = arith.addi %mul3A_75, %add3A_162 : i32
        %add3A_164 = arith.constant 3 : i32
        %add3A_165 = arith.addi %add3A_163, %add3A_164 : i32
        %mul3A_166 = arith.constant 80 : i32
        %mul3A_167 = arith.muli %add3A_165, %mul3A_166 : i32
        %multiple_of3A_168 = tpu.assume_multiple %mul3A_167, 8 : i32
        %dma_start3A_169 = tpu.memref_slice %arg6[%multiple_of3A_168] : memref<10000xi32, #tpu.memory_space<vmem>> -> memref<80xi32, #tpu.memory_space<vmem>>
        %dma_start3A_170 = arith.constant 0 : i32
        %dma_start3A_171 = arith.constant 0 : i32
        %dma_start3A_172 = tpu.memref_slice %arg2[%dma_start3A_170, %dma_start3A_171] : memref<10000x128xf32, #tpu.memory_space<hbm>> -> memref<10000x128xf32, #tpu.memory_space<hbm>>
        tpu.enqueue_indirect_dma source(%dma_start3A_172 : memref<10000x128xf32, #tpu.memory_space<hbm>>) target(%arg10 : memref<80x128xf32, #tpu.memory_space<vmem>>) offsets(%dma_start3A_169 : memref<80xi32, #tpu.memory_space<vmem>>) semaphore(%arg15 : memref<!tpu.dma_semaphore, #tpu.memory_space<semaphore_mem>>)
      } else {
      }
    }
    %scan3A_50 = arith.constant 41 : i32
    %multiple_of3A_51 = arith.constant 0 : i32
    %multiple_of3A_52 = tpu.assume_multiple %multiple_of3A_51, 8 : i32
    %dma_wait3A_53 = tpu.memref_slice %arg6[%multiple_of3A_52] : memref<10000xi32, #tpu.memory_space<vmem>> -> memref<80xi32, #tpu.memory_space<vmem>>
    %dma_wait3A_54 = arith.constant 0 : i32
    %dma_wait3A_55 = arith.constant 0 : i32
    %dma_wait3A_56 = tpu.memref_slice %arg2[%dma_wait3A_54, %dma_wait3A_55] : memref<10000x128xf32, #tpu.memory_space<hbm>> -> memref<10000x128xf32, #tpu.memory_space<hbm>>
    tpu.wait_indirect_dma semaphore(%arg13 : memref<!tpu.dma_semaphore, #tpu.memory_space<semaphore_mem>>) src(%dma_wait3A_56 : memref<10000x128xf32, #tpu.memory_space<hbm>>) dst(%arg8 : memref<80x128xf32, #tpu.memory_space<vmem>>)
    "tpu.region"() ({
      %run_scoped3A = tpu.sem_alloc : memref<!tpu.dma_semaphore, #tpu.memory_space<semaphore_mem>>
      %dma_start3A_73 = arith.constant 9840 : i32
      %dma_start3A_74 = tpu.memref_slice %arg7[%dma_start3A_73] : memref<10000xi32, #tpu.memory_space<vmem>> -> memref<80xi32, #tpu.memory_space<vmem>>
      %dma_start3A_75 = arith.constant 0 : i32
      %dma_start3A_76 = arith.constant 0 : i32
      %dma_start3A_77 = tpu.memref_slice %arg19[%dma_start3A_75, %dma_start3A_76] : memref<10000x128xf32, #tpu.memory_space<vmem_shared>> -> memref<10000x128xf32, #tpu.memory_space<vmem_shared>>
      tpu.enqueue_indirect_dma source(%arg8 : memref<80x128xf32, #tpu.memory_space<vmem>>) target(%dma_start3A_77 : memref<10000x128xf32, #tpu.memory_space<vmem_shared>>) offsets(%dma_start3A_74 : memref<80xi32, #tpu.memory_space<vmem>>) semaphore(%run_scoped3A : memref<!tpu.dma_semaphore, #tpu.memory_space<semaphore_mem>>) {add = true}
      %dma_wait3A_78 = arith.constant 9840 : i32
      %dma_wait3A_79 = tpu.memref_slice %arg7[%dma_wait3A_78] : memref<10000xi32, #tpu.memory_space<vmem>> -> memref<80xi32, #tpu.memory_space<vmem>>
      %dma_wait3A_80 = arith.constant 0 : i32
      %dma_wait3A_81 = arith.constant 0 : i32
      %dma_wait3A_82 = tpu.memref_slice %arg19[%dma_wait3A_80, %dma_wait3A_81] : memref<10000x128xf32, #tpu.memory_space<vmem_shared>> -> memref<10000x128xf32, #tpu.memory_space<vmem_shared>>
      tpu.wait_indirect_dma semaphore(%run_scoped3A : memref<!tpu.dma_semaphore, #tpu.memory_space<semaphore_mem>>) src(%arg8 : memref<80x128xf32, #tpu.memory_space<vmem>>) dst(%dma_wait3A_82 : memref<10000x128xf32, #tpu.memory_space<vmem_shared>>)
      tpu.yield
    }) : () -> ()
    %multiple_of3A_57 = arith.constant 0 : i32
    %multiple_of3A_58 = tpu.assume_multiple %multiple_of3A_57, 8 : i32
    %dma_wait3A_59 = tpu.memref_slice %arg6[%multiple_of3A_58] : memref<10000xi32, #tpu.memory_space<vmem>> -> memref<80xi32, #tpu.memory_space<vmem>>
    %dma_wait3A_60 = arith.constant 0 : i32
    %dma_wait3A_61 = arith.constant 0 : i32
    %dma_wait3A_62 = tpu.memref_slice %arg2[%dma_wait3A_60, %dma_wait3A_61] : memref<10000x128xf32, #tpu.memory_space<hbm>> -> memref<10000x128xf32, #tpu.memory_space<hbm>>
    tpu.wait_indirect_dma semaphore(%arg14 : memref<!tpu.dma_semaphore, #tpu.memory_space<semaphore_mem>>) src(%dma_wait3A_62 : memref<10000x128xf32, #tpu.memory_space<hbm>>) dst(%arg9 : memref<80x128xf32, #tpu.memory_space<vmem>>)
    "tpu.region"() ({
      %run_scoped3A = tpu.sem_alloc : memref<!tpu.dma_semaphore, #tpu.memory_space<semaphore_mem>>
      %dma_start3A_73 = arith.constant 9920 : i32
      %dma_start3A_74 = tpu.memref_slice %arg7[%dma_start3A_73] : memref<10000xi32, #tpu.memory_space<vmem>> -> memref<80xi32, #tpu.memory_space<vmem>>
      %dma_start3A_75 = arith.constant 0 : i32
      %dma_start3A_76 = arith.constant 0 : i32
      %dma_start3A_77 = tpu.memref_slice %arg19[%dma_start3A_75, %dma_start3A_76] : memref<10000x128xf32, #tpu.memory_space<vmem_shared>> -> memref<10000x128xf32, #tpu.memory_space<vmem_shared>>
      tpu.enqueue_indirect_dma source(%arg9 : memref<80x128xf32, #tpu.memory_space<vmem>>) target(%dma_start3A_77 : memref<10000x128xf32, #tpu.memory_space<vmem_shared>>) offsets(%dma_start3A_74 : memref<80xi32, #tpu.memory_space<vmem>>) semaphore(%run_scoped3A : memref<!tpu.dma_semaphore, #tpu.memory_space<semaphore_mem>>) {add = true}
      %dma_wait3A_78 = arith.constant 9920 : i32
      %dma_wait3A_79 = tpu.memref_slice %arg7[%dma_wait3A_78] : memref<10000xi32, #tpu.memory_space<vmem>> -> memref<80xi32, #tpu.memory_space<vmem>>
      %dma_wait3A_80 = arith.constant 0 : i32
      %dma_wait3A_81 = arith.constant 0 : i32
      %dma_wait3A_82 = tpu.memref_slice %arg19[%dma_wait3A_80, %dma_wait3A_81] : memref<10000x128xf32, #tpu.memory_space<vmem_shared>> -> memref<10000x128xf32, #tpu.memory_space<vmem_shared>>
      tpu.wait_indirect_dma semaphore(%run_scoped3A : memref<!tpu.dma_semaphore, #tpu.memory_space<semaphore_mem>>) src(%arg9 : memref<80x128xf32, #tpu.memory_space<vmem>>) dst(%dma_wait3A_82 : memref<10000x128xf32, #tpu.memory_space<vmem_shared>>)
      tpu.yield
    }) : () -> ()
    %barrier3A_63 = arith.constant 0 : index
    tpu.barrier barrier_id(%barrier3A_63)
    %mul3A_64 = arith.constant 624 : i32
    %mul3A_65 = arith.muli %arg1, %mul3A_64 : i32
    %mul3A_66 = arith.constant 624 : i32
    %mul3A_67 = arith.muli %arg1, %mul3A_66 : i32
    "tpu.region"() ({
      %run_scoped3A = tpu.sem_alloc : memref<!tpu.dma_semaphore, #tpu.memory_space<semaphore_mem>>
      %dma_start3A_73 = arith.constant 0 : i32
      %dma_start3A_74 = tpu.memref_slice %arg5[%arg0, %mul3A_67, %dma_start3A_73] : memref<2x10000x128xf32, #tpu.memory_space<hbm>> -> memref<1x624x128xf32, #tpu.memory_space<hbm>>
      %dma_start3A_75 = tpu.memref_squeeze %dma_start3A_74 : memref<1x624x128xf32, #tpu.memory_space<hbm>> -> memref<624x128xf32, #tpu.memory_space<hbm>>
      %dma_start3A_76 = arith.constant 0 : i32
      %dma_start3A_77 = tpu.memref_slice %arg19[%mul3A_65, %dma_start3A_76] : memref<10000x128xf32, #tpu.memory_space<vmem_shared>> -> memref<624x128xf32, #tpu.memory_space<vmem_shared>>
      tpu.enqueue_dma source(%dma_start3A_77 : memref<624x128xf32, #tpu.memory_space<vmem_shared>>) target(%dma_start3A_75 : memref<624x128xf32, #tpu.memory_space<hbm>>) target_semaphore(%run_scoped3A : memref<!tpu.dma_semaphore, #tpu.memory_space<semaphore_mem>>)
      %dma_wait3A_78 = arith.constant 0 : i32
      %dma_wait3A_79 = tpu.memref_slice %arg5[%arg0, %mul3A_67, %dma_wait3A_78] : memref<2x10000x128xf32, #tpu.memory_space<hbm>> -> memref<1x624x128xf32, #tpu.memory_space<hbm>>
      %dma_wait3A_80 = tpu.memref_squeeze %dma_wait3A_79 : memref<1x624x128xf32, #tpu.memory_space<hbm>> -> memref<624x128xf32, #tpu.memory_space<hbm>>
      %dma_wait3A_81 = arith.constant 0 : i32
      %dma_wait3A_82 = tpu.memref_slice %arg19[%mul3A_65, %dma_wait3A_81] : memref<10000x128xf32, #tpu.memory_space<vmem_shared>> -> memref<624x128xf32, #tpu.memory_space<vmem_shared>>
      tpu.wait_dma2 semaphore(%run_scoped3A : memref<!tpu.dma_semaphore, #tpu.memory_space<semaphore_mem>>) src(%dma_wait3A_82 : memref<624x128xf32, #tpu.memory_space<vmem_shared>>) dst(%dma_wait3A_80 : memref<624x128xf32, #tpu.memory_space<hbm>>)
      tpu.yield
    }) : () -> ()
    %eq3A_68 = arith.constant 0 : i32
    %eq3A_69 = arith.cmpi eq, %arg1, %eq3A_68 : i32
    %convert_element_type3A_70 = arith.extui %eq3A_69 : i1 to i32
    %cond3A_71 = arith.constant 0 : i32
    %cond3A_72 = arith.cmpi ne, %convert_element_type3A_70, %cond3A_71 : i32
    scf.if %cond3A_72 {
      "tpu.region"() ({
        %run_scoped3A = tpu.sem_alloc : memref<!tpu.dma_semaphore, #tpu.memory_space<semaphore_mem>>
        %dma_start3A_73 = arith.constant 9984 : i32
        %dma_start3A_74 = arith.constant 0 : i32
        %dma_start3A_75 = tpu.memref_slice %arg5[%arg0, %dma_start3A_73, %dma_start3A_74] : memref<2x10000x128xf32, #tpu.memory_space<hbm>> -> memref<1x16x128xf32, #tpu.memory_space<hbm>>
        %dma_start3A_76 = tpu.memref_squeeze %dma_start3A_75 : memref<1x16x128xf32, #tpu.memory_space<hbm>> -> memref<16x128xf32, #tpu.memory_space<hbm>>
        %dma_start3A_77 = arith.constant 9984 : i32
        %dma_start3A_78 = arith.constant 0 : i32
        %dma_start3A_79 = tpu.memref_slice %arg19[%dma_start3A_77, %dma_start3A_78] : memref<10000x128xf32, #tpu.memory_space<vmem_shared>> -> memref<16x128xf32, #tpu.memory_space<vmem_shared>>
        tpu.enqueue_dma source(%dma_start3A_79 : memref<16x128xf32, #tpu.memory_space<vmem_shared>>) target(%dma_start3A_76 : memref<16x128xf32, #tpu.memory_space<hbm>>) target_semaphore(%run_scoped3A : memref<!tpu.dma_semaphore, #tpu.memory_space<semaphore_mem>>)
        %dma_wait3A_80 = arith.constant 9984 : i32
        %dma_wait3A_81 = arith.constant 0 : i32
        %dma_wait3A_82 = tpu.memref_slice %arg5[%arg0, %dma_wait3A_80, %dma_wait3A_81] : memref<2x10000x128xf32, #tpu.memory_space<hbm>> -> memref<1x16x128xf32, #tpu.memory_space<hbm>>
        %dma_wait3A_83 = tpu.memref_squeeze %dma_wait3A_82 : memref<1x16x128xf32, #tpu.memory_space<hbm>> -> memref<16x128xf32, #tpu.memory_space<hbm>>
        %dma_wait3A_84 = arith.constant 9984 : i32
        %dma_wait3A_85 = arith.constant 0 : i32
        %dma_wait3A_86 = tpu.memref_slice %arg19[%dma_wait3A_84, %dma_wait3A_85] : memref<10000x128xf32, #tpu.memory_space<vmem_shared>> -> memref<16x128xf32, #tpu.memory_space<vmem_shared>>
        tpu.wait_dma2 semaphore(%run_scoped3A : memref<!tpu.dma_semaphore, #tpu.memory_space<semaphore_mem>>) src(%dma_wait3A_86 : memref<16x128xf32, #tpu.memory_space<vmem_shared>>) dst(%dma_wait3A_83 : memref<16x128xf32, #tpu.memory_space<hbm>>)
        tpu.yield
      }) : () -> ()
    } else {
    }
    return
  }
}

#map = affine_map<(d0, d1) -> (0, 0)>
#map1 = affine_map<(d0, d1) -> (0, 0, 0)>
module attributes {stable_mosaic.version = 14 : i64} {
  func.func @_sc_deg_body(%arg0: i32, %arg1: i32, %arg2: memref<10000x16xf32, #tpu.memory_space<hbm>>, %arg3: memref<32x125x80xi32, #tpu.memory_space<hbm>>, %arg4: memref<2x10000x16xf32, #tpu.memory_space<hbm>>, %arg5: memref<125x80xi32, #tpu.memory_space<vmem>>, %arg6: memref<80x16xf32, #tpu.memory_space<vmem>>, %arg7: memref<10000x16xf32, #tpu.memory_space<vmem_shared>>, %arg8: memref<!tpu.dma_semaphore, #tpu.memory_space<semaphore_mem>>, %arg9: memref<!tpu.dma_semaphore, #tpu.memory_space<semaphore_mem>>, %arg10: memref<!tpu.dma_semaphore, #tpu.memory_space<semaphore_mem>>, %arg11: memref<!tpu.dma_semaphore, #tpu.memory_space<semaphore_mem>>, %arg12: memref<!tpu.dma_semaphore, #tpu.memory_space<semaphore_mem>>) attributes {dimension_semantics = [#tpu.dimension_semantics<core_parallel>, #tpu.dimension_semantics<subcore_parallel>], iteration_bounds = array<i64: 2, 16>, scalar_prefetch = 0 : i64, scratch_operands = 8 : i64, tpu.core_type = #tpu.core_type<sc_vector_subcore>, window_params = [{transform_indices = #map}, {transform_indices = #map1}, {transform_indices = #map1}]} {
    %mul3A = arith.constant 16 : i32
    %mul3A_0 = arith.muli %arg0, %mul3A : i32
    %add3A = arith.addi %mul3A_0, %arg1 : i32
    %dma_start3A = arith.constant 0 : i32
    %dma_start3A_1 = arith.constant 0 : i32
    %dma_start3A_2 = tpu.memref_slice %arg3[%add3A, %dma_start3A, %dma_start3A_1] : memref<32x125x80xi32, #tpu.memory_space<hbm>> -> memref<1x125x80xi32, #tpu.memory_space<hbm>>
    %dma_start3A_3 = tpu.memref_squeeze %dma_start3A_2 : memref<1x125x80xi32, #tpu.memory_space<hbm>> -> memref<125x80xi32, #tpu.memory_space<hbm>>
    %dma_start3A_4 = arith.constant 0 : i32
    %dma_start3A_5 = arith.constant 0 : i32
    %dma_start3A_6 = tpu.memref_slice %arg3[%add3A, %dma_start3A_4, %dma_start3A_5] : memref<32x125x80xi32, #tpu.memory_space<hbm>> -> memref<1x125x80xi32, #tpu.memory_space<hbm>>
    %dma_start3A_7 = tpu.memref_squeeze %dma_start3A_6 : memref<1x125x80xi32, #tpu.memory_space<hbm>> -> memref<125x80xi32, #tpu.memory_space<hbm>>
    tpu.enqueue_dma source(%dma_start3A_7 : memref<125x80xi32, #tpu.memory_space<hbm>>) target(%arg5 : memref<125x80xi32, #tpu.memory_space<vmem>>) target_semaphore(%arg8 : memref<!tpu.dma_semaphore, #tpu.memory_space<semaphore_mem>>)
    %mul3A_8 = arith.constant 624 : i32
    %mul3A_9 = arith.muli %arg1, %mul3A_8 : i32
    %mul3A_10 = arith.constant 624 : i32
    %mul3A_11 = arith.muli %arg1, %mul3A_10 : i32
    "tpu.region"() ({
      %run_scoped3A = tpu.sem_alloc : memref<!tpu.dma_semaphore, #tpu.memory_space<semaphore_mem>>
      %dma_start3A_50 = arith.constant 0 : i32
      %dma_start3A_51 = tpu.memref_slice %arg7[%mul3A_11, %dma_start3A_50] : memref<10000x16xf32, #tpu.memory_space<vmem_shared>> -> memref<624x16xf32, #tpu.memory_space<vmem_shared>>
      %dma_start3A_52 = arith.constant 0 : i32
      %dma_start3A_53 = tpu.memref_slice %arg2[%mul3A_9, %dma_start3A_52] : memref<10000x16xf32, #tpu.memory_space<hbm>> -> memref<624x16xf32, #tpu.memory_space<hbm>>
      tpu.enqueue_dma source(%dma_start3A_53 : memref<624x16xf32, #tpu.memory_space<hbm>>) target(%dma_start3A_51 : memref<624x16xf32, #tpu.memory_space<vmem_shared>>) target_semaphore(%run_scoped3A : memref<!tpu.dma_semaphore, #tpu.memory_space<semaphore_mem>>)
      %dma_wait3A_54 = arith.constant 0 : i32
      %dma_wait3A_55 = tpu.memref_slice %arg7[%mul3A_11, %dma_wait3A_54] : memref<10000x16xf32, #tpu.memory_space<vmem_shared>> -> memref<624x16xf32, #tpu.memory_space<vmem_shared>>
      %dma_wait3A_56 = arith.constant 0 : i32
      %dma_wait3A_57 = tpu.memref_slice %arg2[%mul3A_9, %dma_wait3A_56] : memref<10000x16xf32, #tpu.memory_space<hbm>> -> memref<624x16xf32, #tpu.memory_space<hbm>>
      tpu.wait_dma2 semaphore(%run_scoped3A : memref<!tpu.dma_semaphore, #tpu.memory_space<semaphore_mem>>) src(%dma_wait3A_57 : memref<624x16xf32, #tpu.memory_space<hbm>>) dst(%dma_wait3A_55 : memref<624x16xf32, #tpu.memory_space<vmem_shared>>)
      tpu.yield
    }) : () -> ()
    %eq3A = arith.constant 0 : i32
    %eq3A_12 = arith.cmpi eq, %arg1, %eq3A : i32
    %convert_element_type3A = arith.extui %eq3A_12 : i1 to i32
    %cond3A = arith.constant 0 : i32
    %cond3A_13 = arith.cmpi ne, %convert_element_type3A, %cond3A : i32
    scf.if %cond3A_13 {
      "tpu.region"() ({
        %run_scoped3A = tpu.sem_alloc : memref<!tpu.dma_semaphore, #tpu.memory_space<semaphore_mem>>
        %dma_start3A_50 = arith.constant 9984 : i32
        %dma_start3A_51 = arith.constant 0 : i32
        %dma_start3A_52 = tpu.memref_slice %arg7[%dma_start3A_50, %dma_start3A_51] : memref<10000x16xf32, #tpu.memory_space<vmem_shared>> -> memref<16x16xf32, #tpu.memory_space<vmem_shared>>
        %dma_start3A_53 = arith.constant 9984 : i32
        %dma_start3A_54 = arith.constant 0 : i32
        %dma_start3A_55 = tpu.memref_slice %arg2[%dma_start3A_53, %dma_start3A_54] : memref<10000x16xf32, #tpu.memory_space<hbm>> -> memref<16x16xf32, #tpu.memory_space<hbm>>
        tpu.enqueue_dma source(%dma_start3A_55 : memref<16x16xf32, #tpu.memory_space<hbm>>) target(%dma_start3A_52 : memref<16x16xf32, #tpu.memory_space<vmem_shared>>) target_semaphore(%run_scoped3A : memref<!tpu.dma_semaphore, #tpu.memory_space<semaphore_mem>>)
        %dma_wait3A_56 = arith.constant 9984 : i32
        %dma_wait3A_57 = arith.constant 0 : i32
        %dma_wait3A_58 = tpu.memref_slice %arg7[%dma_wait3A_56, %dma_wait3A_57] : memref<10000x16xf32, #tpu.memory_space<vmem_shared>> -> memref<16x16xf32, #tpu.memory_space<vmem_shared>>
        %dma_wait3A_59 = arith.constant 9984 : i32
        %dma_wait3A_60 = arith.constant 0 : i32
        %dma_wait3A_61 = tpu.memref_slice %arg2[%dma_wait3A_59, %dma_wait3A_60] : memref<10000x16xf32, #tpu.memory_space<hbm>> -> memref<16x16xf32, #tpu.memory_space<hbm>>
        tpu.wait_dma2 semaphore(%run_scoped3A : memref<!tpu.dma_semaphore, #tpu.memory_space<semaphore_mem>>) src(%dma_wait3A_61 : memref<16x16xf32, #tpu.memory_space<hbm>>) dst(%dma_wait3A_58 : memref<16x16xf32, #tpu.memory_space<vmem_shared>>)
        tpu.yield
      }) : () -> ()
    } else {
    }
    "tpu.region"() ({
      %run_scoped3A = tpu.sem_alloc : memref<!tpu.dma_semaphore, #tpu.memory_space<semaphore_mem>>
      %dma_start3A_50 = arith.constant 0 : i32
      %dma_start3A_51 = arith.constant 0 : i32
      %dma_start3A_52 = tpu.memref_slice %arg2[%dma_start3A_50, %dma_start3A_51] : memref<10000x16xf32, #tpu.memory_space<hbm>> -> memref<80x16xf32, #tpu.memory_space<hbm>>
      %dma_start3A_53 = arith.constant 0 : i32
      %dma_start3A_54 = arith.constant 0 : i32
      %dma_start3A_55 = tpu.memref_slice %arg2[%dma_start3A_53, %dma_start3A_54] : memref<10000x16xf32, #tpu.memory_space<hbm>> -> memref<80x16xf32, #tpu.memory_space<hbm>>
      tpu.enqueue_dma source(%dma_start3A_55 : memref<80x16xf32, #tpu.memory_space<hbm>>) target(%arg6 : memref<80x16xf32, #tpu.memory_space<vmem>>) target_semaphore(%run_scoped3A : memref<!tpu.dma_semaphore, #tpu.memory_space<semaphore_mem>>)
      %dma_wait3A_56 = arith.constant 0 : i32
      %dma_wait3A_57 = arith.constant 0 : i32
      %dma_wait3A_58 = tpu.memref_slice %arg2[%dma_wait3A_56, %dma_wait3A_57] : memref<10000x16xf32, #tpu.memory_space<hbm>> -> memref<80x16xf32, #tpu.memory_space<hbm>>
      %dma_wait3A_59 = arith.constant 0 : i32
      %dma_wait3A_60 = arith.constant 0 : i32
      %dma_wait3A_61 = tpu.memref_slice %arg2[%dma_wait3A_59, %dma_wait3A_60] : memref<10000x16xf32, #tpu.memory_space<hbm>> -> memref<80x16xf32, #tpu.memory_space<hbm>>
      tpu.wait_dma2 semaphore(%run_scoped3A : memref<!tpu.dma_semaphore, #tpu.memory_space<semaphore_mem>>) src(%dma_wait3A_61 : memref<80x16xf32, #tpu.memory_space<hbm>>) dst(%arg6 : memref<80x16xf32, #tpu.memory_space<vmem>>)
      tpu.yield
    }) : () -> ()
    %dma_wait3A = arith.constant 0 : i32
    %dma_wait3A_14 = arith.constant 0 : i32
    %dma_wait3A_15 = tpu.memref_slice %arg3[%add3A, %dma_wait3A, %dma_wait3A_14] : memref<32x125x80xi32, #tpu.memory_space<hbm>> -> memref<1x125x80xi32, #tpu.memory_space<hbm>>
    %dma_wait3A_16 = tpu.memref_squeeze %dma_wait3A_15 : memref<1x125x80xi32, #tpu.memory_space<hbm>> -> memref<125x80xi32, #tpu.memory_space<hbm>>
    %dma_wait3A_17 = arith.constant 0 : i32
    %dma_wait3A_18 = arith.constant 0 : i32
    %dma_wait3A_19 = tpu.memref_slice %arg3[%add3A, %dma_wait3A_17, %dma_wait3A_18] : memref<32x125x80xi32, #tpu.memory_space<hbm>> -> memref<1x125x80xi32, #tpu.memory_space<hbm>>
    %dma_wait3A_20 = tpu.memref_squeeze %dma_wait3A_19 : memref<1x125x80xi32, #tpu.memory_space<hbm>> -> memref<125x80xi32, #tpu.memory_space<hbm>>
    tpu.wait_dma2 semaphore(%arg8 : memref<!tpu.dma_semaphore, #tpu.memory_space<semaphore_mem>>) src(%dma_wait3A_20 : memref<125x80xi32, #tpu.memory_space<hbm>>) dst(%arg5 : memref<125x80xi32, #tpu.memory_space<vmem>>)
    %barrier3A = arith.constant 0 : index
    tpu.barrier barrier_id(%barrier3A)
    %scan3A = arith.constant 0 : i32
    %scan3A_21 = arith.constant 0 : i32
    %scan3A_22 = arith.constant 31 : i32
    %scan3A_23 = arith.addi %scan3A_21, %scan3A_22 : i32
    %scan3A_24 = arith.constant 1 : i32
    scf.for %scan3A_50 = %scan3A_21 to %scan3A_23 step %scan3A_24  : i32 {
      %mul3A_51 = arith.constant 4 : i32
      %mul3A_52 = arith.muli %scan3A_50, %mul3A_51 : i32
      %add3A_53 = arith.constant 0 : i32
      %add3A_54 = arith.addi %mul3A_52, %add3A_53 : i32
      %dma_start3A_55 = arith.constant 0 : i32
      %dma_start3A_56 = tpu.memref_slice %arg5[%add3A_54, %dma_start3A_55] : memref<125x80xi32, #tpu.memory_space<vmem>> -> memref<1x80xi32, #tpu.memory_space<vmem>>
      %dma_start3A_57 = tpu.memref_squeeze %dma_start3A_56 : memref<1x80xi32, #tpu.memory_space<vmem>> -> memref<80xi32, #tpu.memory_space<vmem>>
      %dma_start3A_58 = arith.constant 0 : i32
      %dma_start3A_59 = arith.constant 0 : i32
      %dma_start3A_60 = tpu.memref_slice %arg7[%dma_start3A_58, %dma_start3A_59] : memref<10000x16xf32, #tpu.memory_space<vmem_shared>> -> memref<10000x16xf32, #tpu.memory_space<vmem_shared>>
      tpu.enqueue_indirect_dma source(%arg6 : memref<80x16xf32, #tpu.memory_space<vmem>>) target(%dma_start3A_60 : memref<10000x16xf32, #tpu.memory_space<vmem_shared>>) offsets(%dma_start3A_57 : memref<80xi32, #tpu.memory_space<vmem>>) semaphore(%arg9 : memref<!tpu.dma_semaphore, #tpu.memory_space<semaphore_mem>>) {add = true}
      %add3A_61 = arith.constant 1 : i32
      %add3A_62 = arith.addi %mul3A_52, %add3A_61 : i32
      %dma_start3A_63 = arith.constant 0 : i32
      %dma_start3A_64 = tpu.memref_slice %arg5[%add3A_62, %dma_start3A_63] : memref<125x80xi32, #tpu.memory_space<vmem>> -> memref<1x80xi32, #tpu.memory_space<vmem>>
      %dma_start3A_65 = tpu.memref_squeeze %dma_start3A_64 : memref<1x80xi32, #tpu.memory_space<vmem>> -> memref<80xi32, #tpu.memory_space<vmem>>
      %dma_start3A_66 = arith.constant 0 : i32
      %dma_start3A_67 = arith.constant 0 : i32
      %dma_start3A_68 = tpu.memref_slice %arg7[%dma_start3A_66, %dma_start3A_67] : memref<10000x16xf32, #tpu.memory_space<vmem_shared>> -> memref<10000x16xf32, #tpu.memory_space<vmem_shared>>
      tpu.enqueue_indirect_dma source(%arg6 : memref<80x16xf32, #tpu.memory_space<vmem>>) target(%dma_start3A_68 : memref<10000x16xf32, #tpu.memory_space<vmem_shared>>) offsets(%dma_start3A_65 : memref<80xi32, #tpu.memory_space<vmem>>) semaphore(%arg10 : memref<!tpu.dma_semaphore, #tpu.memory_space<semaphore_mem>>) {add = true}
      %add3A_69 = arith.constant 2 : i32
      %add3A_70 = arith.addi %mul3A_52, %add3A_69 : i32
      %dma_start3A_71 = arith.constant 0 : i32
      %dma_start3A_72 = tpu.memref_slice %arg5[%add3A_70, %dma_start3A_71] : memref<125x80xi32, #tpu.memory_space<vmem>> -> memref<1x80xi32, #tpu.memory_space<vmem>>
      %dma_start3A_73 = tpu.memref_squeeze %dma_start3A_72 : memref<1x80xi32, #tpu.memory_space<vmem>> -> memref<80xi32, #tpu.memory_space<vmem>>
      %dma_start3A_74 = arith.constant 0 : i32
      %dma_start3A_75 = arith.constant 0 : i32
      %dma_start3A_76 = tpu.memref_slice %arg7[%dma_start3A_74, %dma_start3A_75] : memref<10000x16xf32, #tpu.memory_space<vmem_shared>> -> memref<10000x16xf32, #tpu.memory_space<vmem_shared>>
      tpu.enqueue_indirect_dma source(%arg6 : memref<80x16xf32, #tpu.memory_space<vmem>>) target(%dma_start3A_76 : memref<10000x16xf32, #tpu.memory_space<vmem_shared>>) offsets(%dma_start3A_73 : memref<80xi32, #tpu.memory_space<vmem>>) semaphore(%arg11 : memref<!tpu.dma_semaphore, #tpu.memory_space<semaphore_mem>>) {add = true}
      %add3A_77 = arith.constant 3 : i32
      %add3A_78 = arith.addi %mul3A_52, %add3A_77 : i32
      %dma_start3A_79 = arith.constant 0 : i32
      %dma_start3A_80 = tpu.memref_slice %arg5[%add3A_78, %dma_start3A_79] : memref<125x80xi32, #tpu.memory_space<vmem>> -> memref<1x80xi32, #tpu.memory_space<vmem>>
      %dma_start3A_81 = tpu.memref_squeeze %dma_start3A_80 : memref<1x80xi32, #tpu.memory_space<vmem>> -> memref<80xi32, #tpu.memory_space<vmem>>
      %dma_start3A_82 = arith.constant 0 : i32
      %dma_start3A_83 = arith.constant 0 : i32
      %dma_start3A_84 = tpu.memref_slice %arg7[%dma_start3A_82, %dma_start3A_83] : memref<10000x16xf32, #tpu.memory_space<vmem_shared>> -> memref<10000x16xf32, #tpu.memory_space<vmem_shared>>
      tpu.enqueue_indirect_dma source(%arg6 : memref<80x16xf32, #tpu.memory_space<vmem>>) target(%dma_start3A_84 : memref<10000x16xf32, #tpu.memory_space<vmem_shared>>) offsets(%dma_start3A_81 : memref<80xi32, #tpu.memory_space<vmem>>) semaphore(%arg12 : memref<!tpu.dma_semaphore, #tpu.memory_space<semaphore_mem>>) {add = true}
      %dma_wait3A_85 = arith.constant 0 : i32
      %dma_wait3A_86 = tpu.memref_slice %arg5[%add3A_54, %dma_wait3A_85] : memref<125x80xi32, #tpu.memory_space<vmem>> -> memref<1x80xi32, #tpu.memory_space<vmem>>
      %dma_wait3A_87 = tpu.memref_squeeze %dma_wait3A_86 : memref<1x80xi32, #tpu.memory_space<vmem>> -> memref<80xi32, #tpu.memory_space<vmem>>
      %dma_wait3A_88 = arith.constant 0 : i32
      %dma_wait3A_89 = arith.constant 0 : i32
      %dma_wait3A_90 = tpu.memref_slice %arg7[%dma_wait3A_88, %dma_wait3A_89] : memref<10000x16xf32, #tpu.memory_space<vmem_shared>> -> memref<10000x16xf32, #tpu.memory_space<vmem_shared>>
      tpu.wait_indirect_dma semaphore(%arg9 : memref<!tpu.dma_semaphore, #tpu.memory_space<semaphore_mem>>) src(%arg6 : memref<80x16xf32, #tpu.memory_space<vmem>>) dst(%dma_wait3A_90 : memref<10000x16xf32, #tpu.memory_space<vmem_shared>>)
      %dma_wait3A_91 = arith.constant 0 : i32
      %dma_wait3A_92 = tpu.memref_slice %arg5[%add3A_62, %dma_wait3A_91] : memref<125x80xi32, #tpu.memory_space<vmem>> -> memref<1x80xi32, #tpu.memory_space<vmem>>
      %dma_wait3A_93 = tpu.memref_squeeze %dma_wait3A_92 : memref<1x80xi32, #tpu.memory_space<vmem>> -> memref<80xi32, #tpu.memory_space<vmem>>
      %dma_wait3A_94 = arith.constant 0 : i32
      %dma_wait3A_95 = arith.constant 0 : i32
      %dma_wait3A_96 = tpu.memref_slice %arg7[%dma_wait3A_94, %dma_wait3A_95] : memref<10000x16xf32, #tpu.memory_space<vmem_shared>> -> memref<10000x16xf32, #tpu.memory_space<vmem_shared>>
      tpu.wait_indirect_dma semaphore(%arg10 : memref<!tpu.dma_semaphore, #tpu.memory_space<semaphore_mem>>) src(%arg6 : memref<80x16xf32, #tpu.memory_space<vmem>>) dst(%dma_wait3A_96 : memref<10000x16xf32, #tpu.memory_space<vmem_shared>>)
      %dma_wait3A_97 = arith.constant 0 : i32
      %dma_wait3A_98 = tpu.memref_slice %arg5[%add3A_70, %dma_wait3A_97] : memref<125x80xi32, #tpu.memory_space<vmem>> -> memref<1x80xi32, #tpu.memory_space<vmem>>
      %dma_wait3A_99 = tpu.memref_squeeze %dma_wait3A_98 : memref<1x80xi32, #tpu.memory_space<vmem>> -> memref<80xi32, #tpu.memory_space<vmem>>
      %dma_wait3A_100 = arith.constant 0 : i32
      %dma_wait3A_101 = arith.constant 0 : i32
      %dma_wait3A_102 = tpu.memref_slice %arg7[%dma_wait3A_100, %dma_wait3A_101] : memref<10000x16xf32, #tpu.memory_space<vmem_shared>> -> memref<10000x16xf32, #tpu.memory_space<vmem_shared>>
      tpu.wait_indirect_dma semaphore(%arg11 : memref<!tpu.dma_semaphore, #tpu.memory_space<semaphore_mem>>) src(%arg6 : memref<80x16xf32, #tpu.memory_space<vmem>>) dst(%dma_wait3A_102 : memref<10000x16xf32, #tpu.memory_space<vmem_shared>>)
      %dma_wait3A_103 = arith.constant 0 : i32
      %dma_wait3A_104 = tpu.memref_slice %arg5[%add3A_78, %dma_wait3A_103] : memref<125x80xi32, #tpu.memory_space<vmem>> -> memref<1x80xi32, #tpu.memory_space<vmem>>
      %dma_wait3A_105 = tpu.memref_squeeze %dma_wait3A_104 : memref<1x80xi32, #tpu.memory_space<vmem>> -> memref<80xi32, #tpu.memory_space<vmem>>
      %dma_wait3A_106 = arith.constant 0 : i32
      %dma_wait3A_107 = arith.constant 0 : i32
      %dma_wait3A_108 = tpu.memref_slice %arg7[%dma_wait3A_106, %dma_wait3A_107] : memref<10000x16xf32, #tpu.memory_space<vmem_shared>> -> memref<10000x16xf32, #tpu.memory_space<vmem_shared>>
      tpu.wait_indirect_dma semaphore(%arg12 : memref<!tpu.dma_semaphore, #tpu.memory_space<semaphore_mem>>) src(%arg6 : memref<80x16xf32, #tpu.memory_space<vmem>>) dst(%dma_wait3A_108 : memref<10000x16xf32, #tpu.memory_space<vmem_shared>>)
    }
    %scan3A_25 = arith.constant 31 : i32
    %dma_start3A_26 = arith.constant 124 : i32
    %dma_start3A_27 = arith.constant 0 : i32
    %dma_start3A_28 = tpu.memref_slice %arg5[%dma_start3A_26, %dma_start3A_27] : memref<125x80xi32, #tpu.memory_space<vmem>> -> memref<1x80xi32, #tpu.memory_space<vmem>>
    %dma_start3A_29 = tpu.memref_squeeze %dma_start3A_28 : memref<1x80xi32, #tpu.memory_space<vmem>> -> memref<80xi32, #tpu.memory_space<vmem>>
    %dma_start3A_30 = arith.constant 0 : i32
    %dma_start3A_31 = arith.constant 0 : i32
    %dma_start3A_32 = tpu.memref_slice %arg7[%dma_start3A_30, %dma_start3A_31] : memref<10000x16xf32, #tpu.memory_space<vmem_shared>> -> memref<10000x16xf32, #tpu.memory_space<vmem_shared>>
    tpu.enqueue_indirect_dma source(%arg6 : memref<80x16xf32, #tpu.memory_space<vmem>>) target(%dma_start3A_32 : memref<10000x16xf32, #tpu.memory_space<vmem_shared>>) offsets(%dma_start3A_29 : memref<80xi32, #tpu.memory_space<vmem>>) semaphore(%arg9 : memref<!tpu.dma_semaphore, #tpu.memory_space<semaphore_mem>>) {add = true}
    %dma_wait3A_33 = arith.constant 124 : i32
    %dma_wait3A_34 = arith.constant 0 : i32
    %dma_wait3A_35 = tpu.memref_slice %arg5[%dma_wait3A_33, %dma_wait3A_34] : memref<125x80xi32, #tpu.memory_space<vmem>> -> memref<1x80xi32, #tpu.memory_space<vmem>>
    %dma_wait3A_36 = tpu.memref_squeeze %dma_wait3A_35 : memref<1x80xi32, #tpu.memory_space<vmem>> -> memref<80xi32, #tpu.memory_space<vmem>>
    %dma_wait3A_37 = arith.constant 0 : i32
    %dma_wait3A_38 = arith.constant 0 : i32
    %dma_wait3A_39 = tpu.memref_slice %arg7[%dma_wait3A_37, %dma_wait3A_38] : memref<10000x16xf32, #tpu.memory_space<vmem_shared>> -> memref<10000x16xf32, #tpu.memory_space<vmem_shared>>
    tpu.wait_indirect_dma semaphore(%arg9 : memref<!tpu.dma_semaphore, #tpu.memory_space<semaphore_mem>>) src(%arg6 : memref<80x16xf32, #tpu.memory_space<vmem>>) dst(%dma_wait3A_39 : memref<10000x16xf32, #tpu.memory_space<vmem_shared>>)
    %barrier3A_40 = arith.constant 0 : index
    tpu.barrier barrier_id(%barrier3A_40)
    %mul3A_41 = arith.constant 624 : i32
    %mul3A_42 = arith.muli %arg1, %mul3A_41 : i32
    %mul3A_43 = arith.constant 624 : i32
    %mul3A_44 = arith.muli %arg1, %mul3A_43 : i32
    "tpu.region"() ({
      %run_scoped3A = tpu.sem_alloc : memref<!tpu.dma_semaphore, #tpu.memory_space<semaphore_mem>>
      %dma_start3A_50 = arith.constant 0 : i32
      %dma_start3A_51 = tpu.memref_slice %arg4[%arg0, %mul3A_44, %dma_start3A_50] : memref<2x10000x16xf32, #tpu.memory_space<hbm>> -> memref<1x624x16xf32, #tpu.memory_space<hbm>>
      %dma_start3A_52 = tpu.memref_squeeze %dma_start3A_51 : memref<1x624x16xf32, #tpu.memory_space<hbm>> -> memref<624x16xf32, #tpu.memory_space<hbm>>
      %dma_start3A_53 = arith.constant 0 : i32
      %dma_start3A_54 = tpu.memref_slice %arg7[%mul3A_42, %dma_start3A_53] : memref<10000x16xf32, #tpu.memory_space<vmem_shared>> -> memref<624x16xf32, #tpu.memory_space<vmem_shared>>
      tpu.enqueue_dma source(%dma_start3A_54 : memref<624x16xf32, #tpu.memory_space<vmem_shared>>) target(%dma_start3A_52 : memref<624x16xf32, #tpu.memory_space<hbm>>) target_semaphore(%run_scoped3A : memref<!tpu.dma_semaphore, #tpu.memory_space<semaphore_mem>>)
      %dma_wait3A_55 = arith.constant 0 : i32
      %dma_wait3A_56 = tpu.memref_slice %arg4[%arg0, %mul3A_44, %dma_wait3A_55] : memref<2x10000x16xf32, #tpu.memory_space<hbm>> -> memref<1x624x16xf32, #tpu.memory_space<hbm>>
      %dma_wait3A_57 = tpu.memref_squeeze %dma_wait3A_56 : memref<1x624x16xf32, #tpu.memory_space<hbm>> -> memref<624x16xf32, #tpu.memory_space<hbm>>
      %dma_wait3A_58 = arith.constant 0 : i32
      %dma_wait3A_59 = tpu.memref_slice %arg7[%mul3A_42, %dma_wait3A_58] : memref<10000x16xf32, #tpu.memory_space<vmem_shared>> -> memref<624x16xf32, #tpu.memory_space<vmem_shared>>
      tpu.wait_dma2 semaphore(%run_scoped3A : memref<!tpu.dma_semaphore, #tpu.memory_space<semaphore_mem>>) src(%dma_wait3A_59 : memref<624x16xf32, #tpu.memory_space<vmem_shared>>) dst(%dma_wait3A_57 : memref<624x16xf32, #tpu.memory_space<hbm>>)
      tpu.yield
    }) : () -> ()
    %eq3A_45 = arith.constant 0 : i32
    %eq3A_46 = arith.cmpi eq, %arg1, %eq3A_45 : i32
    %convert_element_type3A_47 = arith.extui %eq3A_46 : i1 to i32
    %cond3A_48 = arith.constant 0 : i32
    %cond3A_49 = arith.cmpi ne, %convert_element_type3A_47, %cond3A_48 : i32
    scf.if %cond3A_49 {
      "tpu.region"() ({
        %run_scoped3A = tpu.sem_alloc : memref<!tpu.dma_semaphore, #tpu.memory_space<semaphore_mem>>
        %dma_start3A_50 = arith.constant 9984 : i32
        %dma_start3A_51 = arith.constant 0 : i32
        %dma_start3A_52 = tpu.memref_slice %arg4[%arg0, %dma_start3A_50, %dma_start3A_51] : memref<2x10000x16xf32, #tpu.memory_space<hbm>> -> memref<1x16x16xf32, #tpu.memory_space<hbm>>
        %dma_start3A_53 = tpu.memref_squeeze %dma_start3A_52 : memref<1x16x16xf32, #tpu.memory_space<hbm>> -> memref<16x16xf32, #tpu.memory_space<hbm>>
        %dma_start3A_54 = arith.constant 9984 : i32
        %dma_start3A_55 = arith.constant 0 : i32
        %dma_start3A_56 = tpu.memref_slice %arg7[%dma_start3A_54, %dma_start3A_55] : memref<10000x16xf32, #tpu.memory_space<vmem_shared>> -> memref<16x16xf32, #tpu.memory_space<vmem_shared>>
        tpu.enqueue_dma source(%dma_start3A_56 : memref<16x16xf32, #tpu.memory_space<vmem_shared>>) target(%dma_start3A_53 : memref<16x16xf32, #tpu.memory_space<hbm>>) target_semaphore(%run_scoped3A : memref<!tpu.dma_semaphore, #tpu.memory_space<semaphore_mem>>)
        %dma_wait3A_57 = arith.constant 9984 : i32
        %dma_wait3A_58 = arith.constant 0 : i32
        %dma_wait3A_59 = tpu.memref_slice %arg4[%arg0, %dma_wait3A_57, %dma_wait3A_58] : memref<2x10000x16xf32, #tpu.memory_space<hbm>> -> memref<1x16x16xf32, #tpu.memory_space<hbm>>
        %dma_wait3A_60 = tpu.memref_squeeze %dma_wait3A_59 : memref<1x16x16xf32, #tpu.memory_space<hbm>> -> memref<16x16xf32, #tpu.memory_space<hbm>>
        %dma_wait3A_61 = arith.constant 9984 : i32
        %dma_wait3A_62 = arith.constant 0 : i32
        %dma_wait3A_63 = tpu.memref_slice %arg7[%dma_wait3A_61, %dma_wait3A_62] : memref<10000x16xf32, #tpu.memory_space<vmem_shared>> -> memref<16x16xf32, #tpu.memory_space<vmem_shared>>
        tpu.wait_dma2 semaphore(%run_scoped3A : memref<!tpu.dma_semaphore, #tpu.memory_space<semaphore_mem>>) src(%dma_wait3A_63 : memref<16x16xf32, #tpu.memory_space<vmem_shared>>) dst(%dma_wait3A_60 : memref<16x16xf32, #tpu.memory_space<hbm>>)
        tpu.yield
      }) : () -> ()
    } else {
    }
    return
  }
}

#map = affine_map<(d0, d1) -> (0, 0)>
#map1 = affine_map<(d0, d1) -> (0, 0, 0)>
module attributes {stable_mosaic.version = 14 : i64} {
  func.func @_sc_agg_body(%arg0: i32, %arg1: i32, %arg2: memref<10000x128xf32, #tpu.memory_space<hbm>>, %arg3: memref<32x10000xi32, #tpu.memory_space<hbm>>, %arg4: memref<32x10000xi32, #tpu.memory_space<hbm>>, %arg5: memref<2x10000x128xf32, #tpu.memory_space<hbm>>, %arg6: memref<10000xi32, #tpu.memory_space<vmem>>, %arg7: memref<10000xi32, #tpu.memory_space<vmem>>, %arg8: memref<80x128xf32, #tpu.memory_space<vmem>>, %arg9: memref<80x128xf32, #tpu.memory_space<vmem>>, %arg10: memref<80x128xf32, #tpu.memory_space<vmem>>, %arg11: memref<!tpu.dma_semaphore, #tpu.memory_space<semaphore_mem>>, %arg12: memref<!tpu.dma_semaphore, #tpu.memory_space<semaphore_mem>>, %arg13: memref<!tpu.dma_semaphore, #tpu.memory_space<semaphore_mem>>, %arg14: memref<!tpu.dma_semaphore, #tpu.memory_space<semaphore_mem>>, %arg15: memref<!tpu.dma_semaphore, #tpu.memory_space<semaphore_mem>>, %arg16: memref<!tpu.dma_semaphore, #tpu.memory_space<semaphore_mem>>, %arg17: memref<!tpu.dma_semaphore, #tpu.memory_space<semaphore_mem>>, %arg18: memref<!tpu.dma_semaphore, #tpu.memory_space<semaphore_mem>>, %arg19: memref<10000x128xf32, #tpu.memory_space<vmem_shared>>) attributes {dimension_semantics = [#tpu.dimension_semantics<core_parallel>, #tpu.dimension_semantics<subcore_parallel>], iteration_bounds = array<i64: 2, 16>, scalar_prefetch = 0 : i64, scratch_operands = 14 : i64, tpu.core_type = #tpu.core_type<sc_vector_subcore>, window_params = [{transform_indices = #map}, {transform_indices = #map}, {transform_indices = #map}, {transform_indices = #map1}]} {
    %mul3A = arith.constant 16 : i32
    %mul3A_0 = arith.muli %arg0, %mul3A : i32
    %add3A = arith.addi %mul3A_0, %arg1 : i32
    %dma_start3A = arith.constant 0 : i32
    %dma_start3A_1 = tpu.memref_slice %arg3[%add3A, %dma_start3A] : memref<32x10000xi32, #tpu.memory_space<hbm>> -> memref<1x10000xi32, #tpu.memory_space<hbm>>
    %dma_start3A_2 = tpu.memref_squeeze %dma_start3A_1 : memref<1x10000xi32, #tpu.memory_space<hbm>> -> memref<10000xi32, #tpu.memory_space<hbm>>
    %dma_start3A_3 = arith.constant 0 : i32
    %dma_start3A_4 = tpu.memref_slice %arg3[%add3A, %dma_start3A_3] : memref<32x10000xi32, #tpu.memory_space<hbm>> -> memref<1x10000xi32, #tpu.memory_space<hbm>>
    %dma_start3A_5 = tpu.memref_squeeze %dma_start3A_4 : memref<1x10000xi32, #tpu.memory_space<hbm>> -> memref<10000xi32, #tpu.memory_space<hbm>>
    tpu.enqueue_dma source(%dma_start3A_5 : memref<10000xi32, #tpu.memory_space<hbm>>) target(%arg6 : memref<10000xi32, #tpu.memory_space<vmem>>) target_semaphore(%arg11 : memref<!tpu.dma_semaphore, #tpu.memory_space<semaphore_mem>>)
    %dma_start3A_6 = arith.constant 0 : i32
    %dma_start3A_7 = tpu.memref_slice %arg4[%add3A, %dma_start3A_6] : memref<32x10000xi32, #tpu.memory_space<hbm>> -> memref<1x10000xi32, #tpu.memory_space<hbm>>
    %dma_start3A_8 = tpu.memref_squeeze %dma_start3A_7 : memref<1x10000xi32, #tpu.memory_space<hbm>> -> memref<10000xi32, #tpu.memory_space<hbm>>
    %dma_start3A_9 = arith.constant 0 : i32
    %dma_start3A_10 = tpu.memref_slice %arg4[%add3A, %dma_start3A_9] : memref<32x10000xi32, #tpu.memory_space<hbm>> -> memref<1x10000xi32, #tpu.memory_space<hbm>>
    %dma_start3A_11 = tpu.memref_squeeze %dma_start3A_10 : memref<1x10000xi32, #tpu.memory_space<hbm>> -> memref<10000xi32, #tpu.memory_space<hbm>>
    tpu.enqueue_dma source(%dma_start3A_11 : memref<10000xi32, #tpu.memory_space<hbm>>) target(%arg7 : memref<10000xi32, #tpu.memory_space<vmem>>) target_semaphore(%arg12 : memref<!tpu.dma_semaphore, #tpu.memory_space<semaphore_mem>>)
    %mul3A_12 = arith.constant 624 : i32
    %mul3A_13 = arith.muli %arg1, %mul3A_12 : i32
    %mul3A_14 = arith.constant 624 : i32
    %mul3A_15 = arith.muli %arg1, %mul3A_14 : i32
    "tpu.region"() ({
      %run_scoped3A = tpu.sem_alloc : memref<!tpu.dma_semaphore, #tpu.memory_space<semaphore_mem>>
      %dma_start3A_73 = arith.constant 0 : i32
      %dma_start3A_74 = tpu.memref_slice %arg19[%mul3A_15, %dma_start3A_73] : memref<10000x128xf32, #tpu.memory_space<vmem_shared>> -> memref<624x128xf32, #tpu.memory_space<vmem_shared>>
      %dma_start3A_75 = arith.constant 0 : i32
      %dma_start3A_76 = tpu.memref_slice %arg2[%mul3A_13, %dma_start3A_75] : memref<10000x128xf32, #tpu.memory_space<hbm>> -> memref<624x128xf32, #tpu.memory_space<hbm>>
      tpu.enqueue_dma source(%dma_start3A_76 : memref<624x128xf32, #tpu.memory_space<hbm>>) target(%dma_start3A_74 : memref<624x128xf32, #tpu.memory_space<vmem_shared>>) target_semaphore(%run_scoped3A : memref<!tpu.dma_semaphore, #tpu.memory_space<semaphore_mem>>)
      %dma_wait3A_77 = arith.constant 0 : i32
      %dma_wait3A_78 = tpu.memref_slice %arg19[%mul3A_15, %dma_wait3A_77] : memref<10000x128xf32, #tpu.memory_space<vmem_shared>> -> memref<624x128xf32, #tpu.memory_space<vmem_shared>>
      %dma_wait3A_79 = arith.constant 0 : i32
      %dma_wait3A_80 = tpu.memref_slice %arg2[%mul3A_13, %dma_wait3A_79] : memref<10000x128xf32, #tpu.memory_space<hbm>> -> memref<624x128xf32, #tpu.memory_space<hbm>>
      tpu.wait_dma2 semaphore(%run_scoped3A : memref<!tpu.dma_semaphore, #tpu.memory_space<semaphore_mem>>) src(%dma_wait3A_80 : memref<624x128xf32, #tpu.memory_space<hbm>>) dst(%dma_wait3A_78 : memref<624x128xf32, #tpu.memory_space<vmem_shared>>)
      tpu.yield
    }) : () -> ()
    %eq3A = arith.constant 0 : i32
    %eq3A_16 = arith.cmpi eq, %arg1, %eq3A : i32
    %convert_element_type3A = arith.extui %eq3A_16 : i1 to i32
    %cond3A = arith.constant 0 : i32
    %cond3A_17 = arith.cmpi ne, %convert_element_type3A, %cond3A : i32
    scf.if %cond3A_17 {
      "tpu.region"() ({
        %run_scoped3A = tpu.sem_alloc : memref<!tpu.dma_semaphore, #tpu.memory_space<semaphore_mem>>
        %dma_start3A_73 = arith.constant 9984 : i32
        %dma_start3A_74 = arith.constant 0 : i32
        %dma_start3A_75 = tpu.memref_slice %arg19[%dma_start3A_73, %dma_start3A_74] : memref<10000x128xf32, #tpu.memory_space<vmem_shared>> -> memref<16x128xf32, #tpu.memory_space<vmem_shared>>
        %dma_start3A_76 = arith.constant 9984 : i32
        %dma_start3A_77 = arith.constant 0 : i32
        %dma_start3A_78 = tpu.memref_slice %arg2[%dma_start3A_76, %dma_start3A_77] : memref<10000x128xf32, #tpu.memory_space<hbm>> -> memref<16x128xf32, #tpu.memory_space<hbm>>
        tpu.enqueue_dma source(%dma_start3A_78 : memref<16x128xf32, #tpu.memory_space<hbm>>) target(%dma_start3A_75 : memref<16x128xf32, #tpu.memory_space<vmem_shared>>) target_semaphore(%run_scoped3A : memref<!tpu.dma_semaphore, #tpu.memory_space<semaphore_mem>>)
        %dma_wait3A_79 = arith.constant 9984 : i32
        %dma_wait3A_80 = arith.constant 0 : i32
        %dma_wait3A_81 = tpu.memref_slice %arg19[%dma_wait3A_79, %dma_wait3A_80] : memref<10000x128xf32, #tpu.memory_space<vmem_shared>> -> memref<16x128xf32, #tpu.memory_space<vmem_shared>>
        %dma_wait3A_82 = arith.constant 9984 : i32
        %dma_wait3A_83 = arith.constant 0 : i32
        %dma_wait3A_84 = tpu.memref_slice %arg2[%dma_wait3A_82, %dma_wait3A_83] : memref<10000x128xf32, #tpu.memory_space<hbm>> -> memref<16x128xf32, #tpu.memory_space<hbm>>
        tpu.wait_dma2 semaphore(%run_scoped3A : memref<!tpu.dma_semaphore, #tpu.memory_space<semaphore_mem>>) src(%dma_wait3A_84 : memref<16x128xf32, #tpu.memory_space<hbm>>) dst(%dma_wait3A_81 : memref<16x128xf32, #tpu.memory_space<vmem_shared>>)
        tpu.yield
      }) : () -> ()
    } else {
    }
    %dma_wait3A = arith.constant 0 : i32
    %dma_wait3A_18 = tpu.memref_slice %arg3[%add3A, %dma_wait3A] : memref<32x10000xi32, #tpu.memory_space<hbm>> -> memref<1x10000xi32, #tpu.memory_space<hbm>>
    %dma_wait3A_19 = tpu.memref_squeeze %dma_wait3A_18 : memref<1x10000xi32, #tpu.memory_space<hbm>> -> memref<10000xi32, #tpu.memory_space<hbm>>
    %dma_wait3A_20 = arith.constant 0 : i32
    %dma_wait3A_21 = tpu.memref_slice %arg3[%add3A, %dma_wait3A_20] : memref<32x10000xi32, #tpu.memory_space<hbm>> -> memref<1x10000xi32, #tpu.memory_space<hbm>>
    %dma_wait3A_22 = tpu.memref_squeeze %dma_wait3A_21 : memref<1x10000xi32, #tpu.memory_space<hbm>> -> memref<10000xi32, #tpu.memory_space<hbm>>
    tpu.wait_dma2 semaphore(%arg11 : memref<!tpu.dma_semaphore, #tpu.memory_space<semaphore_mem>>) src(%dma_wait3A_22 : memref<10000xi32, #tpu.memory_space<hbm>>) dst(%arg6 : memref<10000xi32, #tpu.memory_space<vmem>>)
    %dma_wait3A_23 = arith.constant 0 : i32
    %dma_wait3A_24 = tpu.memref_slice %arg4[%add3A, %dma_wait3A_23] : memref<32x10000xi32, #tpu.memory_space<hbm>> -> memref<1x10000xi32, #tpu.memory_space<hbm>>
    %dma_wait3A_25 = tpu.memref_squeeze %dma_wait3A_24 : memref<1x10000xi32, #tpu.memory_space<hbm>> -> memref<10000xi32, #tpu.memory_space<hbm>>
    %dma_wait3A_26 = arith.constant 0 : i32
    %dma_wait3A_27 = tpu.memref_slice %arg4[%add3A, %dma_wait3A_26] : memref<32x10000xi32, #tpu.memory_space<hbm>> -> memref<1x10000xi32, #tpu.memory_space<hbm>>
    %dma_wait3A_28 = tpu.memref_squeeze %dma_wait3A_27 : memref<1x10000xi32, #tpu.memory_space<hbm>> -> memref<10000xi32, #tpu.memory_space<hbm>>
    tpu.wait_dma2 semaphore(%arg12 : memref<!tpu.dma_semaphore, #tpu.memory_space<semaphore_mem>>) src(%dma_wait3A_28 : memref<10000xi32, #tpu.memory_space<hbm>>) dst(%arg7 : memref<10000xi32, #tpu.memory_space<vmem>>)
    %barrier3A = arith.constant 0 : index
    tpu.barrier barrier_id(%barrier3A)
    %multiple_of3A = arith.constant 0 : i32
    %multiple_of3A_29 = tpu.assume_multiple %multiple_of3A, 8 : i32
    %dma_start3A_30 = tpu.memref_slice %arg6[%multiple_of3A_29] : memref<10000xi32, #tpu.memory_space<vmem>> -> memref<80xi32, #tpu.memory_space<vmem>>
    %dma_start3A_31 = arith.constant 0 : i32
    %dma_start3A_32 = arith.constant 0 : i32
    %dma_start3A_33 = tpu.memref_slice %arg2[%dma_start3A_31, %dma_start3A_32] : memref<10000x128xf32, #tpu.memory_space<hbm>> -> memref<10000x128xf32, #tpu.memory_space<hbm>>
    tpu.enqueue_indirect_dma source(%dma_start3A_33 : memref<10000x128xf32, #tpu.memory_space<hbm>>) target(%arg8 : memref<80x128xf32, #tpu.memory_space<vmem>>) offsets(%dma_start3A_30 : memref<80xi32, #tpu.memory_space<vmem>>) semaphore(%arg13 : memref<!tpu.dma_semaphore, #tpu.memory_space<semaphore_mem>>)
    %multiple_of3A_34 = arith.constant 80 : i32
    %multiple_of3A_35 = tpu.assume_multiple %multiple_of3A_34, 8 : i32
    %dma_start3A_36 = tpu.memref_slice %arg6[%multiple_of3A_35] : memref<10000xi32, #tpu.memory_space<vmem>> -> memref<80xi32, #tpu.memory_space<vmem>>
    %dma_start3A_37 = arith.constant 0 : i32
    %dma_start3A_38 = arith.constant 0 : i32
    %dma_start3A_39 = tpu.memref_slice %arg2[%dma_start3A_37, %dma_start3A_38] : memref<10000x128xf32, #tpu.memory_space<hbm>> -> memref<10000x128xf32, #tpu.memory_space<hbm>>
    tpu.enqueue_indirect_dma source(%dma_start3A_39 : memref<10000x128xf32, #tpu.memory_space<hbm>>) target(%arg9 : memref<80x128xf32, #tpu.memory_space<vmem>>) offsets(%dma_start3A_36 : memref<80xi32, #tpu.memory_space<vmem>>) semaphore(%arg14 : memref<!tpu.dma_semaphore, #tpu.memory_space<semaphore_mem>>)
    %multiple_of3A_40 = arith.constant 160 : i32
    %multiple_of3A_41 = tpu.assume_multiple %multiple_of3A_40, 8 : i32
    %dma_start3A_42 = tpu.memref_slice %arg6[%multiple_of3A_41] : memref<10000xi32, #tpu.memory_space<vmem>> -> memref<80xi32, #tpu.memory_space<vmem>>
    %dma_start3A_43 = arith.constant 0 : i32
    %dma_start3A_44 = arith.constant 0 : i32
    %dma_start3A_45 = tpu.memref_slice %arg2[%dma_start3A_43, %dma_start3A_44] : memref<10000x128xf32, #tpu.memory_space<hbm>> -> memref<10000x128xf32, #tpu.memory_space<hbm>>
    tpu.enqueue_indirect_dma source(%dma_start3A_45 : memref<10000x128xf32, #tpu.memory_space<hbm>>) target(%arg10 : memref<80x128xf32, #tpu.memory_space<vmem>>) offsets(%dma_start3A_42 : memref<80xi32, #tpu.memory_space<vmem>>) semaphore(%arg15 : memref<!tpu.dma_semaphore, #tpu.memory_space<semaphore_mem>>)
    %scan3A = arith.constant 0 : i32
    %scan3A_46 = arith.constant 0 : i32
    %scan3A_47 = arith.constant 41 : i32
    %scan3A_48 = arith.addi %scan3A_46, %scan3A_47 : i32
    %scan3A_49 = arith.constant 1 : i32
    scf.for %scan3A_73 = %scan3A_46 to %scan3A_48 step %scan3A_49  : i32 {
      %mul3A_74 = arith.constant 3 : i32
      %mul3A_75 = arith.muli %scan3A_73, %mul3A_74 : i32
      %multiple_of3A_76 = arith.constant 0 : i32
      %multiple_of3A_77 = tpu.assume_multiple %multiple_of3A_76, 8 : i32
      %dma_wait3A_78 = tpu.memref_slice %arg6[%multiple_of3A_77] : memref<10000xi32, #tpu.memory_space<vmem>> -> memref<80xi32, #tpu.memory_space<vmem>>
      %dma_wait3A_79 = arith.constant 0 : i32
      %dma_wait3A_80 = arith.constant 0 : i32
      %dma_wait3A_81 = tpu.memref_slice %arg2[%dma_wait3A_79, %dma_wait3A_80] : memref<10000x128xf32, #tpu.memory_space<hbm>> -> memref<10000x128xf32, #tpu.memory_space<hbm>>
      tpu.wait_indirect_dma semaphore(%arg13 : memref<!tpu.dma_semaphore, #tpu.memory_space<semaphore_mem>>) src(%dma_wait3A_81 : memref<10000x128xf32, #tpu.memory_space<hbm>>) dst(%arg8 : memref<80x128xf32, #tpu.memory_space<vmem>>)
      %add3A_82 = arith.constant 0 : i32
      %add3A_83 = arith.addi %mul3A_75, %add3A_82 : i32
      %mul3A_84 = arith.constant 80 : i32
      %mul3A_85 = arith.muli %add3A_83, %mul3A_84 : i32
      %multiple_of3A_86 = tpu.assume_multiple %mul3A_85, 8 : i32
      %dma_start3A_87 = tpu.memref_slice %arg7[%multiple_of3A_86] : memref<10000xi32, #tpu.memory_space<vmem>> -> memref<80xi32, #tpu.memory_space<vmem>>
      %dma_start3A_88 = arith.constant 0 : i32
      %dma_start3A_89 = arith.constant 0 : i32
      %dma_start3A_90 = tpu.memref_slice %arg19[%dma_start3A_88, %dma_start3A_89] : memref<10000x128xf32, #tpu.memory_space<vmem_shared>> -> memref<10000x128xf32, #tpu.memory_space<vmem_shared>>
      tpu.enqueue_indirect_dma source(%arg8 : memref<80x128xf32, #tpu.memory_space<vmem>>) target(%dma_start3A_90 : memref<10000x128xf32, #tpu.memory_space<vmem_shared>>) offsets(%dma_start3A_87 : memref<80xi32, #tpu.memory_space<vmem>>) semaphore(%arg16 : memref<!tpu.dma_semaphore, #tpu.memory_space<semaphore_mem>>) {add = true}
      %multiple_of3A_91 = arith.constant 0 : i32
      %multiple_of3A_92 = tpu.assume_multiple %multiple_of3A_91, 8 : i32
      %dma_wait3A_93 = tpu.memref_slice %arg6[%multiple_of3A_92] : memref<10000xi32, #tpu.memory_space<vmem>> -> memref<80xi32, #tpu.memory_space<vmem>>
      %dma_wait3A_94 = arith.constant 0 : i32
      %dma_wait3A_95 = arith.constant 0 : i32
      %dma_wait3A_96 = tpu.memref_slice %arg2[%dma_wait3A_94, %dma_wait3A_95] : memref<10000x128xf32, #tpu.memory_space<hbm>> -> memref<10000x128xf32, #tpu.memory_space<hbm>>
      tpu.wait_indirect_dma semaphore(%arg14 : memref<!tpu.dma_semaphore, #tpu.memory_space<semaphore_mem>>) src(%dma_wait3A_96 : memref<10000x128xf32, #tpu.memory_space<hbm>>) dst(%arg9 : memref<80x128xf32, #tpu.memory_space<vmem>>)
      %add3A_97 = arith.constant 1 : i32
      %add3A_98 = arith.addi %mul3A_75, %add3A_97 : i32
      %mul3A_99 = arith.constant 80 : i32
      %mul3A_100 = arith.muli %add3A_98, %mul3A_99 : i32
      %multiple_of3A_101 = tpu.assume_multiple %mul3A_100, 8 : i32
      %dma_start3A_102 = tpu.memref_slice %arg7[%multiple_of3A_101] : memref<10000xi32, #tpu.memory_space<vmem>> -> memref<80xi32, #tpu.memory_space<vmem>>
      %dma_start3A_103 = arith.constant 0 : i32
      %dma_start3A_104 = arith.constant 0 : i32
      %dma_start3A_105 = tpu.memref_slice %arg19[%dma_start3A_103, %dma_start3A_104] : memref<10000x128xf32, #tpu.memory_space<vmem_shared>> -> memref<10000x128xf32, #tpu.memory_space<vmem_shared>>
      tpu.enqueue_indirect_dma source(%arg9 : memref<80x128xf32, #tpu.memory_space<vmem>>) target(%dma_start3A_105 : memref<10000x128xf32, #tpu.memory_space<vmem_shared>>) offsets(%dma_start3A_102 : memref<80xi32, #tpu.memory_space<vmem>>) semaphore(%arg17 : memref<!tpu.dma_semaphore, #tpu.memory_space<semaphore_mem>>) {add = true}
      %multiple_of3A_106 = arith.constant 0 : i32
      %multiple_of3A_107 = tpu.assume_multiple %multiple_of3A_106, 8 : i32
      %dma_wait3A_108 = tpu.memref_slice %arg6[%multiple_of3A_107] : memref<10000xi32, #tpu.memory_space<vmem>> -> memref<80xi32, #tpu.memory_space<vmem>>
      %dma_wait3A_109 = arith.constant 0 : i32
      %dma_wait3A_110 = arith.constant 0 : i32
      %dma_wait3A_111 = tpu.memref_slice %arg2[%dma_wait3A_109, %dma_wait3A_110] : memref<10000x128xf32, #tpu.memory_space<hbm>> -> memref<10000x128xf32, #tpu.memory_space<hbm>>
      tpu.wait_indirect_dma semaphore(%arg15 : memref<!tpu.dma_semaphore, #tpu.memory_space<semaphore_mem>>) src(%dma_wait3A_111 : memref<10000x128xf32, #tpu.memory_space<hbm>>) dst(%arg10 : memref<80x128xf32, #tpu.memory_space<vmem>>)
      %add3A_112 = arith.constant 2 : i32
      %add3A_113 = arith.addi %mul3A_75, %add3A_112 : i32
      %mul3A_114 = arith.constant 80 : i32
      %mul3A_115 = arith.muli %add3A_113, %mul3A_114 : i32
      %multiple_of3A_116 = tpu.assume_multiple %mul3A_115, 8 : i32
      %dma_start3A_117 = tpu.memref_slice %arg7[%multiple_of3A_116] : memref<10000xi32, #tpu.memory_space<vmem>> -> memref<80xi32, #tpu.memory_space<vmem>>
      %dma_start3A_118 = arith.constant 0 : i32
      %dma_start3A_119 = arith.constant 0 : i32
      %dma_start3A_120 = tpu.memref_slice %arg19[%dma_start3A_118, %dma_start3A_119] : memref<10000x128xf32, #tpu.memory_space<vmem_shared>> -> memref<10000x128xf32, #tpu.memory_space<vmem_shared>>
      tpu.enqueue_indirect_dma source(%arg10 : memref<80x128xf32, #tpu.memory_space<vmem>>) target(%dma_start3A_120 : memref<10000x128xf32, #tpu.memory_space<vmem_shared>>) offsets(%dma_start3A_117 : memref<80xi32, #tpu.memory_space<vmem>>) semaphore(%arg18 : memref<!tpu.dma_semaphore, #tpu.memory_space<semaphore_mem>>) {add = true}
      %dma_wait3A_121 = arith.constant 0 : i32
      %dma_wait3A_122 = tpu.memref_slice %arg7[%dma_wait3A_121] : memref<10000xi32, #tpu.memory_space<vmem>> -> memref<80xi32, #tpu.memory_space<vmem>>
      %dma_wait3A_123 = arith.constant 0 : i32
      %dma_wait3A_124 = arith.constant 0 : i32
      %dma_wait3A_125 = tpu.memref_slice %arg19[%dma_wait3A_123, %dma_wait3A_124] : memref<10000x128xf32, #tpu.memory_space<vmem_shared>> -> memref<10000x128xf32, #tpu.memory_space<vmem_shared>>
      tpu.wait_indirect_dma semaphore(%arg16 : memref<!tpu.dma_semaphore, #tpu.memory_space<semaphore_mem>>) src(%arg8 : memref<80x128xf32, #tpu.memory_space<vmem>>) dst(%dma_wait3A_125 : memref<10000x128xf32, #tpu.memory_space<vmem_shared>>)
      %add3A_126 = arith.constant 0 : i32
      %add3A_127 = arith.addi %mul3A_75, %add3A_126 : i32
      %add3A_128 = arith.constant 3 : i32
      %add3A_129 = arith.addi %add3A_127, %add3A_128 : i32
      %lt3A = arith.constant 125 : i32
      %lt3A_130 = arith.cmpi slt, %add3A_129, %lt3A : i32
      %convert_element_type3A_131 = arith.extui %lt3A_130 : i1 to i32
      %cond3A_132 = arith.constant 0 : i32
      %cond3A_133 = arith.cmpi ne, %convert_element_type3A_131, %cond3A_132 : i32
      scf.if %cond3A_133 {
        %add3A_162 = arith.constant 0 : i32
        %add3A_163 = arith.addi %mul3A_75, %add3A_162 : i32
        %add3A_164 = arith.constant 3 : i32
        %add3A_165 = arith.addi %add3A_163, %add3A_164 : i32
        %mul3A_166 = arith.constant 80 : i32
        %mul3A_167 = arith.muli %add3A_165, %mul3A_166 : i32
        %multiple_of3A_168 = tpu.assume_multiple %mul3A_167, 8 : i32
        %dma_start3A_169 = tpu.memref_slice %arg6[%multiple_of3A_168] : memref<10000xi32, #tpu.memory_space<vmem>> -> memref<80xi32, #tpu.memory_space<vmem>>
        %dma_start3A_170 = arith.constant 0 : i32
        %dma_start3A_171 = arith.constant 0 : i32
        %dma_start3A_172 = tpu.memref_slice %arg2[%dma_start3A_170, %dma_start3A_171] : memref<10000x128xf32, #tpu.memory_space<hbm>> -> memref<10000x128xf32, #tpu.memory_space<hbm>>
        tpu.enqueue_indirect_dma source(%dma_start3A_172 : memref<10000x128xf32, #tpu.memory_space<hbm>>) target(%arg8 : memref<80x128xf32, #tpu.memory_space<vmem>>) offsets(%dma_start3A_169 : memref<80xi32, #tpu.memory_space<vmem>>) semaphore(%arg13 : memref<!tpu.dma_semaphore, #tpu.memory_space<semaphore_mem>>)
      } else {
      }
      %dma_wait3A_134 = arith.constant 0 : i32
      %dma_wait3A_135 = tpu.memref_slice %arg7[%dma_wait3A_134] : memref<10000xi32, #tpu.memory_space<vmem>> -> memref<80xi32, #tpu.memory_space<vmem>>
      %dma_wait3A_136 = arith.constant 0 : i32
      %dma_wait3A_137 = arith.constant 0 : i32
      %dma_wait3A_138 = tpu.memref_slice %arg19[%dma_wait3A_136, %dma_wait3A_137] : memref<10000x128xf32, #tpu.memory_space<vmem_shared>> -> memref<10000x128xf32, #tpu.memory_space<vmem_shared>>
      tpu.wait_indirect_dma semaphore(%arg17 : memref<!tpu.dma_semaphore, #tpu.memory_space<semaphore_mem>>) src(%arg9 : memref<80x128xf32, #tpu.memory_space<vmem>>) dst(%dma_wait3A_138 : memref<10000x128xf32, #tpu.memory_space<vmem_shared>>)
      %add3A_139 = arith.constant 1 : i32
      %add3A_140 = arith.addi %mul3A_75, %add3A_139 : i32
      %add3A_141 = arith.constant 3 : i32
      %add3A_142 = arith.addi %add3A_140, %add3A_141 : i32
      %lt3A_143 = arith.constant 125 : i32
      %lt3A_144 = arith.cmpi slt, %add3A_142, %lt3A_143 : i32
      %convert_element_type3A_145 = arith.extui %lt3A_144 : i1 to i32
      %cond3A_146 = arith.constant 0 : i32
      %cond3A_147 = arith.cmpi ne, %convert_element_type3A_145, %cond3A_146 : i32
      scf.if %cond3A_147 {
        %add3A_162 = arith.constant 1 : i32
        %add3A_163 = arith.addi %mul3A_75, %add3A_162 : i32
        %add3A_164 = arith.constant 3 : i32
        %add3A_165 = arith.addi %add3A_163, %add3A_164 : i32
        %mul3A_166 = arith.constant 80 : i32
        %mul3A_167 = arith.muli %add3A_165, %mul3A_166 : i32
        %multiple_of3A_168 = tpu.assume_multiple %mul3A_167, 8 : i32
        %dma_start3A_169 = tpu.memref_slice %arg6[%multiple_of3A_168] : memref<10000xi32, #tpu.memory_space<vmem>> -> memref<80xi32, #tpu.memory_space<vmem>>
        %dma_start3A_170 = arith.constant 0 : i32
        %dma_start3A_171 = arith.constant 0 : i32
        %dma_start3A_172 = tpu.memref_slice %arg2[%dma_start3A_170, %dma_start3A_171] : memref<10000x128xf32, #tpu.memory_space<hbm>> -> memref<10000x128xf32, #tpu.memory_space<hbm>>
        tpu.enqueue_indirect_dma source(%dma_start3A_172 : memref<10000x128xf32, #tpu.memory_space<hbm>>) target(%arg9 : memref<80x128xf32, #tpu.memory_space<vmem>>) offsets(%dma_start3A_169 : memref<80xi32, #tpu.memory_space<vmem>>) semaphore(%arg14 : memref<!tpu.dma_semaphore, #tpu.memory_space<semaphore_mem>>)
      } else {
      }
      %dma_wait3A_148 = arith.constant 0 : i32
      %dma_wait3A_149 = tpu.memref_slice %arg7[%dma_wait3A_148] : memref<10000xi32, #tpu.memory_space<vmem>> -> memref<80xi32, #tpu.memory_space<vmem>>
      %dma_wait3A_150 = arith.constant 0 : i32
      %dma_wait3A_151 = arith.constant 0 : i32
      %dma_wait3A_152 = tpu.memref_slice %arg19[%dma_wait3A_150, %dma_wait3A_151] : memref<10000x128xf32, #tpu.memory_space<vmem_shared>> -> memref<10000x128xf32, #tpu.memory_space<vmem_shared>>
      tpu.wait_indirect_dma semaphore(%arg18 : memref<!tpu.dma_semaphore, #tpu.memory_space<semaphore_mem>>) src(%arg10 : memref<80x128xf32, #tpu.memory_space<vmem>>) dst(%dma_wait3A_152 : memref<10000x128xf32, #tpu.memory_space<vmem_shared>>)
      %add3A_153 = arith.constant 2 : i32
      %add3A_154 = arith.addi %mul3A_75, %add3A_153 : i32
      %add3A_155 = arith.constant 3 : i32
      %add3A_156 = arith.addi %add3A_154, %add3A_155 : i32
      %lt3A_157 = arith.constant 125 : i32
      %lt3A_158 = arith.cmpi slt, %add3A_156, %lt3A_157 : i32
      %convert_element_type3A_159 = arith.extui %lt3A_158 : i1 to i32
      %cond3A_160 = arith.constant 0 : i32
      %cond3A_161 = arith.cmpi ne, %convert_element_type3A_159, %cond3A_160 : i32
      scf.if %cond3A_161 {
        %add3A_162 = arith.constant 2 : i32
        %add3A_163 = arith.addi %mul3A_75, %add3A_162 : i32
        %add3A_164 = arith.constant 3 : i32
        %add3A_165 = arith.addi %add3A_163, %add3A_164 : i32
        %mul3A_166 = arith.constant 80 : i32
        %mul3A_167 = arith.muli %add3A_165, %mul3A_166 : i32
        %multiple_of3A_168 = tpu.assume_multiple %mul3A_167, 8 : i32
        %dma_start3A_169 = tpu.memref_slice %arg6[%multiple_of3A_168] : memref<10000xi32, #tpu.memory_space<vmem>> -> memref<80xi32, #tpu.memory_space<vmem>>
        %dma_start3A_170 = arith.constant 0 : i32
        %dma_start3A_171 = arith.constant 0 : i32
        %dma_start3A_172 = tpu.memref_slice %arg2[%dma_start3A_170, %dma_start3A_171] : memref<10000x128xf32, #tpu.memory_space<hbm>> -> memref<10000x128xf32, #tpu.memory_space<hbm>>
        tpu.enqueue_indirect_dma source(%dma_start3A_172 : memref<10000x128xf32, #tpu.memory_space<hbm>>) target(%arg10 : memref<80x128xf32, #tpu.memory_space<vmem>>) offsets(%dma_start3A_169 : memref<80xi32, #tpu.memory_space<vmem>>) semaphore(%arg15 : memref<!tpu.dma_semaphore, #tpu.memory_space<semaphore_mem>>)
      } else {
      }
    }
    %scan3A_50 = arith.constant 41 : i32
    %multiple_of3A_51 = arith.constant 0 : i32
    %multiple_of3A_52 = tpu.assume_multiple %multiple_of3A_51, 8 : i32
    %dma_wait3A_53 = tpu.memref_slice %arg6[%multiple_of3A_52] : memref<10000xi32, #tpu.memory_space<vmem>> -> memref<80xi32, #tpu.memory_space<vmem>>
    %dma_wait3A_54 = arith.constant 0 : i32
    %dma_wait3A_55 = arith.constant 0 : i32
    %dma_wait3A_56 = tpu.memref_slice %arg2[%dma_wait3A_54, %dma_wait3A_55] : memref<10000x128xf32, #tpu.memory_space<hbm>> -> memref<10000x128xf32, #tpu.memory_space<hbm>>
    tpu.wait_indirect_dma semaphore(%arg13 : memref<!tpu.dma_semaphore, #tpu.memory_space<semaphore_mem>>) src(%dma_wait3A_56 : memref<10000x128xf32, #tpu.memory_space<hbm>>) dst(%arg8 : memref<80x128xf32, #tpu.memory_space<vmem>>)
    "tpu.region"() ({
      %run_scoped3A = tpu.sem_alloc : memref<!tpu.dma_semaphore, #tpu.memory_space<semaphore_mem>>
      %dma_start3A_73 = arith.constant 9840 : i32
      %dma_start3A_74 = tpu.memref_slice %arg7[%dma_start3A_73] : memref<10000xi32, #tpu.memory_space<vmem>> -> memref<80xi32, #tpu.memory_space<vmem>>
      %dma_start3A_75 = arith.constant 0 : i32
      %dma_start3A_76 = arith.constant 0 : i32
      %dma_start3A_77 = tpu.memref_slice %arg19[%dma_start3A_75, %dma_start3A_76] : memref<10000x128xf32, #tpu.memory_space<vmem_shared>> -> memref<10000x128xf32, #tpu.memory_space<vmem_shared>>
      tpu.enqueue_indirect_dma source(%arg8 : memref<80x128xf32, #tpu.memory_space<vmem>>) target(%dma_start3A_77 : memref<10000x128xf32, #tpu.memory_space<vmem_shared>>) offsets(%dma_start3A_74 : memref<80xi32, #tpu.memory_space<vmem>>) semaphore(%run_scoped3A : memref<!tpu.dma_semaphore, #tpu.memory_space<semaphore_mem>>) {add = true}
      %dma_wait3A_78 = arith.constant 9840 : i32
      %dma_wait3A_79 = tpu.memref_slice %arg7[%dma_wait3A_78] : memref<10000xi32, #tpu.memory_space<vmem>> -> memref<80xi32, #tpu.memory_space<vmem>>
      %dma_wait3A_80 = arith.constant 0 : i32
      %dma_wait3A_81 = arith.constant 0 : i32
      %dma_wait3A_82 = tpu.memref_slice %arg19[%dma_wait3A_80, %dma_wait3A_81] : memref<10000x128xf32, #tpu.memory_space<vmem_shared>> -> memref<10000x128xf32, #tpu.memory_space<vmem_shared>>
      tpu.wait_indirect_dma semaphore(%run_scoped3A : memref<!tpu.dma_semaphore, #tpu.memory_space<semaphore_mem>>) src(%arg8 : memref<80x128xf32, #tpu.memory_space<vmem>>) dst(%dma_wait3A_82 : memref<10000x128xf32, #tpu.memory_space<vmem_shared>>)
      tpu.yield
    }) : () -> ()
    %multiple_of3A_57 = arith.constant 0 : i32
    %multiple_of3A_58 = tpu.assume_multiple %multiple_of3A_57, 8 : i32
    %dma_wait3A_59 = tpu.memref_slice %arg6[%multiple_of3A_58] : memref<10000xi32, #tpu.memory_space<vmem>> -> memref<80xi32, #tpu.memory_space<vmem>>
    %dma_wait3A_60 = arith.constant 0 : i32
    %dma_wait3A_61 = arith.constant 0 : i32
    %dma_wait3A_62 = tpu.memref_slice %arg2[%dma_wait3A_60, %dma_wait3A_61] : memref<10000x128xf32, #tpu.memory_space<hbm>> -> memref<10000x128xf32, #tpu.memory_space<hbm>>
    tpu.wait_indirect_dma semaphore(%arg14 : memref<!tpu.dma_semaphore, #tpu.memory_space<semaphore_mem>>) src(%dma_wait3A_62 : memref<10000x128xf32, #tpu.memory_space<hbm>>) dst(%arg9 : memref<80x128xf32, #tpu.memory_space<vmem>>)
    "tpu.region"() ({
      %run_scoped3A = tpu.sem_alloc : memref<!tpu.dma_semaphore, #tpu.memory_space<semaphore_mem>>
      %dma_start3A_73 = arith.constant 9920 : i32
      %dma_start3A_74 = tpu.memref_slice %arg7[%dma_start3A_73] : memref<10000xi32, #tpu.memory_space<vmem>> -> memref<80xi32, #tpu.memory_space<vmem>>
      %dma_start3A_75 = arith.constant 0 : i32
      %dma_start3A_76 = arith.constant 0 : i32
      %dma_start3A_77 = tpu.memref_slice %arg19[%dma_start3A_75, %dma_start3A_76] : memref<10000x128xf32, #tpu.memory_space<vmem_shared>> -> memref<10000x128xf32, #tpu.memory_space<vmem_shared>>
      tpu.enqueue_indirect_dma source(%arg9 : memref<80x128xf32, #tpu.memory_space<vmem>>) target(%dma_start3A_77 : memref<10000x128xf32, #tpu.memory_space<vmem_shared>>) offsets(%dma_start3A_74 : memref<80xi32, #tpu.memory_space<vmem>>) semaphore(%run_scoped3A : memref<!tpu.dma_semaphore, #tpu.memory_space<semaphore_mem>>) {add = true}
      %dma_wait3A_78 = arith.constant 9920 : i32
      %dma_wait3A_79 = tpu.memref_slice %arg7[%dma_wait3A_78] : memref<10000xi32, #tpu.memory_space<vmem>> -> memref<80xi32, #tpu.memory_space<vmem>>
      %dma_wait3A_80 = arith.constant 0 : i32
      %dma_wait3A_81 = arith.constant 0 : i32
      %dma_wait3A_82 = tpu.memref_slice %arg19[%dma_wait3A_80, %dma_wait3A_81] : memref<10000x128xf32, #tpu.memory_space<vmem_shared>> -> memref<10000x128xf32, #tpu.memory_space<vmem_shared>>
      tpu.wait_indirect_dma semaphore(%run_scoped3A : memref<!tpu.dma_semaphore, #tpu.memory_space<semaphore_mem>>) src(%arg9 : memref<80x128xf32, #tpu.memory_space<vmem>>) dst(%dma_wait3A_82 : memref<10000x128xf32, #tpu.memory_space<vmem_shared>>)
      tpu.yield
    }) : () -> ()
    %barrier3A_63 = arith.constant 0 : index
    tpu.barrier barrier_id(%barrier3A_63)
    %mul3A_64 = arith.constant 624 : i32
    %mul3A_65 = arith.muli %arg1, %mul3A_64 : i32
    %mul3A_66 = arith.constant 624 : i32
    %mul3A_67 = arith.muli %arg1, %mul3A_66 : i32
    "tpu.region"() ({
      %run_scoped3A = tpu.sem_alloc : memref<!tpu.dma_semaphore, #tpu.memory_space<semaphore_mem>>
      %dma_start3A_73 = arith.constant 0 : i32
      %dma_start3A_74 = tpu.memref_slice %arg5[%arg0, %mul3A_67, %dma_start3A_73] : memref<2x10000x128xf32, #tpu.memory_space<hbm>> -> memref<1x624x128xf32, #tpu.memory_space<hbm>>
      %dma_start3A_75 = tpu.memref_squeeze %dma_start3A_74 : memref<1x624x128xf32, #tpu.memory_space<hbm>> -> memref<624x128xf32, #tpu.memory_space<hbm>>
      %dma_start3A_76 = arith.constant 0 : i32
      %dma_start3A_77 = tpu.memref_slice %arg19[%mul3A_65, %dma_start3A_76] : memref<10000x128xf32, #tpu.memory_space<vmem_shared>> -> memref<624x128xf32, #tpu.memory_space<vmem_shared>>
      tpu.enqueue_dma source(%dma_start3A_77 : memref<624x128xf32, #tpu.memory_space<vmem_shared>>) target(%dma_start3A_75 : memref<624x128xf32, #tpu.memory_space<hbm>>) target_semaphore(%run_scoped3A : memref<!tpu.dma_semaphore, #tpu.memory_space<semaphore_mem>>)
      %dma_wait3A_78 = arith.constant 0 : i32
      %dma_wait3A_79 = tpu.memref_slice %arg5[%arg0, %mul3A_67, %dma_wait3A_78] : memref<2x10000x128xf32, #tpu.memory_space<hbm>> -> memref<1x624x128xf32, #tpu.memory_space<hbm>>
      %dma_wait3A_80 = tpu.memref_squeeze %dma_wait3A_79 : memref<1x624x128xf32, #tpu.memory_space<hbm>> -> memref<624x128xf32, #tpu.memory_space<hbm>>
      %dma_wait3A_81 = arith.constant 0 : i32
      %dma_wait3A_82 = tpu.memref_slice %arg19[%mul3A_65, %dma_wait3A_81] : memref<10000x128xf32, #tpu.memory_space<vmem_shared>> -> memref<624x128xf32, #tpu.memory_space<vmem_shared>>
      tpu.wait_dma2 semaphore(%run_scoped3A : memref<!tpu.dma_semaphore, #tpu.memory_space<semaphore_mem>>) src(%dma_wait3A_82 : memref<624x128xf32, #tpu.memory_space<vmem_shared>>) dst(%dma_wait3A_80 : memref<624x128xf32, #tpu.memory_space<hbm>>)
      tpu.yield
    }) : () -> ()
    %eq3A_68 = arith.constant 0 : i32
    %eq3A_69 = arith.cmpi eq, %arg1, %eq3A_68 : i32
    %convert_element_type3A_70 = arith.extui %eq3A_69 : i1 to i32
    %cond3A_71 = arith.constant 0 : i32
    %cond3A_72 = arith.cmpi ne, %convert_element_type3A_70, %cond3A_71 : i32
    scf.if %cond3A_72 {
      "tpu.region"() ({
        %run_scoped3A = tpu.sem_alloc : memref<!tpu.dma_semaphore, #tpu.memory_space<semaphore_mem>>
        %dma_start3A_73 = arith.constant 9984 : i32
        %dma_start3A_74 = arith.constant 0 : i32
        %dma_start3A_75 = tpu.memref_slice %arg5[%arg0, %dma_start3A_73, %dma_start3A_74] : memref<2x10000x128xf32, #tpu.memory_space<hbm>> -> memref<1x16x128xf32, #tpu.memory_space<hbm>>
        %dma_start3A_76 = tpu.memref_squeeze %dma_start3A_75 : memref<1x16x128xf32, #tpu.memory_space<hbm>> -> memref<16x128xf32, #tpu.memory_space<hbm>>
        %dma_start3A_77 = arith.constant 9984 : i32
        %dma_start3A_78 = arith.constant 0 : i32
        %dma_start3A_79 = tpu.memref_slice %arg19[%dma_start3A_77, %dma_start3A_78] : memref<10000x128xf32, #tpu.memory_space<vmem_shared>> -> memref<16x128xf32, #tpu.memory_space<vmem_shared>>
        tpu.enqueue_dma source(%dma_start3A_79 : memref<16x128xf32, #tpu.memory_space<vmem_shared>>) target(%dma_start3A_76 : memref<16x128xf32, #tpu.memory_space<hbm>>) target_semaphore(%run_scoped3A : memref<!tpu.dma_semaphore, #tpu.memory_space<semaphore_mem>>)
        %dma_wait3A_80 = arith.constant 9984 : i32
        %dma_wait3A_81 = arith.constant 0 : i32
        %dma_wait3A_82 = tpu.memref_slice %arg5[%arg0, %dma_wait3A_80, %dma_wait3A_81] : memref<2x10000x128xf32, #tpu.memory_space<hbm>> -> memref<1x16x128xf32, #tpu.memory_space<hbm>>
        %dma_wait3A_83 = tpu.memref_squeeze %dma_wait3A_82 : memref<1x16x128xf32, #tpu.memory_space<hbm>> -> memref<16x128xf32, #tpu.memory_space<hbm>>
        %dma_wait3A_84 = arith.constant 9984 : i32
        %dma_wait3A_85 = arith.constant 0 : i32
        %dma_wait3A_86 = tpu.memref_slice %arg19[%dma_wait3A_84, %dma_wait3A_85] : memref<10000x128xf32, #tpu.memory_space<vmem_shared>> -> memref<16x128xf32, #tpu.memory_space<vmem_shared>>
        tpu.wait_dma2 semaphore(%run_scoped3A : memref<!tpu.dma_semaphore, #tpu.memory_space<semaphore_mem>>) src(%dma_wait3A_86 : memref<16x128xf32, #tpu.memory_space<vmem_shared>>) dst(%dma_wait3A_83 : memref<16x128xf32, #tpu.memory_space<hbm>>)
        tpu.yield
      }) : () -> ()
    } else {
    }
    return
  }
}

#map = affine_map<(d0, d1) -> (0, 0)>
#map1 = affine_map<(d0, d1) -> (0, 0, 0)>
module attributes {stable_mosaic.version = 14 : i64} {
  func.func @_sc_agg_body(%arg0: i32, %arg1: i32, %arg2: memref<10000x128xf32, #tpu.memory_space<hbm>>, %arg3: memref<32x10000xi32, #tpu.memory_space<hbm>>, %arg4: memref<32x10000xi32, #tpu.memory_space<hbm>>, %arg5: memref<2x10000x128xf32, #tpu.memory_space<hbm>>, %arg6: memref<10000xi32, #tpu.memory_space<vmem>>, %arg7: memref<10000xi32, #tpu.memory_space<vmem>>, %arg8: memref<80x128xf32, #tpu.memory_space<vmem>>, %arg9: memref<80x128xf32, #tpu.memory_space<vmem>>, %arg10: memref<80x128xf32, #tpu.memory_space<vmem>>, %arg11: memref<!tpu.dma_semaphore, #tpu.memory_space<semaphore_mem>>, %arg12: memref<!tpu.dma_semaphore, #tpu.memory_space<semaphore_mem>>, %arg13: memref<!tpu.dma_semaphore, #tpu.memory_space<semaphore_mem>>, %arg14: memref<!tpu.dma_semaphore, #tpu.memory_space<semaphore_mem>>, %arg15: memref<!tpu.dma_semaphore, #tpu.memory_space<semaphore_mem>>, %arg16: memref<!tpu.dma_semaphore, #tpu.memory_space<semaphore_mem>>, %arg17: memref<!tpu.dma_semaphore, #tpu.memory_space<semaphore_mem>>, %arg18: memref<!tpu.dma_semaphore, #tpu.memory_space<semaphore_mem>>, %arg19: memref<10000x128xf32, #tpu.memory_space<vmem_shared>>) attributes {dimension_semantics = [#tpu.dimension_semantics<core_parallel>, #tpu.dimension_semantics<subcore_parallel>], iteration_bounds = array<i64: 2, 16>, scalar_prefetch = 0 : i64, scratch_operands = 14 : i64, tpu.core_type = #tpu.core_type<sc_vector_subcore>, window_params = [{transform_indices = #map}, {transform_indices = #map}, {transform_indices = #map}, {transform_indices = #map1}]} {
    %mul3A = arith.constant 16 : i32
    %mul3A_0 = arith.muli %arg0, %mul3A : i32
    %add3A = arith.addi %mul3A_0, %arg1 : i32
    %dma_start3A = arith.constant 0 : i32
    %dma_start3A_1 = tpu.memref_slice %arg3[%add3A, %dma_start3A] : memref<32x10000xi32, #tpu.memory_space<hbm>> -> memref<1x10000xi32, #tpu.memory_space<hbm>>
    %dma_start3A_2 = tpu.memref_squeeze %dma_start3A_1 : memref<1x10000xi32, #tpu.memory_space<hbm>> -> memref<10000xi32, #tpu.memory_space<hbm>>
    %dma_start3A_3 = arith.constant 0 : i32
    %dma_start3A_4 = tpu.memref_slice %arg3[%add3A, %dma_start3A_3] : memref<32x10000xi32, #tpu.memory_space<hbm>> -> memref<1x10000xi32, #tpu.memory_space<hbm>>
    %dma_start3A_5 = tpu.memref_squeeze %dma_start3A_4 : memref<1x10000xi32, #tpu.memory_space<hbm>> -> memref<10000xi32, #tpu.memory_space<hbm>>
    tpu.enqueue_dma source(%dma_start3A_5 : memref<10000xi32, #tpu.memory_space<hbm>>) target(%arg6 : memref<10000xi32, #tpu.memory_space<vmem>>) target_semaphore(%arg11 : memref<!tpu.dma_semaphore, #tpu.memory_space<semaphore_mem>>)
    %dma_start3A_6 = arith.constant 0 : i32
    %dma_start3A_7 = tpu.memref_slice %arg4[%add3A, %dma_start3A_6] : memref<32x10000xi32, #tpu.memory_space<hbm>> -> memref<1x10000xi32, #tpu.memory_space<hbm>>
    %dma_start3A_8 = tpu.memref_squeeze %dma_start3A_7 : memref<1x10000xi32, #tpu.memory_space<hbm>> -> memref<10000xi32, #tpu.memory_space<hbm>>
    %dma_start3A_9 = arith.constant 0 : i32
    %dma_start3A_10 = tpu.memref_slice %arg4[%add3A, %dma_start3A_9] : memref<32x10000xi32, #tpu.memory_space<hbm>> -> memref<1x10000xi32, #tpu.memory_space<hbm>>
    %dma_start3A_11 = tpu.memref_squeeze %dma_start3A_10 : memref<1x10000xi32, #tpu.memory_space<hbm>> -> memref<10000xi32, #tpu.memory_space<hbm>>
    tpu.enqueue_dma source(%dma_start3A_11 : memref<10000xi32, #tpu.memory_space<hbm>>) target(%arg7 : memref<10000xi32, #tpu.memory_space<vmem>>) target_semaphore(%arg12 : memref<!tpu.dma_semaphore, #tpu.memory_space<semaphore_mem>>)
    %mul3A_12 = arith.constant 624 : i32
    %mul3A_13 = arith.muli %arg1, %mul3A_12 : i32
    %mul3A_14 = arith.constant 624 : i32
    %mul3A_15 = arith.muli %arg1, %mul3A_14 : i32
    "tpu.region"() ({
      %run_scoped3A = tpu.sem_alloc : memref<!tpu.dma_semaphore, #tpu.memory_space<semaphore_mem>>
      %dma_start3A_73 = arith.constant 0 : i32
      %dma_start3A_74 = tpu.memref_slice %arg19[%mul3A_15, %dma_start3A_73] : memref<10000x128xf32, #tpu.memory_space<vmem_shared>> -> memref<624x128xf32, #tpu.memory_space<vmem_shared>>
      %dma_start3A_75 = arith.constant 0 : i32
      %dma_start3A_76 = tpu.memref_slice %arg2[%mul3A_13, %dma_start3A_75] : memref<10000x128xf32, #tpu.memory_space<hbm>> -> memref<624x128xf32, #tpu.memory_space<hbm>>
      tpu.enqueue_dma source(%dma_start3A_76 : memref<624x128xf32, #tpu.memory_space<hbm>>) target(%dma_start3A_74 : memref<624x128xf32, #tpu.memory_space<vmem_shared>>) target_semaphore(%run_scoped3A : memref<!tpu.dma_semaphore, #tpu.memory_space<semaphore_mem>>)
      %dma_wait3A_77 = arith.constant 0 : i32
      %dma_wait3A_78 = tpu.memref_slice %arg19[%mul3A_15, %dma_wait3A_77] : memref<10000x128xf32, #tpu.memory_space<vmem_shared>> -> memref<624x128xf32, #tpu.memory_space<vmem_shared>>
      %dma_wait3A_79 = arith.constant 0 : i32
      %dma_wait3A_80 = tpu.memref_slice %arg2[%mul3A_13, %dma_wait3A_79] : memref<10000x128xf32, #tpu.memory_space<hbm>> -> memref<624x128xf32, #tpu.memory_space<hbm>>
      tpu.wait_dma2 semaphore(%run_scoped3A : memref<!tpu.dma_semaphore, #tpu.memory_space<semaphore_mem>>) src(%dma_wait3A_80 : memref<624x128xf32, #tpu.memory_space<hbm>>) dst(%dma_wait3A_78 : memref<624x128xf32, #tpu.memory_space<vmem_shared>>)
      tpu.yield
    }) : () -> ()
    %eq3A = arith.constant 0 : i32
    %eq3A_16 = arith.cmpi eq, %arg1, %eq3A : i32
    %convert_element_type3A = arith.extui %eq3A_16 : i1 to i32
    %cond3A = arith.constant 0 : i32
    %cond3A_17 = arith.cmpi ne, %convert_element_type3A, %cond3A : i32
    scf.if %cond3A_17 {
      "tpu.region"() ({
        %run_scoped3A = tpu.sem_alloc : memref<!tpu.dma_semaphore, #tpu.memory_space<semaphore_mem>>
        %dma_start3A_73 = arith.constant 9984 : i32
        %dma_start3A_74 = arith.constant 0 : i32
        %dma_start3A_75 = tpu.memref_slice %arg19[%dma_start3A_73, %dma_start3A_74] : memref<10000x128xf32, #tpu.memory_space<vmem_shared>> -> memref<16x128xf32, #tpu.memory_space<vmem_shared>>
        %dma_start3A_76 = arith.constant 9984 : i32
        %dma_start3A_77 = arith.constant 0 : i32
        %dma_start3A_78 = tpu.memref_slice %arg2[%dma_start3A_76, %dma_start3A_77] : memref<10000x128xf32, #tpu.memory_space<hbm>> -> memref<16x128xf32, #tpu.memory_space<hbm>>
        tpu.enqueue_dma source(%dma_start3A_78 : memref<16x128xf32, #tpu.memory_space<hbm>>) target(%dma_start3A_75 : memref<16x128xf32, #tpu.memory_space<vmem_shared>>) target_semaphore(%run_scoped3A : memref<!tpu.dma_semaphore, #tpu.memory_space<semaphore_mem>>)
        %dma_wait3A_79 = arith.constant 9984 : i32
        %dma_wait3A_80 = arith.constant 0 : i32
        %dma_wait3A_81 = tpu.memref_slice %arg19[%dma_wait3A_79, %dma_wait3A_80] : memref<10000x128xf32, #tpu.memory_space<vmem_shared>> -> memref<16x128xf32, #tpu.memory_space<vmem_shared>>
        %dma_wait3A_82 = arith.constant 9984 : i32
        %dma_wait3A_83 = arith.constant 0 : i32
        %dma_wait3A_84 = tpu.memref_slice %arg2[%dma_wait3A_82, %dma_wait3A_83] : memref<10000x128xf32, #tpu.memory_space<hbm>> -> memref<16x128xf32, #tpu.memory_space<hbm>>
        tpu.wait_dma2 semaphore(%run_scoped3A : memref<!tpu.dma_semaphore, #tpu.memory_space<semaphore_mem>>) src(%dma_wait3A_84 : memref<16x128xf32, #tpu.memory_space<hbm>>) dst(%dma_wait3A_81 : memref<16x128xf32, #tpu.memory_space<vmem_shared>>)
        tpu.yield
      }) : () -> ()
    } else {
    }
    %dma_wait3A = arith.constant 0 : i32
    %dma_wait3A_18 = tpu.memref_slice %arg3[%add3A, %dma_wait3A] : memref<32x10000xi32, #tpu.memory_space<hbm>> -> memref<1x10000xi32, #tpu.memory_space<hbm>>
    %dma_wait3A_19 = tpu.memref_squeeze %dma_wait3A_18 : memref<1x10000xi32, #tpu.memory_space<hbm>> -> memref<10000xi32, #tpu.memory_space<hbm>>
    %dma_wait3A_20 = arith.constant 0 : i32
    %dma_wait3A_21 = tpu.memref_slice %arg3[%add3A, %dma_wait3A_20] : memref<32x10000xi32, #tpu.memory_space<hbm>> -> memref<1x10000xi32, #tpu.memory_space<hbm>>
    %dma_wait3A_22 = tpu.memref_squeeze %dma_wait3A_21 : memref<1x10000xi32, #tpu.memory_space<hbm>> -> memref<10000xi32, #tpu.memory_space<hbm>>
    tpu.wait_dma2 semaphore(%arg11 : memref<!tpu.dma_semaphore, #tpu.memory_space<semaphore_mem>>) src(%dma_wait3A_22 : memref<10000xi32, #tpu.memory_space<hbm>>) dst(%arg6 : memref<10000xi32, #tpu.memory_space<vmem>>)
    %dma_wait3A_23 = arith.constant 0 : i32
    %dma_wait3A_24 = tpu.memref_slice %arg4[%add3A, %dma_wait3A_23] : memref<32x10000xi32, #tpu.memory_space<hbm>> -> memref<1x10000xi32, #tpu.memory_space<hbm>>
    %dma_wait3A_25 = tpu.memref_squeeze %dma_wait3A_24 : memref<1x10000xi32, #tpu.memory_space<hbm>> -> memref<10000xi32, #tpu.memory_space<hbm>>
    %dma_wait3A_26 = arith.constant 0 : i32
    %dma_wait3A_27 = tpu.memref_slice %arg4[%add3A, %dma_wait3A_26] : memref<32x10000xi32, #tpu.memory_space<hbm>> -> memref<1x10000xi32, #tpu.memory_space<hbm>>
    %dma_wait3A_28 = tpu.memref_squeeze %dma_wait3A_27 : memref<1x10000xi32, #tpu.memory_space<hbm>> -> memref<10000xi32, #tpu.memory_space<hbm>>
    tpu.wait_dma2 semaphore(%arg12 : memref<!tpu.dma_semaphore, #tpu.memory_space<semaphore_mem>>) src(%dma_wait3A_28 : memref<10000xi32, #tpu.memory_space<hbm>>) dst(%arg7 : memref<10000xi32, #tpu.memory_space<vmem>>)
    %barrier3A = arith.constant 0 : index
    tpu.barrier barrier_id(%barrier3A)
    %multiple_of3A = arith.constant 0 : i32
    %multiple_of3A_29 = tpu.assume_multiple %multiple_of3A, 8 : i32
    %dma_start3A_30 = tpu.memref_slice %arg6[%multiple_of3A_29] : memref<10000xi32, #tpu.memory_space<vmem>> -> memref<80xi32, #tpu.memory_space<vmem>>
    %dma_start3A_31 = arith.constant 0 : i32
    %dma_start3A_32 = arith.constant 0 : i32
    %dma_start3A_33 = tpu.memref_slice %arg2[%dma_start3A_31, %dma_start3A_32] : memref<10000x128xf32, #tpu.memory_space<hbm>> -> memref<10000x128xf32, #tpu.memory_space<hbm>>
    tpu.enqueue_indirect_dma source(%dma_start3A_33 : memref<10000x128xf32, #tpu.memory_space<hbm>>) target(%arg8 : memref<80x128xf32, #tpu.memory_space<vmem>>) offsets(%dma_start3A_30 : memref<80xi32, #tpu.memory_space<vmem>>) semaphore(%arg13 : memref<!tpu.dma_semaphore, #tpu.memory_space<semaphore_mem>>)
    %multiple_of3A_34 = arith.constant 80 : i32
    %multiple_of3A_35 = tpu.assume_multiple %multiple_of3A_34, 8 : i32
    %dma_start3A_36 = tpu.memref_slice %arg6[%multiple_of3A_35] : memref<10000xi32, #tpu.memory_space<vmem>> -> memref<80xi32, #tpu.memory_space<vmem>>
    %dma_start3A_37 = arith.constant 0 : i32
    %dma_start3A_38 = arith.constant 0 : i32
    %dma_start3A_39 = tpu.memref_slice %arg2[%dma_start3A_37, %dma_start3A_38] : memref<10000x128xf32, #tpu.memory_space<hbm>> -> memref<10000x128xf32, #tpu.memory_space<hbm>>
    tpu.enqueue_indirect_dma source(%dma_start3A_39 : memref<10000x128xf32, #tpu.memory_space<hbm>>) target(%arg9 : memref<80x128xf32, #tpu.memory_space<vmem>>) offsets(%dma_start3A_36 : memref<80xi32, #tpu.memory_space<vmem>>) semaphore(%arg14 : memref<!tpu.dma_semaphore, #tpu.memory_space<semaphore_mem>>)
    %multiple_of3A_40 = arith.constant 160 : i32
    %multiple_of3A_41 = tpu.assume_multiple %multiple_of3A_40, 8 : i32
    %dma_start3A_42 = tpu.memref_slice %arg6[%multiple_of3A_41] : memref<10000xi32, #tpu.memory_space<vmem>> -> memref<80xi32, #tpu.memory_space<vmem>>
    %dma_start3A_43 = arith.constant 0 : i32
    %dma_start3A_44 = arith.constant 0 : i32
    %dma_start3A_45 = tpu.memref_slice %arg2[%dma_start3A_43, %dma_start3A_44] : memref<10000x128xf32, #tpu.memory_space<hbm>> -> memref<10000x128xf32, #tpu.memory_space<hbm>>
    tpu.enqueue_indirect_dma source(%dma_start3A_45 : memref<10000x128xf32, #tpu.memory_space<hbm>>) target(%arg10 : memref<80x128xf32, #tpu.memory_space<vmem>>) offsets(%dma_start3A_42 : memref<80xi32, #tpu.memory_space<vmem>>) semaphore(%arg15 : memref<!tpu.dma_semaphore, #tpu.memory_space<semaphore_mem>>)
    %scan3A = arith.constant 0 : i32
    %scan3A_46 = arith.constant 0 : i32
    %scan3A_47 = arith.constant 41 : i32
    %scan3A_48 = arith.addi %scan3A_46, %scan3A_47 : i32
    %scan3A_49 = arith.constant 1 : i32
    scf.for %scan3A_73 = %scan3A_46 to %scan3A_48 step %scan3A_49  : i32 {
      %mul3A_74 = arith.constant 3 : i32
      %mul3A_75 = arith.muli %scan3A_73, %mul3A_74 : i32
      %multiple_of3A_76 = arith.constant 0 : i32
      %multiple_of3A_77 = tpu.assume_multiple %multiple_of3A_76, 8 : i32
      %dma_wait3A_78 = tpu.memref_slice %arg6[%multiple_of3A_77] : memref<10000xi32, #tpu.memory_space<vmem>> -> memref<80xi32, #tpu.memory_space<vmem>>
      %dma_wait3A_79 = arith.constant 0 : i32
      %dma_wait3A_80 = arith.constant 0 : i32
      %dma_wait3A_81 = tpu.memref_slice %arg2[%dma_wait3A_79, %dma_wait3A_80] : memref<10000x128xf32, #tpu.memory_space<hbm>> -> memref<10000x128xf32, #tpu.memory_space<hbm>>
      tpu.wait_indirect_dma semaphore(%arg13 : memref<!tpu.dma_semaphore, #tpu.memory_space<semaphore_mem>>) src(%dma_wait3A_81 : memref<10000x128xf32, #tpu.memory_space<hbm>>) dst(%arg8 : memref<80x128xf32, #tpu.memory_space<vmem>>)
      %add3A_82 = arith.constant 0 : i32
      %add3A_83 = arith.addi %mul3A_75, %add3A_82 : i32
      %mul3A_84 = arith.constant 80 : i32
      %mul3A_85 = arith.muli %add3A_83, %mul3A_84 : i32
      %multiple_of3A_86 = tpu.assume_multiple %mul3A_85, 8 : i32
      %dma_start3A_87 = tpu.memref_slice %arg7[%multiple_of3A_86] : memref<10000xi32, #tpu.memory_space<vmem>> -> memref<80xi32, #tpu.memory_space<vmem>>
      %dma_start3A_88 = arith.constant 0 : i32
      %dma_start3A_89 = arith.constant 0 : i32
      %dma_start3A_90 = tpu.memref_slice %arg19[%dma_start3A_88, %dma_start3A_89] : memref<10000x128xf32, #tpu.memory_space<vmem_shared>> -> memref<10000x128xf32, #tpu.memory_space<vmem_shared>>
      tpu.enqueue_indirect_dma source(%arg8 : memref<80x128xf32, #tpu.memory_space<vmem>>) target(%dma_start3A_90 : memref<10000x128xf32, #tpu.memory_space<vmem_shared>>) offsets(%dma_start3A_87 : memref<80xi32, #tpu.memory_space<vmem>>) semaphore(%arg16 : memref<!tpu.dma_semaphore, #tpu.memory_space<semaphore_mem>>) {add = true}
      %multiple_of3A_91 = arith.constant 0 : i32
      %multiple_of3A_92 = tpu.assume_multiple %multiple_of3A_91, 8 : i32
      %dma_wait3A_93 = tpu.memref_slice %arg6[%multiple_of3A_92] : memref<10000xi32, #tpu.memory_space<vmem>> -> memref<80xi32, #tpu.memory_space<vmem>>
      %dma_wait3A_94 = arith.constant 0 : i32
      %dma_wait3A_95 = arith.constant 0 : i32
      %dma_wait3A_96 = tpu.memref_slice %arg2[%dma_wait3A_94, %dma_wait3A_95] : memref<10000x128xf32, #tpu.memory_space<hbm>> -> memref<10000x128xf32, #tpu.memory_space<hbm>>
      tpu.wait_indirect_dma semaphore(%arg14 : memref<!tpu.dma_semaphore, #tpu.memory_space<semaphore_mem>>) src(%dma_wait3A_96 : memref<10000x128xf32, #tpu.memory_space<hbm>>) dst(%arg9 : memref<80x128xf32, #tpu.memory_space<vmem>>)
      %add3A_97 = arith.constant 1 : i32
      %add3A_98 = arith.addi %mul3A_75, %add3A_97 : i32
      %mul3A_99 = arith.constant 80 : i32
      %mul3A_100 = arith.muli %add3A_98, %mul3A_99 : i32
      %multiple_of3A_101 = tpu.assume_multiple %mul3A_100, 8 : i32
      %dma_start3A_102 = tpu.memref_slice %arg7[%multiple_of3A_101] : memref<10000xi32, #tpu.memory_space<vmem>> -> memref<80xi32, #tpu.memory_space<vmem>>
      %dma_start3A_103 = arith.constant 0 : i32
      %dma_start3A_104 = arith.constant 0 : i32
      %dma_start3A_105 = tpu.memref_slice %arg19[%dma_start3A_103, %dma_start3A_104] : memref<10000x128xf32, #tpu.memory_space<vmem_shared>> -> memref<10000x128xf32, #tpu.memory_space<vmem_shared>>
      tpu.enqueue_indirect_dma source(%arg9 : memref<80x128xf32, #tpu.memory_space<vmem>>) target(%dma_start3A_105 : memref<10000x128xf32, #tpu.memory_space<vmem_shared>>) offsets(%dma_start3A_102 : memref<80xi32, #tpu.memory_space<vmem>>) semaphore(%arg17 : memref<!tpu.dma_semaphore, #tpu.memory_space<semaphore_mem>>) {add = true}
      %multiple_of3A_106 = arith.constant 0 : i32
      %multiple_of3A_107 = tpu.assume_multiple %multiple_of3A_106, 8 : i32
      %dma_wait3A_108 = tpu.memref_slice %arg6[%multiple_of3A_107] : memref<10000xi32, #tpu.memory_space<vmem>> -> memref<80xi32, #tpu.memory_space<vmem>>
      %dma_wait3A_109 = arith.constant 0 : i32
      %dma_wait3A_110 = arith.constant 0 : i32
      %dma_wait3A_111 = tpu.memref_slice %arg2[%dma_wait3A_109, %dma_wait3A_110] : memref<10000x128xf32, #tpu.memory_space<hbm>> -> memref<10000x128xf32, #tpu.memory_space<hbm>>
      tpu.wait_indirect_dma semaphore(%arg15 : memref<!tpu.dma_semaphore, #tpu.memory_space<semaphore_mem>>) src(%dma_wait3A_111 : memref<10000x128xf32, #tpu.memory_space<hbm>>) dst(%arg10 : memref<80x128xf32, #tpu.memory_space<vmem>>)
      %add3A_112 = arith.constant 2 : i32
      %add3A_113 = arith.addi %mul3A_75, %add3A_112 : i32
      %mul3A_114 = arith.constant 80 : i32
      %mul3A_115 = arith.muli %add3A_113, %mul3A_114 : i32
      %multiple_of3A_116 = tpu.assume_multiple %mul3A_115, 8 : i32
      %dma_start3A_117 = tpu.memref_slice %arg7[%multiple_of3A_116] : memref<10000xi32, #tpu.memory_space<vmem>> -> memref<80xi32, #tpu.memory_space<vmem>>
      %dma_start3A_118 = arith.constant 0 : i32
      %dma_start3A_119 = arith.constant 0 : i32
      %dma_start3A_120 = tpu.memref_slice %arg19[%dma_start3A_118, %dma_start3A_119] : memref<10000x128xf32, #tpu.memory_space<vmem_shared>> -> memref<10000x128xf32, #tpu.memory_space<vmem_shared>>
      tpu.enqueue_indirect_dma source(%arg10 : memref<80x128xf32, #tpu.memory_space<vmem>>) target(%dma_start3A_120 : memref<10000x128xf32, #tpu.memory_space<vmem_shared>>) offsets(%dma_start3A_117 : memref<80xi32, #tpu.memory_space<vmem>>) semaphore(%arg18 : memref<!tpu.dma_semaphore, #tpu.memory_space<semaphore_mem>>) {add = true}
      %dma_wait3A_121 = arith.constant 0 : i32
      %dma_wait3A_122 = tpu.memref_slice %arg7[%dma_wait3A_121] : memref<10000xi32, #tpu.memory_space<vmem>> -> memref<80xi32, #tpu.memory_space<vmem>>
      %dma_wait3A_123 = arith.constant 0 : i32
      %dma_wait3A_124 = arith.constant 0 : i32
      %dma_wait3A_125 = tpu.memref_slice %arg19[%dma_wait3A_123, %dma_wait3A_124] : memref<10000x128xf32, #tpu.memory_space<vmem_shared>> -> memref<10000x128xf32, #tpu.memory_space<vmem_shared>>
      tpu.wait_indirect_dma semaphore(%arg16 : memref<!tpu.dma_semaphore, #tpu.memory_space<semaphore_mem>>) src(%arg8 : memref<80x128xf32, #tpu.memory_space<vmem>>) dst(%dma_wait3A_125 : memref<10000x128xf32, #tpu.memory_space<vmem_shared>>)
      %add3A_126 = arith.constant 0 : i32
      %add3A_127 = arith.addi %mul3A_75, %add3A_126 : i32
      %add3A_128 = arith.constant 3 : i32
      %add3A_129 = arith.addi %add3A_127, %add3A_128 : i32
      %lt3A = arith.constant 125 : i32
      %lt3A_130 = arith.cmpi slt, %add3A_129, %lt3A : i32
      %convert_element_type3A_131 = arith.extui %lt3A_130 : i1 to i32
      %cond3A_132 = arith.constant 0 : i32
      %cond3A_133 = arith.cmpi ne, %convert_element_type3A_131, %cond3A_132 : i32
      scf.if %cond3A_133 {
        %add3A_162 = arith.constant 0 : i32
        %add3A_163 = arith.addi %mul3A_75, %add3A_162 : i32
        %add3A_164 = arith.constant 3 : i32
        %add3A_165 = arith.addi %add3A_163, %add3A_164 : i32
        %mul3A_166 = arith.constant 80 : i32
        %mul3A_167 = arith.muli %add3A_165, %mul3A_166 : i32
        %multiple_of3A_168 = tpu.assume_multiple %mul3A_167, 8 : i32
        %dma_start3A_169 = tpu.memref_slice %arg6[%multiple_of3A_168] : memref<10000xi32, #tpu.memory_space<vmem>> -> memref<80xi32, #tpu.memory_space<vmem>>
        %dma_start3A_170 = arith.constant 0 : i32
        %dma_start3A_171 = arith.constant 0 : i32
        %dma_start3A_172 = tpu.memref_slice %arg2[%dma_start3A_170, %dma_start3A_171] : memref<10000x128xf32, #tpu.memory_space<hbm>> -> memref<10000x128xf32, #tpu.memory_space<hbm>>
        tpu.enqueue_indirect_dma source(%dma_start3A_172 : memref<10000x128xf32, #tpu.memory_space<hbm>>) target(%arg8 : memref<80x128xf32, #tpu.memory_space<vmem>>) offsets(%dma_start3A_169 : memref<80xi32, #tpu.memory_space<vmem>>) semaphore(%arg13 : memref<!tpu.dma_semaphore, #tpu.memory_space<semaphore_mem>>)
      } else {
      }
      %dma_wait3A_134 = arith.constant 0 : i32
      %dma_wait3A_135 = tpu.memref_slice %arg7[%dma_wait3A_134] : memref<10000xi32, #tpu.memory_space<vmem>> -> memref<80xi32, #tpu.memory_space<vmem>>
      %dma_wait3A_136 = arith.constant 0 : i32
      %dma_wait3A_137 = arith.constant 0 : i32
      %dma_wait3A_138 = tpu.memref_slice %arg19[%dma_wait3A_136, %dma_wait3A_137] : memref<10000x128xf32, #tpu.memory_space<vmem_shared>> -> memref<10000x128xf32, #tpu.memory_space<vmem_shared>>
      tpu.wait_indirect_dma semaphore(%arg17 : memref<!tpu.dma_semaphore, #tpu.memory_space<semaphore_mem>>) src(%arg9 : memref<80x128xf32, #tpu.memory_space<vmem>>) dst(%dma_wait3A_138 : memref<10000x128xf32, #tpu.memory_space<vmem_shared>>)
      %add3A_139 = arith.constant 1 : i32
      %add3A_140 = arith.addi %mul3A_75, %add3A_139 : i32
      %add3A_141 = arith.constant 3 : i32
      %add3A_142 = arith.addi %add3A_140, %add3A_141 : i32
      %lt3A_143 = arith.constant 125 : i32
      %lt3A_144 = arith.cmpi slt, %add3A_142, %lt3A_143 : i32
      %convert_element_type3A_145 = arith.extui %lt3A_144 : i1 to i32
      %cond3A_146 = arith.constant 0 : i32
      %cond3A_147 = arith.cmpi ne, %convert_element_type3A_145, %cond3A_146 : i32
      scf.if %cond3A_147 {
        %add3A_162 = arith.constant 1 : i32
        %add3A_163 = arith.addi %mul3A_75, %add3A_162 : i32
        %add3A_164 = arith.constant 3 : i32
        %add3A_165 = arith.addi %add3A_163, %add3A_164 : i32
        %mul3A_166 = arith.constant 80 : i32
        %mul3A_167 = arith.muli %add3A_165, %mul3A_166 : i32
        %multiple_of3A_168 = tpu.assume_multiple %mul3A_167, 8 : i32
        %dma_start3A_169 = tpu.memref_slice %arg6[%multiple_of3A_168] : memref<10000xi32, #tpu.memory_space<vmem>> -> memref<80xi32, #tpu.memory_space<vmem>>
        %dma_start3A_170 = arith.constant 0 : i32
        %dma_start3A_171 = arith.constant 0 : i32
        %dma_start3A_172 = tpu.memref_slice %arg2[%dma_start3A_170, %dma_start3A_171] : memref<10000x128xf32, #tpu.memory_space<hbm>> -> memref<10000x128xf32, #tpu.memory_space<hbm>>
        tpu.enqueue_indirect_dma source(%dma_start3A_172 : memref<10000x128xf32, #tpu.memory_space<hbm>>) target(%arg9 : memref<80x128xf32, #tpu.memory_space<vmem>>) offsets(%dma_start3A_169 : memref<80xi32, #tpu.memory_space<vmem>>) semaphore(%arg14 : memref<!tpu.dma_semaphore, #tpu.memory_space<semaphore_mem>>)
      } else {
      }
      %dma_wait3A_148 = arith.constant 0 : i32
      %dma_wait3A_149 = tpu.memref_slice %arg7[%dma_wait3A_148] : memref<10000xi32, #tpu.memory_space<vmem>> -> memref<80xi32, #tpu.memory_space<vmem>>
      %dma_wait3A_150 = arith.constant 0 : i32
      %dma_wait3A_151 = arith.constant 0 : i32
      %dma_wait3A_152 = tpu.memref_slice %arg19[%dma_wait3A_150, %dma_wait3A_151] : memref<10000x128xf32, #tpu.memory_space<vmem_shared>> -> memref<10000x128xf32, #tpu.memory_space<vmem_shared>>
      tpu.wait_indirect_dma semaphore(%arg18 : memref<!tpu.dma_semaphore, #tpu.memory_space<semaphore_mem>>) src(%arg10 : memref<80x128xf32, #tpu.memory_space<vmem>>) dst(%dma_wait3A_152 : memref<10000x128xf32, #tpu.memory_space<vmem_shared>>)
      %add3A_153 = arith.constant 2 : i32
      %add3A_154 = arith.addi %mul3A_75, %add3A_153 : i32
      %add3A_155 = arith.constant 3 : i32
      %add3A_156 = arith.addi %add3A_154, %add3A_155 : i32
      %lt3A_157 = arith.constant 125 : i32
      %lt3A_158 = arith.cmpi slt, %add3A_156, %lt3A_157 : i32
      %convert_element_type3A_159 = arith.extui %lt3A_158 : i1 to i32
      %cond3A_160 = arith.constant 0 : i32
      %cond3A_161 = arith.cmpi ne, %convert_element_type3A_159, %cond3A_160 : i32
      scf.if %cond3A_161 {
        %add3A_162 = arith.constant 2 : i32
        %add3A_163 = arith.addi %mul3A_75, %add3A_162 : i32
        %add3A_164 = arith.constant 3 : i32
        %add3A_165 = arith.addi %add3A_163, %add3A_164 : i32
        %mul3A_166 = arith.constant 80 : i32
        %mul3A_167 = arith.muli %add3A_165, %mul3A_166 : i32
        %multiple_of3A_168 = tpu.assume_multiple %mul3A_167, 8 : i32
        %dma_start3A_169 = tpu.memref_slice %arg6[%multiple_of3A_168] : memref<10000xi32, #tpu.memory_space<vmem>> -> memref<80xi32, #tpu.memory_space<vmem>>
        %dma_start3A_170 = arith.constant 0 : i32
        %dma_start3A_171 = arith.constant 0 : i32
        %dma_start3A_172 = tpu.memref_slice %arg2[%dma_start3A_170, %dma_start3A_171] : memref<10000x128xf32, #tpu.memory_space<hbm>> -> memref<10000x128xf32, #tpu.memory_space<hbm>>
        tpu.enqueue_indirect_dma source(%dma_start3A_172 : memref<10000x128xf32, #tpu.memory_space<hbm>>) target(%arg10 : memref<80x128xf32, #tpu.memory_space<vmem>>) offsets(%dma_start3A_169 : memref<80xi32, #tpu.memory_space<vmem>>) semaphore(%arg15 : memref<!tpu.dma_semaphore, #tpu.memory_space<semaphore_mem>>)
      } else {
      }
    }
    %scan3A_50 = arith.constant 41 : i32
    %multiple_of3A_51 = arith.constant 0 : i32
    %multiple_of3A_52 = tpu.assume_multiple %multiple_of3A_51, 8 : i32
    %dma_wait3A_53 = tpu.memref_slice %arg6[%multiple_of3A_52] : memref<10000xi32, #tpu.memory_space<vmem>> -> memref<80xi32, #tpu.memory_space<vmem>>
    %dma_wait3A_54 = arith.constant 0 : i32
    %dma_wait3A_55 = arith.constant 0 : i32
    %dma_wait3A_56 = tpu.memref_slice %arg2[%dma_wait3A_54, %dma_wait3A_55] : memref<10000x128xf32, #tpu.memory_space<hbm>> -> memref<10000x128xf32, #tpu.memory_space<hbm>>
    tpu.wait_indirect_dma semaphore(%arg13 : memref<!tpu.dma_semaphore, #tpu.memory_space<semaphore_mem>>) src(%dma_wait3A_56 : memref<10000x128xf32, #tpu.memory_space<hbm>>) dst(%arg8 : memref<80x128xf32, #tpu.memory_space<vmem>>)
    "tpu.region"() ({
      %run_scoped3A = tpu.sem_alloc : memref<!tpu.dma_semaphore, #tpu.memory_space<semaphore_mem>>
      %dma_start3A_73 = arith.constant 9840 : i32
      %dma_start3A_74 = tpu.memref_slice %arg7[%dma_start3A_73] : memref<10000xi32, #tpu.memory_space<vmem>> -> memref<80xi32, #tpu.memory_space<vmem>>
      %dma_start3A_75 = arith.constant 0 : i32
      %dma_start3A_76 = arith.constant 0 : i32
      %dma_start3A_77 = tpu.memref_slice %arg19[%dma_start3A_75, %dma_start3A_76] : memref<10000x128xf32, #tpu.memory_space<vmem_shared>> -> memref<10000x128xf32, #tpu.memory_space<vmem_shared>>
      tpu.enqueue_indirect_dma source(%arg8 : memref<80x128xf32, #tpu.memory_space<vmem>>) target(%dma_start3A_77 : memref<10000x128xf32, #tpu.memory_space<vmem_shared>>) offsets(%dma_start3A_74 : memref<80xi32, #tpu.memory_space<vmem>>) semaphore(%run_scoped3A : memref<!tpu.dma_semaphore, #tpu.memory_space<semaphore_mem>>) {add = true}
      %dma_wait3A_78 = arith.constant 9840 : i32
      %dma_wait3A_79 = tpu.memref_slice %arg7[%dma_wait3A_78] : memref<10000xi32, #tpu.memory_space<vmem>> -> memref<80xi32, #tpu.memory_space<vmem>>
      %dma_wait3A_80 = arith.constant 0 : i32
      %dma_wait3A_81 = arith.constant 0 : i32
      %dma_wait3A_82 = tpu.memref_slice %arg19[%dma_wait3A_80, %dma_wait3A_81] : memref<10000x128xf32, #tpu.memory_space<vmem_shared>> -> memref<10000x128xf32, #tpu.memory_space<vmem_shared>>
      tpu.wait_indirect_dma semaphore(%run_scoped3A : memref<!tpu.dma_semaphore, #tpu.memory_space<semaphore_mem>>) src(%arg8 : memref<80x128xf32, #tpu.memory_space<vmem>>) dst(%dma_wait3A_82 : memref<10000x128xf32, #tpu.memory_space<vmem_shared>>)
      tpu.yield
    }) : () -> ()
    %multiple_of3A_57 = arith.constant 0 : i32
    %multiple_of3A_58 = tpu.assume_multiple %multiple_of3A_57, 8 : i32
    %dma_wait3A_59 = tpu.memref_slice %arg6[%multiple_of3A_58] : memref<10000xi32, #tpu.memory_space<vmem>> -> memref<80xi32, #tpu.memory_space<vmem>>
    %dma_wait3A_60 = arith.constant 0 : i32
    %dma_wait3A_61 = arith.constant 0 : i32
    %dma_wait3A_62 = tpu.memref_slice %arg2[%dma_wait3A_60, %dma_wait3A_61] : memref<10000x128xf32, #tpu.memory_space<hbm>> -> memref<10000x128xf32, #tpu.memory_space<hbm>>
    tpu.wait_indirect_dma semaphore(%arg14 : memref<!tpu.dma_semaphore, #tpu.memory_space<semaphore_mem>>) src(%dma_wait3A_62 : memref<10000x128xf32, #tpu.memory_space<hbm>>) dst(%arg9 : memref<80x128xf32, #tpu.memory_space<vmem>>)
    "tpu.region"() ({
      %run_scoped3A = tpu.sem_alloc : memref<!tpu.dma_semaphore, #tpu.memory_space<semaphore_mem>>
      %dma_start3A_73 = arith.constant 9920 : i32
      %dma_start3A_74 = tpu.memref_slice %arg7[%dma_start3A_73] : memref<10000xi32, #tpu.memory_space<vmem>> -> memref<80xi32, #tpu.memory_space<vmem>>
      %dma_start3A_75 = arith.constant 0 : i32
      %dma_start3A_76 = arith.constant 0 : i32
      %dma_start3A_77 = tpu.memref_slice %arg19[%dma_start3A_75, %dma_start3A_76] : memref<10000x128xf32, #tpu.memory_space<vmem_shared>> -> memref<10000x128xf32, #tpu.memory_space<vmem_shared>>
      tpu.enqueue_indirect_dma source(%arg9 : memref<80x128xf32, #tpu.memory_space<vmem>>) target(%dma_start3A_77 : memref<10000x128xf32, #tpu.memory_space<vmem_shared>>) offsets(%dma_start3A_74 : memref<80xi32, #tpu.memory_space<vmem>>) semaphore(%run_scoped3A : memref<!tpu.dma_semaphore, #tpu.memory_space<semaphore_mem>>) {add = true}
      %dma_wait3A_78 = arith.constant 9920 : i32
      %dma_wait3A_79 = tpu.memref_slice %arg7[%dma_wait3A_78] : memref<10000xi32, #tpu.memory_space<vmem>> -> memref<80xi32, #tpu.memory_space<vmem>>
      %dma_wait3A_80 = arith.constant 0 : i32
      %dma_wait3A_81 = arith.constant 0 : i32
      %dma_wait3A_82 = tpu.memref_slice %arg19[%dma_wait3A_80, %dma_wait3A_81] : memref<10000x128xf32, #tpu.memory_space<vmem_shared>> -> memref<10000x128xf32, #tpu.memory_space<vmem_shared>>
      tpu.wait_indirect_dma semaphore(%run_scoped3A : memref<!tpu.dma_semaphore, #tpu.memory_space<semaphore_mem>>) src(%arg9 : memref<80x128xf32, #tpu.memory_space<vmem>>) dst(%dma_wait3A_82 : memref<10000x128xf32, #tpu.memory_space<vmem_shared>>)
      tpu.yield
    }) : () -> ()
    %barrier3A_63 = arith.constant 0 : index
    tpu.barrier barrier_id(%barrier3A_63)
    %mul3A_64 = arith.constant 624 : i32
    %mul3A_65 = arith.muli %arg1, %mul3A_64 : i32
    %mul3A_66 = arith.constant 624 : i32
    %mul3A_67 = arith.muli %arg1, %mul3A_66 : i32
    "tpu.region"() ({
      %run_scoped3A = tpu.sem_alloc : memref<!tpu.dma_semaphore, #tpu.memory_space<semaphore_mem>>
      %dma_start3A_73 = arith.constant 0 : i32
      %dma_start3A_74 = tpu.memref_slice %arg5[%arg0, %mul3A_67, %dma_start3A_73] : memref<2x10000x128xf32, #tpu.memory_space<hbm>> -> memref<1x624x128xf32, #tpu.memory_space<hbm>>
      %dma_start3A_75 = tpu.memref_squeeze %dma_start3A_74 : memref<1x624x128xf32, #tpu.memory_space<hbm>> -> memref<624x128xf32, #tpu.memory_space<hbm>>
      %dma_start3A_76 = arith.constant 0 : i32
      %dma_start3A_77 = tpu.memref_slice %arg19[%mul3A_65, %dma_start3A_76] : memref<10000x128xf32, #tpu.memory_space<vmem_shared>> -> memref<624x128xf32, #tpu.memory_space<vmem_shared>>
      tpu.enqueue_dma source(%dma_start3A_77 : memref<624x128xf32, #tpu.memory_space<vmem_shared>>) target(%dma_start3A_75 : memref<624x128xf32, #tpu.memory_space<hbm>>) target_semaphore(%run_scoped3A : memref<!tpu.dma_semaphore, #tpu.memory_space<semaphore_mem>>)
      %dma_wait3A_78 = arith.constant 0 : i32
      %dma_wait3A_79 = tpu.memref_slice %arg5[%arg0, %mul3A_67, %dma_wait3A_78] : memref<2x10000x128xf32, #tpu.memory_space<hbm>> -> memref<1x624x128xf32, #tpu.memory_space<hbm>>
      %dma_wait3A_80 = tpu.memref_squeeze %dma_wait3A_79 : memref<1x624x128xf32, #tpu.memory_space<hbm>> -> memref<624x128xf32, #tpu.memory_space<hbm>>
      %dma_wait3A_81 = arith.constant 0 : i32
      %dma_wait3A_82 = tpu.memref_slice %arg19[%mul3A_65, %dma_wait3A_81] : memref<10000x128xf32, #tpu.memory_space<vmem_shared>> -> memref<624x128xf32, #tpu.memory_space<vmem_shared>>
      tpu.wait_dma2 semaphore(%run_scoped3A : memref<!tpu.dma_semaphore, #tpu.memory_space<semaphore_mem>>) src(%dma_wait3A_82 : memref<624x128xf32, #tpu.memory_space<vmem_shared>>) dst(%dma_wait3A_80 : memref<624x128xf32, #tpu.memory_space<hbm>>)
      tpu.yield
    }) : () -> ()
    %eq3A_68 = arith.constant 0 : i32
    %eq3A_69 = arith.cmpi eq, %arg1, %eq3A_68 : i32
    %convert_element_type3A_70 = arith.extui %eq3A_69 : i1 to i32
    %cond3A_71 = arith.constant 0 : i32
    %cond3A_72 = arith.cmpi ne, %convert_element_type3A_70, %cond3A_71 : i32
    scf.if %cond3A_72 {
      "tpu.region"() ({
        %run_scoped3A = tpu.sem_alloc : memref<!tpu.dma_semaphore, #tpu.memory_space<semaphore_mem>>
        %dma_start3A_73 = arith.constant 9984 : i32
        %dma_start3A_74 = arith.constant 0 : i32
        %dma_start3A_75 = tpu.memref_slice %arg5[%arg0, %dma_start3A_73, %dma_start3A_74] : memref<2x10000x128xf32, #tpu.memory_space<hbm>> -> memref<1x16x128xf32, #tpu.memory_space<hbm>>
        %dma_start3A_76 = tpu.memref_squeeze %dma_start3A_75 : memref<1x16x128xf32, #tpu.memory_space<hbm>> -> memref<16x128xf32, #tpu.memory_space<hbm>>
        %dma_start3A_77 = arith.constant 9984 : i32
        %dma_start3A_78 = arith.constant 0 : i32
        %dma_start3A_79 = tpu.memref_slice %arg19[%dma_start3A_77, %dma_start3A_78] : memref<10000x128xf32, #tpu.memory_space<vmem_shared>> -> memref<16x128xf32, #tpu.memory_space<vmem_shared>>
        tpu.enqueue_dma source(%dma_start3A_79 : memref<16x128xf32, #tpu.memory_space<vmem_shared>>) target(%dma_start3A_76 : memref<16x128xf32, #tpu.memory_space<hbm>>) target_semaphore(%run_scoped3A : memref<!tpu.dma_semaphore, #tpu.memory_space<semaphore_mem>>)
        %dma_wait3A_80 = arith.constant 9984 : i32
        %dma_wait3A_81 = arith.constant 0 : i32
        %dma_wait3A_82 = tpu.memref_slice %arg5[%arg0, %dma_wait3A_80, %dma_wait3A_81] : memref<2x10000x128xf32, #tpu.memory_space<hbm>> -> memref<1x16x128xf32, #tpu.memory_space<hbm>>
        %dma_wait3A_83 = tpu.memref_squeeze %dma_wait3A_82 : memref<1x16x128xf32, #tpu.memory_space<hbm>> -> memref<16x128xf32, #tpu.memory_space<hbm>>
        %dma_wait3A_84 = arith.constant 9984 : i32
        %dma_wait3A_85 = arith.constant 0 : i32
        %dma_wait3A_86 = tpu.memref_slice %arg19[%dma_wait3A_84, %dma_wait3A_85] : memref<10000x128xf32, #tpu.memory_space<vmem_shared>> -> memref<16x128xf32, #tpu.memory_space<vmem_shared>>
        tpu.wait_dma2 semaphore(%run_scoped3A : memref<!tpu.dma_semaphore, #tpu.memory_space<semaphore_mem>>) src(%dma_wait3A_86 : memref<16x128xf32, #tpu.memory_space<vmem_shared>>) dst(%dma_wait3A_83 : memref<16x128xf32, #tpu.memory_space<hbm>>)
        tpu.yield
      }) : () -> ()
    } else {
    }
    return
  }
}

module attributes {stable_mosaic.version = 14 : i64} {
  func.func @_tc_mlp_body(%arg0: memref<10000x16xf32, #tpu.memory_space<vmem>>, %arg1: memref<16x128xf32, #tpu.memory_space<vmem>>, %arg2: memref<1x128xf32, #tpu.memory_space<vmem>>, %arg3: memref<128x128xf32, #tpu.memory_space<vmem>>, %arg4: memref<1x128xf32, #tpu.memory_space<vmem>>, %arg5: memref<10000x128xf32, #tpu.memory_space<vmem>>) attributes {dimension_semantics = [], scalar_prefetch = 0 : i64, scratch_operands = 0 : i64, tpu.core_type = #tpu.core_type<tc>} {
    %get3A = arith.constant 0 : index
    %get3A_0 = arith.constant 0 : index
    %get3A_1 = vector.load %arg0[%get3A, %get3A_0] : memref<10000x16xf32, #tpu.memory_space<vmem>>, vector<10000x16xf32>
    %get3A_2 = arith.constant 0 : index
    %get3A_3 = arith.constant 0 : index
    %get3A_4 = vector.load %arg1[%get3A_2, %get3A_3] : memref<16x128xf32, #tpu.memory_space<vmem>>, vector<16x128xf32>
    %dot_general3A = arith.constant dense<0.000000e+00> : vector<10000x128xf32>
    %dot_general3A_5 = tpu.matmul %get3A_1, %get3A_4, %dot_general3A {dimension_numbers = #tpu.dot_dimension_numbers<[1], [0], [0], [1], [0, 0, 1, 1], [], []>, transpose_lhs_hint = false} : vector<10000x16xf32>, vector<16x128xf32>, vector<10000x128xf32> -> vector<10000x128xf32>
    %get3A_6 = arith.constant 0 : index
    %get3A_7 = arith.constant 0 : index
    %get3A_8 = vector.load %arg2[%get3A_6, %get3A_7] : memref<1x128xf32, #tpu.memory_space<vmem>>, vector<1x128xf32>
    %add3A = vector.broadcast %get3A_8 : vector<1x128xf32> to vector<10000x128xf32>
    %add3A_9 = arith.addf %dot_general3A_5, %add3A : vector<10000x128xf32>
    %max3A = arith.constant 0.000000e+00 : f32
    %max3A_10 = vector.broadcast %max3A : f32 to vector<10000x128xf32>
    %max3A_11 = arith.maximumf %add3A_9, %max3A_10 : vector<10000x128xf32>
    %get3A_12 = arith.constant 0 : index
    %get3A_13 = arith.constant 0 : index
    %get3A_14 = vector.load %arg3[%get3A_12, %get3A_13] : memref<128x128xf32, #tpu.memory_space<vmem>>, vector<128x128xf32>
    %dot_general3A_15 = arith.constant dense<0.000000e+00> : vector<10000x128xf32>
    %dot_general3A_16 = tpu.matmul %max3A_11, %get3A_14, %dot_general3A_15 {dimension_numbers = #tpu.dot_dimension_numbers<[1], [0], [0], [1], [0, 0, 1, 1], [], []>, transpose_lhs_hint = false} : vector<10000x128xf32>, vector<128x128xf32>, vector<10000x128xf32> -> vector<10000x128xf32>
    %get3A_17 = arith.constant 0 : index
    %get3A_18 = arith.constant 0 : index
    %get3A_19 = vector.load %arg4[%get3A_17, %get3A_18] : memref<1x128xf32, #tpu.memory_space<vmem>>, vector<1x128xf32>
    %add3A_20 = vector.broadcast %get3A_19 : vector<1x128xf32> to vector<10000x128xf32>
    %add3A_21 = arith.addf %dot_general3A_16, %add3A_20 : vector<10000x128xf32>
    %swap3A = arith.constant 0 : index
    %swap3A_22 = arith.constant 0 : index
    %swap3A_23 = vector.load %arg5[%swap3A, %swap3A_22] : memref<10000x128xf32, #tpu.memory_space<vmem>>, vector<10000x128xf32>
    tpu.vector_store %arg5[%swap3A, %swap3A_22], %add3A_21 {strides = array<i32>} : memref<10000x128xf32, #tpu.memory_space<vmem>>, vector<10000x128xf32>,
    return
  }
}

module attributes {stable_mosaic.version = 14 : i64} {
  func.func @_tc_g0_body(%arg0: memref<10000x128xf32, #tpu.memory_space<vmem>>, %arg1: memref<2x10000x16xf32, #tpu.memory_space<vmem>>, %arg2: memref<128x128xf32, #tpu.memory_space<vmem>>, %arg3: memref<10000x128xf32, #tpu.memory_space<vmem>>, %arg4: memref<10000x1xf32, #tpu.memory_space<vmem>>) attributes {dimension_semantics = [], scalar_prefetch = 0 : i64, scratch_operands = 0 : i64, tpu.core_type = #tpu.core_type<tc>} {
    %get3A = arith.constant 0 : index
    %get3A_0 = arith.constant 0 : index
    %get3A_1 = arith.constant 0 : index
    %get3A_2 = vector.load %arg1[%get3A, %get3A_0, %get3A_1] : memref<2x10000x16xf32, #tpu.memory_space<vmem>>, vector<1x10000x16xf32>
    %get3A_3 = vector.shape_cast %get3A_2 : vector<1x10000x16xf32> to vector<10000x16xf32>
    %slice3A = vector.extract_strided_slice %get3A_3 {offsets = [0, 0], sizes = [10000, 1], strides = [1, 1]} : vector<10000x16xf32> to vector<10000x1xf32>
    %get3A_4 = arith.constant 1 : index
    %get3A_5 = arith.constant 0 : index
    %get3A_6 = arith.constant 0 : index
    %get3A_7 = vector.load %arg1[%get3A_4, %get3A_5, %get3A_6] : memref<2x10000x16xf32, #tpu.memory_space<vmem>>, vector<1x10000x16xf32>
    %get3A_8 = vector.shape_cast %get3A_7 : vector<1x10000x16xf32> to vector<10000x16xf32>
    %slice3A_9 = vector.extract_strided_slice %get3A_8 {offsets = [0, 0], sizes = [10000, 1], strides = [1, 1]} : vector<10000x16xf32> to vector<10000x1xf32>
    %add3A = arith.addf %slice3A, %slice3A_9 : vector<10000x1xf32>
    %sub3A = arith.constant 1.000000e+00 : f32
    %sub3A_10 = vector.broadcast %sub3A : f32 to vector<10000x1xf32>
    %sub3A_11 = arith.subf %add3A, %sub3A_10 : vector<10000x1xf32>
    %sqrt3A = math.sqrt %sub3A_11 : vector<10000x1xf32>
    %div3A = arith.constant 1.000000e+00 : f32
    %div3A_12 = vector.broadcast %div3A : f32 to vector<10000x1xf32>
    %div3A_13 = arith.divf %div3A_12, %sqrt3A : vector<10000x1xf32>
    %get3A_14 = arith.constant 0 : index
    %get3A_15 = arith.constant 0 : index
    %get3A_16 = vector.load %arg0[%get3A_14, %get3A_15] : memref<10000x128xf32, #tpu.memory_space<vmem>>, vector<10000x128xf32>
    %get3A_17 = arith.constant 0 : index
    %get3A_18 = arith.constant 0 : index
    %get3A_19 = vector.load %arg2[%get3A_17, %get3A_18] : memref<128x128xf32, #tpu.memory_space<vmem>>, vector<128x128xf32>
    %dot_general3A = arith.constant dense<0.000000e+00> : vector<10000x128xf32>
    %dot_general3A_20 = tpu.matmul %get3A_16, %get3A_19, %dot_general3A {dimension_numbers = #tpu.dot_dimension_numbers<[1], [0], [0], [1], [0, 0, 1, 1], [], []>, transpose_lhs_hint = false} : vector<10000x128xf32>, vector<128x128xf32>, vector<10000x128xf32> -> vector<10000x128xf32>
    %mul3A = vector.broadcast %div3A_13 : vector<10000x1xf32> to vector<10000x128xf32>
    %mul3A_21 = arith.mulf %mul3A, %dot_general3A_20 : vector<10000x128xf32>
    %swap3A = arith.constant 0 : index
    %swap3A_22 = arith.constant 0 : index
    %swap3A_23 = vector.load %arg3[%swap3A, %swap3A_22] : memref<10000x128xf32, #tpu.memory_space<vmem>>, vector<10000x128xf32>
    tpu.vector_store %arg3[%swap3A, %swap3A_22], %mul3A_21 {strides = array<i32>} : memref<10000x128xf32, #tpu.memory_space<vmem>>, vector<10000x128xf32>,
    %swap3A_24 = arith.constant 0 : index
    %swap3A_25 = arith.constant 0 : index
    %swap3A_26 = vector.load %arg4[%swap3A_24, %swap3A_25] : memref<10000x1xf32, #tpu.memory_space<vmem>>, vector<10000x1xf32>
    tpu.vector_store %arg4[%swap3A_24, %swap3A_25], %div3A_13 {strides = array<i32>} : memref<10000x1xf32, #tpu.memory_space<vmem>>, vector<10000x1xf32>,
    return
  }
}

module attributes {stable_mosaic.version = 14 : i64} {
  func.func @_tc_layer_body(%arg0: memref<2x10000x128xf32, #tpu.memory_space<vmem>>, %arg1: memref<10000x128xf32, #tpu.memory_space<vmem>>, %arg2: memref<10000x1xf32, #tpu.memory_space<vmem>>, %arg3: memref<1x128xf32, #tpu.memory_space<vmem>>, %arg4: memref<128x128xf32, #tpu.memory_space<vmem>>, %arg5: memref<10000x128xf32, #tpu.memory_space<vmem>>) attributes {dimension_semantics = [], scalar_prefetch = 0 : i64, scratch_operands = 0 : i64, tpu.core_type = #tpu.core_type<tc>} {
    %get3A = arith.constant 0 : index
    %get3A_0 = arith.constant 0 : index
    %get3A_1 = vector.load %arg2[%get3A, %get3A_0] : memref<10000x1xf32, #tpu.memory_space<vmem>>, vector<10000x1xf32>
    %get3A_2 = arith.constant 0 : index
    %get3A_3 = arith.constant 0 : index
    %get3A_4 = arith.constant 0 : index
    %get3A_5 = vector.load %arg0[%get3A_2, %get3A_3, %get3A_4] : memref<2x10000x128xf32, #tpu.memory_space<vmem>>, vector<1x10000x128xf32>
    %get3A_6 = vector.shape_cast %get3A_5 : vector<1x10000x128xf32> to vector<10000x128xf32>
    %get3A_7 = arith.constant 1 : index
    %get3A_8 = arith.constant 0 : index
    %get3A_9 = arith.constant 0 : index
    %get3A_10 = vector.load %arg0[%get3A_7, %get3A_8, %get3A_9] : memref<2x10000x128xf32, #tpu.memory_space<vmem>>, vector<1x10000x128xf32>
    %get3A_11 = vector.shape_cast %get3A_10 : vector<1x10000x128xf32> to vector<10000x128xf32>
    %add3A = arith.addf %get3A_6, %get3A_11 : vector<10000x128xf32>
    %get3A_12 = arith.constant 0 : index
    %get3A_13 = arith.constant 0 : index
    %get3A_14 = vector.load %arg1[%get3A_12, %get3A_13] : memref<10000x128xf32, #tpu.memory_space<vmem>>, vector<10000x128xf32>
    %sub3A = arith.subf %add3A, %get3A_14 : vector<10000x128xf32>
    %mul3A = vector.broadcast %get3A_1 : vector<10000x1xf32> to vector<10000x128xf32>
    %mul3A_15 = arith.mulf %mul3A, %sub3A : vector<10000x128xf32>
    %get3A_16 = arith.constant 0 : index
    %get3A_17 = arith.constant 0 : index
    %get3A_18 = vector.load %arg3[%get3A_16, %get3A_17] : memref<1x128xf32, #tpu.memory_space<vmem>>, vector<1x128xf32>
    %add3A_19 = vector.broadcast %get3A_18 : vector<1x128xf32> to vector<10000x128xf32>
    %add3A_20 = arith.addf %mul3A_15, %add3A_19 : vector<10000x128xf32>
    %max3A = arith.constant 0.000000e+00 : f32
    %max3A_21 = vector.broadcast %max3A : f32 to vector<10000x128xf32>
    %max3A_22 = arith.maximumf %add3A_20, %max3A_21 : vector<10000x128xf32>
    %get3A_23 = arith.constant 0 : index
    %get3A_24 = arith.constant 0 : index
    %get3A_25 = vector.load %arg4[%get3A_23, %get3A_24] : memref<128x128xf32, #tpu.memory_space<vmem>>, vector<128x128xf32>
    %dot_general3A = arith.constant dense<0.000000e+00> : vector<10000x128xf32>
    %dot_general3A_26 = tpu.matmul %max3A_22, %get3A_25, %dot_general3A {dimension_numbers = #tpu.dot_dimension_numbers<[1], [0], [0], [1], [0, 0, 1, 1], [], []>, transpose_lhs_hint = false} : vector<10000x128xf32>, vector<128x128xf32>, vector<10000x128xf32> -> vector<10000x128xf32>
    %mul3A_27 = vector.broadcast %get3A_1 : vector<10000x1xf32> to vector<10000x128xf32>
    %mul3A_28 = arith.mulf %mul3A_27, %dot_general3A_26 : vector<10000x128xf32>
    %swap3A = arith.constant 0 : index
    %swap3A_29 = arith.constant 0 : index
    %swap3A_30 = vector.load %arg5[%swap3A, %swap3A_29] : memref<10000x128xf32, #tpu.memory_space<vmem>>, vector<10000x128xf32>
    tpu.vector_store %arg5[%swap3A, %swap3A_29], %mul3A_28 {strides = array<i32>} : memref<10000x128xf32, #tpu.memory_space<vmem>>, vector<10000x128xf32>,
    return
  }
}

module attributes {stable_mosaic.version = 14 : i64} {
  func.func @_tc_final_body(%arg0: memref<2x10000x128xf32, #tpu.memory_space<vmem>>, %arg1: memref<10000x128xf32, #tpu.memory_space<vmem>>, %arg2: memref<10000x1xf32, #tpu.memory_space<vmem>>, %arg3: memref<1x128xf32, #tpu.memory_space<vmem>>, %arg4: memref<10000x1xi32, #tpu.memory_space<vmem>>, %arg5: memref<128x1xf32, #tpu.memory_space<vmem>>, %arg6: memref<1x1xf32, #tpu.memory_space<vmem>>, %arg7: memref<64x1xf32, #tpu.memory_space<vmem>>) attributes {dimension_semantics = [], scalar_prefetch = 0 : i64, scratch_operands = 0 : i64, tpu.core_type = #tpu.core_type<tc>} {
    %get3A = arith.constant 0 : index
    %get3A_0 = arith.constant 0 : index
    %get3A_1 = vector.load %arg2[%get3A, %get3A_0] : memref<10000x1xf32, #tpu.memory_space<vmem>>, vector<10000x1xf32>
    %get3A_2 = arith.constant 0 : index
    %get3A_3 = arith.constant 0 : index
    %get3A_4 = arith.constant 0 : index
    %get3A_5 = vector.load %arg0[%get3A_2, %get3A_3, %get3A_4] : memref<2x10000x128xf32, #tpu.memory_space<vmem>>, vector<1x10000x128xf32>
    %get3A_6 = vector.shape_cast %get3A_5 : vector<1x10000x128xf32> to vector<10000x128xf32>
    %get3A_7 = arith.constant 1 : index
    %get3A_8 = arith.constant 0 : index
    %get3A_9 = arith.constant 0 : index
    %get3A_10 = vector.load %arg0[%get3A_7, %get3A_8, %get3A_9] : memref<2x10000x128xf32, #tpu.memory_space<vmem>>, vector<1x10000x128xf32>
    %get3A_11 = vector.shape_cast %get3A_10 : vector<1x10000x128xf32> to vector<10000x128xf32>
    %add3A = arith.addf %get3A_6, %get3A_11 : vector<10000x128xf32>
    %get3A_12 = arith.constant 0 : index
    %get3A_13 = arith.constant 0 : index
    %get3A_14 = vector.load %arg1[%get3A_12, %get3A_13] : memref<10000x128xf32, #tpu.memory_space<vmem>>, vector<10000x128xf32>
    %sub3A = arith.subf %add3A, %get3A_14 : vector<10000x128xf32>
    %mul3A = vector.broadcast %get3A_1 : vector<10000x1xf32> to vector<10000x128xf32>
    %mul3A_15 = arith.mulf %mul3A, %sub3A : vector<10000x128xf32>
    %get3A_16 = arith.constant 0 : index
    %get3A_17 = arith.constant 0 : index
    %get3A_18 = vector.load %arg3[%get3A_16, %get3A_17] : memref<1x128xf32, #tpu.memory_space<vmem>>, vector<1x128xf32>
    %add3A_19 = vector.broadcast %get3A_18 : vector<1x128xf32> to vector<10000x128xf32>
    %add3A_20 = arith.addf %mul3A_15, %add3A_19 : vector<10000x128xf32>
    %max3A = arith.constant 0.000000e+00 : f32
    %max3A_21 = vector.broadcast %max3A : f32 to vector<10000x128xf32>
    %max3A_22 = arith.maximumf %add3A_20, %max3A_21 : vector<10000x128xf32>
    %get3A_23 = arith.constant 0 : index
    %get3A_24 = arith.constant 0 : index
    %get3A_25 = vector.load %arg4[%get3A_23, %get3A_24] : memref<10000x1xi32, #tpu.memory_space<vmem>>, vector<10000x1xi32>
    %iota3A = tpu.iota {dimensions = array<i32: 1>} : vector<10000x64xi32>
    %eq3A = vector.broadcast %get3A_25 : vector<10000x1xi32> to vector<10000x64xi32>
    %eq3A_26 = arith.cmpi eq, %eq3A, %iota3A : vector<10000x64xi32>
    %convert_element_type3A = arith.extui %eq3A_26 : vector<10000x64xi1> to vector<10000x64xi32>
    %convert_element_type3A_27 = arith.sitofp %convert_element_type3A : vector<10000x64xi32> to vector<10000x64xf32>
    %dot_general3A = arith.constant dense<0.000000e+00> : vector<64x128xf32>
    %dot_general3A_28 = tpu.matmul %convert_element_type3A_27, %max3A_22, %dot_general3A {dimension_numbers = #tpu.dot_dimension_numbers<[0], [0], [1], [1], [0, 1, 1, 1], [], []>, transpose_lhs_hint = false} : vector<10000x64xf32>, vector<10000x128xf32>, vector<64x128xf32> -> vector<64x128xf32>
    %broadcast_in_dim3A = arith.constant 1.000000e+00 : f32
    %broadcast_in_dim3A_29 = vector.broadcast %broadcast_in_dim3A : f32 to vector<10000x1xf32>
    %dot_general3A_30 = arith.constant dense<0.000000e+00> : vector<64x1xf32>
    %dot_general3A_31 = tpu.matmul %convert_element_type3A_27, %broadcast_in_dim3A_29, %dot_general3A_30 {dimension_numbers = #tpu.dot_dimension_numbers<[0], [0], [1], [1], [0, 1, 1, 1], [], []>, transpose_lhs_hint = false} : vector<10000x64xf32>, vector<10000x1xf32>, vector<64x1xf32> -> vector<64x1xf32>
    %max3A_32 = arith.constant 1.000000e+00 : f32
    %max3A_33 = vector.broadcast %max3A_32 : f32 to vector<64x1xf32>
    %max3A_34 = arith.maximumf %dot_general3A_31, %max3A_33 : vector<64x1xf32>
    %div3A = vector.broadcast %max3A_34 : vector<64x1xf32> to vector<64x128xf32>
    %div3A_35 = arith.divf %dot_general3A_28, %div3A : vector<64x128xf32>
    %get3A_36 = arith.constant 0 : index
    %get3A_37 = arith.constant 0 : index
    %get3A_38 = vector.load %arg5[%get3A_36, %get3A_37] : memref<128x1xf32, #tpu.memory_space<vmem>>, vector<128x1xf32>
    %dot_general3A_39 = arith.constant dense<0.000000e+00> : vector<64x1xf32>
    %dot_general3A_40 = tpu.matmul %div3A_35, %get3A_38, %dot_general3A_39 {dimension_numbers = #tpu.dot_dimension_numbers<[1], [0], [0], [1], [0, 0, 1, 1], [], []>, transpose_lhs_hint = false} : vector<64x128xf32>, vector<128x1xf32>, vector<64x1xf32> -> vector<64x1xf32>
    %get3A_41 = arith.constant 0 : index
    %get3A_42 = arith.constant 0 : index
    %get3A_43 = vector.load %arg6[%get3A_41, %get3A_42] : memref<1x1xf32, #tpu.memory_space<vmem>>, vector<1x1xf32>
    %add3A_44 = vector.broadcast %get3A_43 : vector<1x1xf32> to vector<64x1xf32>
    %add3A_45 = arith.addf %dot_general3A_40, %add3A_44 : vector<64x1xf32>
    %swap3A = arith.constant 0 : index
    %swap3A_46 = arith.constant 0 : index
    %swap3A_47 = vector.load %arg7[%swap3A, %swap3A_46] : memref<64x1xf32, #tpu.memory_space<vmem>>, vector<64x1xf32>
    tpu.vector_store %arg7[%swap3A, %swap3A_46], %add3A_45 {strides = array<i32>} : memref<64x1xf32, #tpu.memory_space<vmem>>, vector<64x1xf32>,
    return
  }
}

</mosaic_0001>

<sc_bundles>
// kernel: kernel.11.cloned.1.call-start
scs
__scs_entry_jumppad:
0x0: {  	(pc) =	sbr.rel $0x88, $3  }
0x1: {  	(tag) =	ssettag $0x0;
	lr =	simm.s32 $0x1  }
0x2: {  	[smem:$0x3F92] =	sst lr;
	_ =	strace $0xD0000000  }
0x3: {  	_ = 	snop  }
0x4: {  	_ = 	snop  }
0x5: {  	_ = 	snop  }
0x6: {  	_ = 	snop  }
0x7: {  	_ = 	snop  }
__scs_overlays_trampoline_lowered:
0x8: {  	[smem:$0x3FA1] =	sst s0  }
0x9: {  	[smem:$0x3FA2] =	sst s1  }
0xa: {  	[smem:$0x3FA3] =	sst s2  }
0xb: {  	[smem:$0x3FA4] =	sst s3  }
0xc: {  	[smem:$0x3FA5] =	sst s4  }
0xd: {  	[smem:$0x3FA6] =	sst s5  }
0xe: {  	[smem:$0x3FA7] =	sst s6  }
0xf: {  	[smem:$0x3FA8] =	sst s7  }
0x10: {  	[smem:$0x3FA9] =	sst s8  }
0x11: {  	[smem:$0x3FAA] =	sst s9;
	s0 =	simm.s32 @!p0 $0x0  }
0x12: {  	s1 =	sld [smem:$0x3F90];
	s0 =	simm.s32 @p0 $0x1  }
0x13: {  	[smem:$0x3FAB] =	sst s0;
	s0 =	simm.s32 @!p1 $0x0  }
0x14: {  	s2 =	sld [smem:$0x3F8F];
	s0 =	simm.s32 @p1 $0x1  }
0x15: {  	[smem:$0x3FAC] =	sst s0;
	s0 =	simm.s32 @!p2 $0x0  }
0x16: {  	s3 =	sld [smem:$0x3FDB];
	s0 =	simm.s32 @p2 $0x1  }
0x17: {  	s4 =	simm.s32 $0x1BF5;
	[smem:$0x3FAE] =	sst s0  }
0x18: {  	s0 =	sld [smem:$0x3F91];
	_ =	swait.ge [sflag:s4], $0x0  }
0x19: {  	s7 =	sld [smem:$0x3F92]  }
0x1a: {  	s8 =	sadd.s32 $0xFFFFE003, lr  }
0x1b: {  	s9 =	sadd.s32 $0xFFFFFEF7, lr;
	s5 =	simm.s32 $0xFFFFFFFF;
	p2 =	slt.u32 s8, $0xFFFFF086  }
0x1c: {  	p1 =	slt.u32 s9, $0xF7A;
	s5 =	simm.s32 @!p2 $0x0  }
0x1d: {  	s5 =	simm.s32 @p1 $0x1;
	p0 =	seq.s32 s7, s2  }
0x1e: {  	s7 =	smul.u32 @!p0 $0xF7A, s2;
	p2 =	seq.s32 @!p0 s5, $0x0  }
0x1f: {  	s9 =	smul.u32 $0xF7A, s1;
	s8 =	simm.s32 @!p0 $0x1BF5;
	p2 =	por !p2, p0  }
0x20: {  	[sflag:s8] =	ssyncset.s32 @!p0 $0xFFFFF086;
	s6 =	sadd.s32 @!p0 s3, s7;
	s7 =	simm.s32 @!p0 $0x108  }
0x21: {  	s3 =	sadd.s32 s3, s9;
	s6 =	sadd.s32 @!p0 $0x88, s6;
	s7 =	simm.s32 @p2 $0x1082  }
0x22: {  	[simem:s7], [sflag:s8] =	dma.local @!p0 [hbm:s6], $0xF7A  }
0x23: {  	s9 =	sor.u32 $0xD0000000, s2;
	s6 =	simm.s32 $0x108;
	_ =	swait.ge @!p0 [sflag:s8], $0x0  }
0x24: {  	s3 =	sadd.s32 $0x88, s3;
	s6 =	simm.s32 @!p1 $0x1082;
	[sflag:s4] =	ssyncset.s32 $0xFFFFF086  }
0x25: {  	[simem:s6], [sflag:s4] =	dma.local [hbm:s3], $0xF7A  }
0x26: {  	[smem:$0x3F92] =	sst s1;
	(tag) =	ssettag s2;
	_ =	strace s9  }
0x27: {  	s1 =	sld [smem:$0x3FA2]  }
0x28: {  	s2 =	sld [smem:$0x3FA3]  }
0x29: {  	s4 =	sld [smem:$0x3FA5]  }
0x2a: {  	p0 =	seq.s32 s5, $0x0;
	s5 =	sld [smem:$0x3FA6]  }
0x2b: {  	s6 =	sld [smem:$0x3FA7]  }
0x2c: {  	s7 =	sld [smem:$0x3FA8]  }
0x2d: {  	s3 =	simm.s32 $0x108;
	s8 =	sld [smem:$0x3FA9]  }
0x2e: {  	s3 =	simm.s32 @!p0 $0x1082;
	s9 =	sld [smem:$0x3FAA]  }
0x2f: {  	lr =	sadd.s32 s0, s3;
	s0 =	sld [smem:$0x3FA1]  }
0x30: {  	s3 =	sld [smem:$0x3FA4]  }
0x31: {  	[smem:$0x3FAD] =	sst s10  }
0x32: {  	s10 =	sld [smem:$0x3FAB];
	_ =	sdelay $0x3  }
0x33: {  	p0 =	seq.s32 s10, $0x1;
	s10 =	sld [smem:$0x3FAD];
	_ =	sdelay $0x3  }
0x34: {  	[smem:$0x3FAD] =	sst s10  }
0x35: {  	s10 =	sld [smem:$0x3FAC];
	_ =	sdelay $0x3  }
0x36: {  	p1 =	seq.s32 s10, $0x1;
	s10 =	sld [smem:$0x3FAD];
	_ =	sdelay $0x3  }
0x37: {  	[smem:$0x3FAD] =	sst s10  }
0x38: {  	s10 =	sld [smem:$0x3FAE]  }
0x39: {  	_ = 	snop;
	(pc) =	sbr.ind lr, $3  }
0x3a: {  	_ = 	snop  }
0x3b: {  	_ = 	snop  }
0x3c: {  	p2 =	seq.s32 s10, $0x1;
	s10 =	sld [smem:$0x3FAD]  }
0x3d: {  	_ =	shalt  }
0x3e: {  	_ =	shalt  }
0x3f: {  	_ =	shalt  }
0x40: {  	_ =	shalt  }
0x41: {  	_ =	shalt  }
0x42: {  	_ =	shalt  }
0x43: {  	_ =	shalt  }
0x44: {  	_ =	shalt  }
0x45: {  	_ =	shalt  }
0x46: {  	_ =	shalt  }
0x47: {  	_ =	shalt  }
0x48: {  	_ =	shalt  }
0x49: {  	_ =	shalt  }
0x4a: {  	_ =	shalt  }
0x4b: {  	_ =	shalt  }
0x4c: {  	_ =	shalt  }
0x4d: {  	_ =	shalt  }
0x4e: {  	_ =	shalt  }
0x4f: {  	_ =	shalt  }
0x50: {  	_ =	shalt  }
0x51: {  	_ =	shalt  }
0x52: {  	_ =	shalt  }
0x53: {  	_ =	shalt  }
0x54: {  	_ =	shalt  }
0x55: {  	_ =	shalt  }
0x56: {  	_ =	shalt  }
0x57: {  	_ =	shalt  }
0x58: {  	_ =	shalt  }
0x59: {  	_ =	shalt  }
0x5a: {  	_ =	shalt  }
0x5b: {  	_ =	shalt  }
0x5c: {  	_ =	shalt  }
0x5d: {  	_ =	shalt  }
0x5e: {  	_ =	shalt  }
0x5f: {  	_ =	shalt  }
0x60: {  	_ =	shalt  }
0x61: {  	_ =	shalt  }
0x62: {  	_ =	shalt  }
0x63: {  	_ =	shalt  }
0x64: {  	_ =	shalt  }
0x65: {  	_ =	shalt  }
0x66: {  	_ =	shalt  }
0x67: {  	_ =	shalt  }
0x68: {  	_ =	shalt  }
0x69: {  	_ =	shalt  }
0x6a: {  	_ =	shalt  }
0x6b: {  	_ =	shalt  }
0x6c: {  	_ =	shalt  }
0x6d: {  	_ =	shalt  }
0x6e: {  	_ =	shalt  }
0x6f: {  	_ =	shalt  }
0x70: {  	_ =	shalt  }
0x71: {  	_ =	shalt  }
0x72: {  	_ =	shalt  }
0x73: {  	_ =	shalt  }
0x74: {  	_ =	shalt  }
0x75: {  	_ =	shalt  }
0x76: {  	_ =	shalt  }
0x77: {  	_ =	shalt  }
0x78: {  	_ =	shalt  }
0x79: {  	_ =	shalt  }
0x7a: {  	_ =	shalt  }
0x7b: {  	_ =	shalt  }
0x7c: {  	_ =	shalt  }
0x7d: {  	_ =	shalt  }
0x7e: {  	_ =	shalt  }
0x7f: {  	_ =	shalt  }
0x80: {  	_ =	shalt  }
0x81: {  	_ =	shalt  }
0x82: {  	_ =	shalt  }
0x83: {  	_ =	shalt  }
0x84: {  	_ =	shalt  }
0x85: {  	_ =	shalt  }
0x86: {  	_ =	shalt  }
0x87: {  	_ =	shalt  }
.Lfunc_end0:
.L_simem_size_0:
called_computation_lowered:
.L_overlay_start_0:
0x88: {  	s2 =	sld [smem:$0x3FD9]  }
0x89: {  	s3 =	sld [smem:$0x3FFE];
	_ =	sdelay $0x1  }
0x8a: {  	s1 =	srdreg.scid  }
0x8b: {  	s0 =	sand.u32 $0x1, s1  }
0x8c: {  	s16 =	sshll.u32 s0, $0xA;
	s2 =	sadd.s32 s3, s2  }
0x8d: {  	s2 =	sadd.s32 s2, s16  }
0x8e: {  	[smem:$0x3FB9] =	sst s2  }
0x8f: {  	_ = 	snop  }
0x90: {  	(tm) =	ssettm $0x1  }
0x91: {  	s17 =	sld [smem:$0x3FFB];
	_ =	sdelay $0x3  }
0x92: {  	_ =	strace s17  }
0x93: {  	s2 =	sld [smem:$0x3FFC];
	_ =	sdelay $0x3  }
0x94: {  	_ =	strace s2  }
0x95: {  	s2 =	sld [smem:$0x3FFD];
	_ =	sdelay $0x3  }
0x96: {  	_ =	strace s2  }
0x97: {  	_ =	strace $0x8FFFFFFF  }
0x98: {  	s18 =	sld [smem:$0x3FDB];
	_ =	sdelay $0x1  }
0x99: {  	s19 =	simm.s32 $_scs_section_size  }
0x9a: {  	s4 =	simm.s32 $_size__tile_overlayer_lowered;
	s5 =	simm.s32 $_tile_overlayer_lowered  }
0x9b: {  	s22 =	simm.s32 $0x1BFF;
	s21 =	sshll.u32 s5, $0x1;
	s2 =	sadd.s32 s19, s18  }
0x9c: {  	s6 =	simm.s32 $0x0;
	s20 =	sshll.u32 s4, $0x1;
	s4 =	sadd.s32 s21, s2  }
0x9d: {  	[timem:s6], [sflag:s22] =	dma.local [hbm:s4], s20  }
0x9e: {  	_ =	swait.ge [sflag:s22], s20  }
0x9f: {  	s3 =	ssub.s32 $0x0, s20;
	[sflag:s22] =	ssyncset.done $0x0  }
0xa0: {  	[sflag:s22] =	ssyncadd.s32 s3;
	_ =	sdelay $0x1  }
0xa1: {  	s23 =	simm.s32 $0x1B8B  }
0xa2: {  	_ =	swait.ge [sflag:s23], $0x1  }
0xa3: {  	[sflag:s23] =	ssyncset.done $0x0  }
0xa4: {  	s25 =	simm.s32 $0x1B8E;
	s24 =	sld [smem:$0x3FFE];
	[sflag:s23] =	ssyncadd.s32 $0xFFFFFFFF  }
0xa5: {  	s26 =	simm.s32 $execute0_lowered;
	[smem:$0x3FD2] =	sst s25  }
0xa6: {  	s4 =	sshll.u32 s26, $0x1;
	_ =	strace $0x80000046;
	[dreg:$0x1] =	wrdreg $0xFFFFFFFF  }
0xa7: {  	s28 =	simm.s32 $_size_execute0_lowered;
	s2 =	sadd.s32 s2, s4;
	[dreg:$0x0] =	wrdreg $0x0  }
0xa8: {  	s4 =	sshll.u32 s28, $0x1;
	[dreg:$0x2] =	wrdreg s2  }
0xa9: {  	[dreg:$0x3] =	wrdreg s4  }
0xaa: {  	[dreg:$0x4] =	wrdreg $0xC0  }
0xab: {  	_ =	task [dreg:s6], $0x5FFFF  }
0xac: {  	[dreg:$0x1] =	wrdreg $0xFFFFFFFF  }
0xad: {  	[dreg:$0x0] =	wrdreg $0x60  }
0xae: {  	[dreg:$0x2] =	wrdreg s24  }
0xaf: {  	[dreg:$0x3] =	wrdreg $0x68000  }
0xb0: {  	[dreg:$0x4] =	wrdreg $0x9  }
0xb1: {  	_ =	task.clear_ibuf [dreg:s6], $0x5FFFF;
	_ =	strace $0x90000046  }
0xb2: {  	s29 =	simm.s32 $0x9;
	_ =	strace $0x80000048  }
0xb3: {  	_ =	swait.ge [sflag:s29], $0x1  }
0xb4: {  	[sflag:s29] =	ssyncadd.s32 $0xFFFFFFFF  }
0xb5: {  	_ =	strace $0x90000048  }
0xb6: {  	_ =	sfence  }
0xb7: {  	s30 =	sld [smem:$0x0];
	_ =	sdelay $0x2  }
0xb8: {  	s31 =	sshll.u32 s1, $0xD;
	s1 =	sshrl.u32 s1, $0x2  }
0xb9: {  	s3 =	sand.u32 $0x4000, s31;
	s1 =	sadd.s32 s1, s30  }
0xba: {  	s0 =	sor.u32 s3, s0;
	s1 =	sshll.u32 s1, $0x11  }
0xbb: {  	s0 =	sor.u32 s1, s0  }
0xbc: {  	s0 =	sadd.s32 $0x8F2B, s0  }
0xbd: {  	[sflag:s0] =	ssyncadd.remote.s32 $0x1  }
0xbe: {  	_ =	sfence.sel $0xFFFF  }
0xbf: {  	[dreg:$0x0] =	wrdreg $0xFFFFFFFF;
	(pc) =	sbr.abs _section_cstart, $3  }
0xc0: {  	[dreg:$0x1] =	wrdreg $0xFFFFFFFF  }
0xc1: {  	_ =	task.clear_ibuf [dreg:s6], $0x2FFFF;
	_ =	strace $0x9FFFFFFF  }
0xc2: {  	(tm) =	ssettm $0x7FFFFFFF  }
0xc3: {  	_ =	shalt  }
tec
execute0_lowered:
.L_overlay_start_1:
0x0: {  	(tag) =	ssettag $0x1  }
0x1: {  	s7 =	rddreg [dreg:$0x0]  }
0x2: {  	s1 =	rddreg [dreg:$0x1]  }
0x3: {  	s0 =	rddreg [dreg:$0x2];
	s2 =	simm.s32 $0x0;
	s11 =	stileid.u32  }
0x4: {  	s4 =	srdreg.scid;
	s15 =	simm.s32 $0x1;
	s16 =	simm.s32 $0x50  }
0x5: {  	s17 =	simm.s32 $0x2;
	s18 =	simm.s32 $0x3;
	s19 =	simm.s32 $0x4  }
0x6: {  	s20 =	simm.s32 $0x5;
	s21 =	simm.s32 $0x3E00;
	s22 =	simm.s32 $0x0  }
0x7: {  	[smem:$0x7FF] =	sst s2;
	s3 =	sadd.s32 $0x13000, s7;
	s5 =	sshll.u32 s11, $0xB  }
0x8: {  	s6 =	sand.u32 $0x1, s4;
	s9 =	sadd.s32 $0x3A200, s7;
	s12 =	smul.u32 $0x4E000, s11  }
0x9: {  	s26 =	smul.u32 $0x13800, s11;
	s31 =	sshll.u32 s11, $0x6;
	s14 =	sadd.s32 $0x138000, s1  }
0xa: {  	p0 =	sne.s32 s11, $0x0;
	_ =	strace $0x80000047;
	s24 =	sadd.s32 s5, s7  }
0xb: {  	s25 =	ssub.s32 $0x2, s6;
	s10 =	sshll.u32 s6, $0xF;
	s29 =	smul.u32 $0x138800, s6  }
0xc: {  	s6 =	sor.u32 $0x1C06, s31;
	s7 =	sadd.s32 $0x3A000, s7;
	s8 =	sshrl.u32 s25, $0x1  }
0xd: {  	s4 =	sadd.s32 s10, s24;
	s28 =	sshrl.u32 s12, $0x2;
	s30 =	sshrl.u32 s26, $0x3  }
0xe: {  	s13 =	ssub.s32 s25, s8;
	s4 =	sadd.s32 $0x3000, s4;
	s12 =	sadd.s32 s28, s1  }
0xf: {  	s5 =	sadd.s32 s3, s30;
	s8 =	sadd.s32 s26, s29;
	s10 =	sshrl.u32 s29, $0x3  }
0x10: {  	s8 =	sshrl.u32 s8, $0x3;
	s11 =	sshrl.u32 s12, $0x3;
	s12 =	simm.s32 $0x6  }
0x11: {  	s8 =	sadd.s32 s9, s8;
	s9 =	sadd.s32 s9, s10;
	s10 =	smax.u32 s13, $0x1  }
0x12: {  	s13 =	sshrl.u32 @!p0 s14, $0x3;
	s14 =	simm.s32 $0x4000;
	s9 =	sadd.s32 $0x27000, s9  }
.LBB2_1:
0x13: {  	[tilespmem:s2], [sflag:$0x1] =	stream.linear.gather [hbm4b:s4+s2], $0x3E80, $0x38;
	[tilespmem:$0x8F10] =	vst v63  }
0x14: {  	[spmem:s11], [sflag:s6] =	dma.local [hbm:s5], $0x2700  }
0x15: {  	_ =	swait.ge [sflag:s12], $0x2700  }
0x16: {  	[sflag:s12] =	ssyncset.done $0x0  }
0x17: {  	s23 =	simm.s32 @!p0 $0x6;
	[sflag:s12] =	ssyncadd.s32 $0xFFFFD900  }
0x18: {  	[spmem:s13], [sflag:s6] =	dma.local @!p0 [hbm:s7], $0x100  }
0x19: {  	_ =	swait.ge @!p0 [sflag:s23], $0x100  }
0x1a: {  	[sflag:s23] =	ssyncset.done @!p0 $0x0  }
0x1b: {  	[sflag:s23] =	ssyncadd.s32 @!p0 $0xFFFFFF00  }
0x1c: {  	[tilespmem:s14], [sflag:$0x6] =	stream.linear.gather [hbm4b:s3+s2], $0x2800, $0x38;
	[tilespmem:$0x8F10] =	vst v63  }
0x1d: {  	_ =	swait.ge [sflag:s12], $0x2800  }
0x1e: {  	[sflag:s12] =	ssyncset.done $0x0  }
0x1f: {  	[sflag:s12] =	ssyncadd.s32 $0xFFFFD800  }
0x20: {  	_ =	swait.ge [sflag:s15], $0x3E80  }
0x21: {  	[sflag:s15] =	ssyncset.done $0x0  }
0x22: {  	[sflag:s15] =	ssyncadd.s32 $0xFFFFC180  }
0x23: {  	s28 =	simm.s32 $0x0;
	[bflag:$0x0] =	sbarrier.arrive $0xFFFF  }
0x24: {  	[spmem:s1] =	stream.indirect.scatter.add.f32 [tilespmem:s14], [sflag:$0x2], $0x10, s28, s16, $0xb8;
	[tilespmem:$0x8F10] =	vst v63  }
0x25: {  	s29 =	simm.s32 $0x80  }
0x26: {  	[spmem:s1] =	stream.indirect.scatter.add.f32 [tilespmem:s14], [sflag:$0x3], $0x10, s29, s16, $0xb8;
	[tilespmem:$0x8F10] =	vst v63  }
0x27: {  	s30 =	simm.s32 $0x100  }
0x28: {  	[spmem:s1] =	stream.indirect.scatter.add.f32 [tilespmem:s14], [sflag:$0x4], $0x10, s30, s16, $0xb8;
	[tilespmem:$0x8F10] =	vst v63  }
0x29: {  	s31 =	simm.s32 $0x180  }
0x2a: {  	[spmem:s1] =	stream.indirect.scatter.add.f32 [tilespmem:s14], [sflag:$0x5], $0x10, s31, s16, $0xb8;
	[tilespmem:$0x8F10] =	vst v63  }
0x2b: {  	_ =	swait.ge [sflag:s17], $0x500  }
0x2c: {  	[sflag:s17] =	ssyncset.done $0x0  }
0x2d: {  	[sflag:s17] =	ssyncadd.s32 $0xFFFFFB00  }
0x2e: {  	_ =	swait.ge [sflag:s18], $0x500  }
0x2f: {  	[sflag:s18] =	ssyncset.done $0x0  }
0x30: {  	[sflag:s18] =	ssyncadd.s32 $0xFFFFFB00  }
0x31: {  	_ =	swait.ge [sflag:s19], $0x500  }
0x32: {  	[sflag:s19] =	ssyncset.done $0x0  }
0x33: {  	[sflag:s19] =	ssyncadd.s32 $0xFFFFFB00  }
0x34: {  	_ =	swait.ge [sflag:s20], $0x500  }
0x35: {  	s24 =	simm.s32 $0x1000;
	s23 =	simm.s32 $0x800;
	[sflag:s20] =	ssyncset.done $0x0  }
.LBB2_2:
0x36: {  	s25 =	sshra.s32 s23, $0x2  }
0x37: {  	[sflag:s20] =	ssyncadd.s32 $0xFFFFFB00;
	s23 =	smov.u32 s24;
	s26 =	sadd.s32 $0x800, s24  }
0x38: {  	[spmem:s1] =	stream.indirect.scatter.add.f32 [tilespmem:s14], [sflag:$0x2], $0x10, s25, s16, $0xb8;
	[tilespmem:$0x8F10] =	vst v63  }
0x39: {  	p1 =	sne.s32 s24, $0xF000;
	s24 =	sadd.s32 $0x80, s25  }
0x3a: {  	[spmem:s1] =	stream.indirect.scatter.add.f32 [tilespmem:s14], [sflag:$0x3], $0x10, s24, s16, $0xb8;
	[tilespmem:$0x8F10] =	vst v63  }
0x3b: {  	s24 =	sadd.s32 $0x100, s25  }
0x3c: {  	[spmem:s1] =	stream.indirect.scatter.add.f32 [tilespmem:s14], [sflag:$0x4], $0x10, s24, s16, $0xb8;
	[tilespmem:$0x8F10] =	vst v63  }
0x3d: {  	s24 =	sadd.s32 $0x180, s25  }
0x3e: {  	[spmem:s1] =	stream.indirect.scatter.add.f32 [tilespmem:s14], [sflag:$0x5], $0x10, s24, s16, $0xb8;
	[tilespmem:$0x8F10] =	vst v63  }
0x3f: {  	_ =	swait.ge [sflag:s17], $0x500  }
0x40: {  	[sflag:s17] =	ssyncset.done $0x0  }
0x41: {  	[sflag:s17] =	ssyncadd.s32 $0xFFFFFB00  }
0x42: {  	_ =	swait.ge [sflag:s18], $0x500  }
0x43: {  	[sflag:s18] =	ssyncset.done $0x0  }
0x44: {  	[sflag:s18] =	ssyncadd.s32 $0xFFFFFB00  }
.Ltmp0:
0x45: {  	_ =	swait.ge [sflag:s19], $0x500;
	(pc) =	sbr.rel @p1 .LBB2_2-.Ltmp0, $4  }
0x46: {  	[sflag:s19] =	ssyncset.done $0x0  }
0x47: {  	[sflag:s19] =	ssyncadd.s32 $0xFFFFFB00  }
0x48: {  	_ =	swait.ge [sflag:s20], $0x500  }
0x49: {  	s24 =	smov.u32 s26;
	[sflag:s20] =	ssyncset.done $0x0  }
0x4a: {  	s23 =	sshra.s32 s23, $0x2;
	[sflag:s20] =	ssyncadd.s32 $0xFFFFFB00  }
0x4b: {  	[spmem:s1] =	stream.indirect.scatter.add.f32 [tilespmem:s14], [sflag:$0x2], $0x10, s23, s16, $0xb8;
	[tilespmem:$0x8F10] =	vst v63  }
0x4c: {  	s24 =	sadd.s32 $0x80, s23  }
0x4d: {  	[spmem:s1] =	stream.indirect.scatter.add.f32 [tilespmem:s14], [sflag:$0x3], $0x10, s24, s16, $0xb8;
	[tilespmem:$0x8F10] =	vst v63  }
0x4e: {  	s31 =	sadd.s32 $0x100, s23  }
0x4f: {  	[spmem:s1] =	stream.indirect.scatter.add.f32 [tilespmem:s14], [sflag:$0x4], $0x10, s31, s16, $0xb8;
	[tilespmem:$0x8F10] =	vst v63  }
0x50: {  	s23 =	sadd.s32 $0x180, s23  }
0x51: {  	[spmem:s1] =	stream.indirect.scatter.add.f32 [tilespmem:s14], [sflag:$0x5], $0x10, s23, s16, $0xb8;
	[tilespmem:$0x8F10] =	vst v63  }
0x52: {  	_ =	swait.ge [sflag:s17], $0x500  }
0x53: {  	[sflag:s17] =	ssyncset.done $0x0  }
0x54: {  	[sflag:s17] =	ssyncadd.s32 $0xFFFFFB00  }
0x55: {  	_ =	swait.ge [sflag:s18], $0x500  }
0x56: {  	[sflag:s18] =	ssyncset.done $0x0  }
0x57: {  	[sflag:s18] =	ssyncadd.s32 $0xFFFFFB00  }
0x58: {  	_ =	swait.ge [sflag:s19], $0x500  }
0x59: {  	[sflag:s19] =	ssyncset.done $0x0  }
0x5a: {  	[sflag:s19] =	ssyncadd.s32 $0xFFFFFB00  }
0x5b: {  	_ =	swait.ge [sflag:s20], $0x500  }
0x5c: {  	[sflag:s20] =	ssyncset.done $0x0  }
0x5d: {  	[sflag:s20] =	ssyncadd.s32 $0xFFFFFB00  }
0x5e: {  	[spmem:s1] =	stream.indirect.scatter.add.f32 [tilespmem:s14], [sflag:$0x2], $0x10, s21, s16, $0xb8;
	[tilespmem:$0x8F10] =	vst v63  }
0x5f: {  	_ =	swait.ge [sflag:s17], $0x500  }
0x60: {  	[sflag:s17] =	ssyncset.done $0x0  }
0x61: {  	[sflag:s17] =	ssyncadd.s32 $0xFFFFFB00  }
0x62: {  	[bflag:$0x0] =	sbarrier.arrive $0xFFFF  }
0x63: {  	[hbm:s8], [sflag:s6] =	dma.local [spmem:s11], $0x2700  }
0x64: {  	s22 =	sadd.s32 $0x1, s22;
	_ =	swait.ge [sflag:s12], $0x2700  }
0x65: {  	p1 =	sne.s32 s22, s10;
	[sflag:s12] =	ssyncset.done $0x0  }
.Ltmp1:
0x66: {  	s23 =	simm.s32 @!p0 $0x6;
	[sflag:s12] =	ssyncadd.s32 $0xFFFFD900;
	(pc) =	sbr.rel @p1 .LBB2_1-.Ltmp1, $4  }
0x67: {  	[hbm:s9], [sflag:s6] =	dma.local @!p0 [spmem:s13], $0x100  }
0x68: {  	_ =	swait.ge @!p0 [sflag:s23], $0x100  }
0x69: {  	[sflag:s23] =	ssyncset.done @!p0 $0x0  }
0x6a: {  	[sflag:s23] =	ssyncadd.s32 @!p0 $0xFFFFFF00  }
0x6b: {  	_ =	sfence.sel $0x180000  }
0x6c: {  	[bflag:$0x0] =	sbarrier.arrive $0xFFFF  }
0x6d: {  	_ =	strace $0x90000047  }
0x6e: {  	s0 =	sadd.s32 @!p0 $0x100000, s0;
	[bflag:$0x2] =	sbarrier.arrive $0xFFFF  }
0x6f: {  	[sflag:s0] =	ssyncadd.tile.s32 @!p0 $0x1;
	_ =	shalt  }
.Lfunc_end2:
_tile_overlayer_lowered:
.L_overlay_start_2:
0x70: {  	(tag) =	ssettag $0x2  }
0x71: {  	s0 =	rddreg [dreg:$0x0];
	s2 =	stileid.u32  }
0x72: {  	s1 =	rddreg [dreg:$0x1];
	p0 =	sne.s32 s2, $0x0  }
0x73: {  	s3 =	rddreg [dreg:$0x2];
	[bflag:$0x3] =	sbarrier.arrive $0xFFFF;
	s2 =	simm.s32 @!p0 $0x1C06  }
0x74: {  	[timem:s3], [sflag:s2] =	dma.local @!p0 [hbm:s0], s1  }
0x75: {  	s0 =	simm.s32 @!p0 $0x6  }
0x76: {  	_ =	swait.ge @!p0 [sflag:s0], s1  }
0x77: {  	s1 =	ssub.s32 @!p0 $0x0, s1;
	[sflag:s0] =	ssyncset.done @!p0 $0x0  }
0x78: {  	[sflag:s0] =	ssyncadd.s32 @!p0 s1  }
0x79: {  	[bflag:$0x3] =	sbarrier.arrive $0xFFFF  }
0x7a: {  	_ =	shalt  }

// kernel: kernel.14.cloned.1.call-start
scs
__scs_entry_jumppad:
0x0: {  	(pc) =	sbr.rel $0x88, $3  }
0x1: {  	(tag) =	ssettag $0x0;
	lr =	simm.s32 $0x1  }
0x2: {  	[smem:$0x3F92] =	sst lr;
	_ =	strace $0xD0000000  }
0x3: {  	_ = 	snop  }
0x4: {  	_ = 	snop  }
0x5: {  	_ = 	snop  }
0x6: {  	_ = 	snop  }
0x7: {  	_ = 	snop  }
__scs_overlays_trampoline_lowered:
0x8: {  	[smem:$0x3FA1] =	sst s0  }
0x9: {  	[smem:$0x3FA2] =	sst s1  }
0xa: {  	[smem:$0x3FA3] =	sst s2  }
0xb: {  	[smem:$0x3FA4] =	sst s3  }
0xc: {  	[smem:$0x3FA5] =	sst s4  }
0xd: {  	[smem:$0x3FA6] =	sst s5  }
0xe: {  	[smem:$0x3FA7] =	sst s6  }
0xf: {  	[smem:$0x3FA8] =	sst s7  }
0x10: {  	[smem:$0x3FA9] =	sst s8  }
0x11: {  	[smem:$0x3FAA] =	sst s9;
	s0 =	simm.s32 @!p0 $0x0  }
0x12: {  	s1 =	sld [smem:$0x3F90];
	s0 =	simm.s32 @p0 $0x1  }
0x13: {  	[smem:$0x3FAB] =	sst s0;
	s0 =	simm.s32 @!p1 $0x0  }
0x14: {  	s2 =	sld [smem:$0x3F8F];
	s0 =	simm.s32 @p1 $0x1  }
0x15: {  	[smem:$0x3FAC] =	sst s0;
	s0 =	simm.s32 @!p2 $0x0  }
0x16: {  	s3 =	sld [smem:$0x3FDB];
	s0 =	simm.s32 @p2 $0x1  }
0x17: {  	s4 =	simm.s32 $0x1BF5;
	[smem:$0x3FAE] =	sst s0  }
0x18: {  	s0 =	sld [smem:$0x3F91];
	_ =	swait.ge [sflag:s4], $0x0  }
0x19: {  	s7 =	sld [smem:$0x3F92]  }
0x1a: {  	s8 =	sadd.s32 $0xFFFFE003, lr  }
0x1b: {  	s9 =	sadd.s32 $0xFFFFFEF7, lr;
	s5 =	simm.s32 $0xFFFFFFFF;
	p2 =	slt.u32 s8, $0xFFFFF086  }
0x1c: {  	p1 =	slt.u32 s9, $0xF7A;
	s5 =	simm.s32 @!p2 $0x0  }
0x1d: {  	s5 =	simm.s32 @p1 $0x1;
	p0 =	seq.s32 s7, s2  }
0x1e: {  	s7 =	smul.u32 @!p0 $0xF7A, s2;
	p2 =	seq.s32 @!p0 s5, $0x0  }
0x1f: {  	s9 =	smul.u32 $0xF7A, s1;
	s8 =	simm.s32 @!p0 $0x1BF5;
	p2 =	por !p2, p0  }
0x20: {  	[sflag:s8] =	ssyncset.s32 @!p0 $0xFFFFF086;
	s6 =	sadd.s32 @!p0 s3, s7;
	s7 =	simm.s32 @!p0 $0x108  }
0x21: {  	s3 =	sadd.s32 s3, s9;
	s6 =	sadd.s32 @!p0 $0x88, s6;
	s7 =	simm.s32 @p2 $0x1082  }
0x22: {  	[simem:s7], [sflag:s8] =	dma.local @!p0 [hbm:s6], $0xF7A  }
0x23: {  	s9 =	sor.u32 $0xD0000000, s2;
	s6 =	simm.s32 $0x108;
	_ =	swait.ge @!p0 [sflag:s8], $0x0  }
0x24: {  	s3 =	sadd.s32 $0x88, s3;
	s6 =	simm.s32 @!p1 $0x1082;
	[sflag:s4] =	ssyncset.s32 $0xFFFFF086  }
0x25: {  	[simem:s6], [sflag:s4] =	dma.local [hbm:s3], $0xF7A  }
0x26: {  	[smem:$0x3F92] =	sst s1;
	(tag) =	ssettag s2;
	_ =	strace s9  }
0x27: {  	s1 =	sld [smem:$0x3FA2]  }
0x28: {  	s2 =	sld [smem:$0x3FA3]  }
0x29: {  	s4 =	sld [smem:$0x3FA5]  }
0x2a: {  	p0 =	seq.s32 s5, $0x0;
	s5 =	sld [smem:$0x3FA6]  }
0x2b: {  	s6 =	sld [smem:$0x3FA7]  }
0x2c: {  	s7 =	sld [smem:$0x3FA8]  }
0x2d: {  	s3 =	simm.s32 $0x108;
	s8 =	sld [smem:$0x3FA9]  }
0x2e: {  	s3 =	simm.s32 @!p0 $0x1082;
	s9 =	sld [smem:$0x3FAA]  }
0x2f: {  	lr =	sadd.s32 s0, s3;
	s0 =	sld [smem:$0x3FA1]  }
0x30: {  	s3 =	sld [smem:$0x3FA4]  }
0x31: {  	[smem:$0x3FAD] =	sst s10  }
0x32: {  	s10 =	sld [smem:$0x3FAB];
	_ =	sdelay $0x3  }
0x33: {  	p0 =	seq.s32 s10, $0x1;
	s10 =	sld [smem:$0x3FAD];
	_ =	sdelay $0x3  }
0x34: {  	[smem:$0x3FAD] =	sst s10  }
0x35: {  	s10 =	sld [smem:$0x3FAC];
	_ =	sdelay $0x3  }
0x36: {  	p1 =	seq.s32 s10, $0x1;
	s10 =	sld [smem:$0x3FAD];
	_ =	sdelay $0x3  }
0x37: {  	[smem:$0x3FAD] =	sst s10  }
0x38: {  	s10 =	sld [smem:$0x3FAE]  }
0x39: {  	_ = 	snop;
	(pc) =	sbr.ind lr, $3  }
0x3a: {  	_ = 	snop  }
0x3b: {  	_ = 	snop  }
0x3c: {  	p2 =	seq.s32 s10, $0x1;
	s10 =	sld [smem:$0x3FAD]  }
0x3d: {  	_ =	shalt  }
0x3e: {  	_ =	shalt  }
0x3f: {  	_ =	shalt  }
0x40: {  	_ =	shalt  }
0x41: {  	_ =	shalt  }
0x42: {  	_ =	shalt  }
0x43: {  	_ =	shalt  }
0x44: {  	_ =	shalt  }
0x45: {  	_ =	shalt  }
0x46: {  	_ =	shalt  }
0x47: {  	_ =	shalt  }
0x48: {  	_ =	shalt  }
0x49: {  	_ =	shalt  }
0x4a: {  	_ =	shalt  }
0x4b: {  	_ =	shalt  }
0x4c: {  	_ =	shalt  }
0x4d: {  	_ =	shalt  }
0x4e: {  	_ =	shalt  }
0x4f: {  	_ =	shalt  }
0x50: {  	_ =	shalt  }
0x51: {  	_ =	shalt  }
0x52: {  	_ =	shalt  }
0x53: {  	_ =	shalt  }
0x54: {  	_ =	shalt  }
0x55: {  	_ =	shalt  }
0x56: {  	_ =	shalt  }
0x57: {  	_ =	shalt  }
0x58: {  	_ =	shalt  }
0x59: {  	_ =	shalt  }
0x5a: {  	_ =	shalt  }
0x5b: {  	_ =	shalt  }
0x5c: {  	_ =	shalt  }
0x5d: {  	_ =	shalt  }
0x5e: {  	_ =	shalt  }
0x5f: {  	_ =	shalt  }
0x60: {  	_ =	shalt  }
0x61: {  	_ =	shalt  }
0x62: {  	_ =	shalt  }
0x63: {  	_ =	shalt  }
0x64: {  	_ =	shalt  }
0x65: {  	_ =	shalt  }
0x66: {  	_ =	shalt  }
0x67: {  	_ =	shalt  }
0x68: {  	_ =	shalt  }
0x69: {  	_ =	shalt  }
0x6a: {  	_ =	shalt  }
0x6b: {  	_ =	shalt  }
0x6c: {  	_ =	shalt  }
0x6d: {  	_ =	shalt  }
0x6e: {  	_ =	shalt  }
0x6f: {  	_ =	shalt  }
0x70: {  	_ =	shalt  }
0x71: {  	_ =	shalt  }
0x72: {  	_ =	shalt  }
0x73: {  	_ =	shalt  }
0x74: {  	_ =	shalt  }
0x75: {  	_ =	shalt  }
0x76: {  	_ =	shalt  }
0x77: {  	_ =	shalt  }
0x78: {  	_ =	shalt  }
0x79: {  	_ =	shalt  }
0x7a: {  	_ =	shalt  }
0x7b: {  	_ =	shalt  }
0x7c: {  	_ =	shalt  }
0x7d: {  	_ =	shalt  }
0x7e: {  	_ =	shalt  }
0x7f: {  	_ =	shalt  }
0x80: {  	_ =	shalt  }
0x81: {  	_ =	shalt  }
0x82: {  	_ =	shalt  }
0x83: {  	_ =	shalt  }
0x84: {  	_ =	shalt  }
0x85: {  	_ =	shalt  }
0x86: {  	_ =	shalt  }
0x87: {  	_ =	shalt  }
.Lfunc_end0:
.L_simem_size_0:
called_computation.1_lowered:
.L_overlay_start_0:
0x88: {  	s2 =	sld [smem:$0x3FD9]  }
0x89: {  	s3 =	sld [smem:$0x3FFE];
	_ =	sdelay $0x1  }
0x8a: {  	s1 =	srdreg.scid  }
0x8b: {  	s0 =	sand.u32 $0x1, s1  }
0x8c: {  	s16 =	sshll.u32 s0, $0xA;
	s2 =	sadd.s32 s3, s2  }
0x8d: {  	s2 =	sadd.s32 s2, s16  }
0x8e: {  	[smem:$0x3FB9] =	sst s2  }
0x8f: {  	_ = 	snop  }
0x90: {  	(tm) =	ssettm $0x1  }
0x91: {  	s17 =	sld [smem:$0x3FFB];
	_ =	sdelay $0x3  }
0x92: {  	_ =	strace s17  }
0x93: {  	s2 =	sld [smem:$0x3FFC];
	_ =	sdelay $0x3  }
0x94: {  	_ =	strace s2  }
0x95: {  	s2 =	sld [smem:$0x3FFD];
	_ =	sdelay $0x3  }
0x96: {  	_ =	strace s2  }
0x97: {  	_ =	strace $0x8FFFFFFF  }
0x98: {  	s18 =	sld [smem:$0x3FDB];
	_ =	sdelay $0x1  }
0x99: {  	s19 =	simm.s32 $_scs_section_size  }
0x9a: {  	s4 =	simm.s32 $_size__tile_overlayer_lowered;
	s5 =	simm.s32 $_tile_overlayer_lowered  }
0x9b: {  	s22 =	simm.s32 $0x1BFF;
	s21 =	sshll.u32 s5, $0x1;
	s2 =	sadd.s32 s19, s18  }
0x9c: {  	s6 =	simm.s32 $0x0;
	s20 =	sshll.u32 s4, $0x1;
	s4 =	sadd.s32 s21, s2  }
0x9d: {  	[timem:s6], [sflag:s22] =	dma.local [hbm:s4], s20  }
0x9e: {  	_ =	swait.ge [sflag:s22], s20  }
0x9f: {  	s3 =	ssub.s32 $0x0, s20;
	[sflag:s22] =	ssyncset.done $0x0  }
0xa0: {  	[sflag:s22] =	ssyncadd.s32 s3;
	_ =	sdelay $0x1  }
0xa1: {  	s23 =	simm.s32 $0x1B8B  }
0xa2: {  	_ =	swait.ge [sflag:s23], $0x1  }
0xa3: {  	[sflag:s23] =	ssyncset.done $0x0  }
0xa4: {  	s25 =	simm.s32 $0x1B8E;
	s24 =	sld [smem:$0x3FFE];
	[sflag:s23] =	ssyncadd.s32 $0xFFFFFFFF  }
0xa5: {  	s26 =	simm.s32 $execute0_lowered;
	[smem:$0x3FD2] =	sst s25  }
0xa6: {  	s4 =	sshll.u32 s26, $0x1;
	_ =	strace $0x80000049;
	[dreg:$0x1] =	wrdreg $0xFFFFFFFF  }
0xa7: {  	s28 =	simm.s32 $_size_execute0_lowered;
	s2 =	sadd.s32 s2, s4;
	[dreg:$0x0] =	wrdreg $0x0  }
0xa8: {  	s4 =	sshll.u32 s28, $0x1;
	[dreg:$0x2] =	wrdreg s2  }
0xa9: {  	[dreg:$0x3] =	wrdreg s4  }
0xaa: {  	[dreg:$0x4] =	wrdreg $0xC0  }
0xab: {  	_ =	task [dreg:s6], $0x5FFFF  }
0xac: {  	[dreg:$0x1] =	wrdreg $0xFFFFFFFF  }
0xad: {  	[dreg:$0x0] =	wrdreg $0x60  }
0xae: {  	[dreg:$0x2] =	wrdreg s24  }
0xaf: {  	[dreg:$0x3] =	wrdreg $0xC7000  }
0xb0: {  	[dreg:$0x4] =	wrdreg $0x9  }
0xb1: {  	_ =	task.clear_ibuf [dreg:s6], $0x5FFFF;
	_ =	strace $0x90000049  }
0xb2: {  	s29 =	simm.s32 $0x9;
	_ =	strace $0x8000004B  }
0xb3: {  	_ =	swait.ge [sflag:s29], $0x1  }
0xb4: {  	[sflag:s29] =	ssyncadd.s32 $0xFFFFFFFF  }
0xb5: {  	_ =	strace $0x9000004B  }
0xb6: {  	_ =	sfence  }
0xb7: {  	s30 =	sld [smem:$0x0];
	_ =	sdelay $0x2  }
0xb8: {  	s31 =	sshll.u32 s1, $0xD;
	s1 =	sshrl.u32 s1, $0x2  }
0xb9: {  	s3 =	sand.u32 $0x4000, s31;
	s1 =	sadd.s32 s1, s30  }
0xba: {  	s0 =	sor.u32 s3, s0;
	s1 =	sshll.u32 s1, $0x11  }
0xbb: {  	s0 =	sor.u32 s1, s0  }
0xbc: {  	s0 =	sadd.s32 $0x8F2B, s0  }
0xbd: {  	[sflag:s0] =	ssyncadd.remote.s32 $0x1  }
0xbe: {  	_ =	sfence.sel $0xFFFF  }
0xbf: {  	[dreg:$0x0] =	wrdreg $0xFFFFFFFF;
	(pc) =	sbr.abs _section_cstart, $3  }
0xc0: {  	[dreg:$0x1] =	wrdreg $0xFFFFFFFF  }
0xc1: {  	_ =	task.clear_ibuf [dreg:s6], $0x2FFFF;
	_ =	strace $0x9FFFFFFF  }
0xc2: {  	(tm) =	ssettm $0x7FFFFFFF  }
0xc3: {  	_ =	shalt  }
tec
execute0_lowered:
.L_overlay_start_1:
0x0: {  	(tag) =	ssettag $0x1  }
0x1: {  	s0 =	srdreg.scid  }
0x2: {  	s12 =	stileid.u32;
	s8 =	rddreg [dreg:$0x0];
	s22 =	simm.s32 $0x0  }
0x3: {  	s13 =	simm.s32 $0x400;
	s16 =	simm.s32 $0x9;
	s18 =	simm.s32 $0x1  }
0x4: {  	s19 =	simm.s32 $0x2;
	s20 =	simm.s32 $0x50;
	s21 =	simm.s32 $0x4F00  }
0x5: {  	s28 =	simm.s32 $0x5;
	s29 =	simm.s32 $0x6;
	s30 =	simm.s32 $0x7  }
0x6: {  	s31 =	simm.s32 $0x8;
	s0 =	sand.u32 $0x1, s0;
	s4 =	sshll.u32 s12, $0x7  }
0x7: {  	[smem:$0x7FF] =	sst s22;
	s10 =	sadd.s32 $0x2A200, s8;
	s7 =	smul.u32 $0x4E000, s12  }
0x8: {  	s9 =	smul.u32 $0x13800, s12;
	s26 =	sshll.u32 s12, $0x6;
	p0 =	sne.s32 s12, $0x0  }
0x9: {  	s22 =	simm.s32 $0x7700;
	s1 =	sshll.u32 s0, $0x4;
	s4 =	sand.u32 $0x380, s4  }
0xa: {  	s23 =	ssub.s32 $0x2, s0;
	s0 =	smul.u32 $0x138800, s0;
	s1 =	sor.u32 s12, s1  }
0xb: {  	s6 =	sshrl.u32 s23, $0x1;
	s24 =	sshrl.u32 s7, $0x2;
	s25 =	sshrl.u32 s9, $0x3  }
0xc: {  	s7 =	sor.u32 $0x1C09, s26;
	s12 =	simm.s32 $0x80;
	s26 =	simm.s32 $0x4  }
0xd: {  	s2 =	sshrl.u32 s1, $0x3;
	s1 =	rddreg [dreg:$0x1];
	_ =	strace $0x8000004A  }
0xe: {  	s11 =	ssub.s32 s23, s6;
	s9 =	sadd.s32 s9, s0;
	s0 =	sshrl.u32 s0, $0x3  }
0xf: {  	s3 =	smul.u32 $0x13C00, s2;
	s14 =	sadd.s32 s24, s1;
	s17 =	sadd.s32 $0x138000, s1  }
0x10: {  	s9 =	sshrl.u32 s9, $0x3;
	s0 =	sadd.s32 s10, s0;
	s11 =	smax.u32 s11, $0x1  }
0x11: {  	s24 =	simm.s32 $0x9F00;
	s9 =	sadd.s32 s10, s9;
	s10 =	sadd.s32 $0x27000, s0  }
0x12: {  	s15 =	sshrl.u32 s14, $0x3;
	s17 =	sshrl.u32 @!p0 s17, $0x3;
	s3 =	sor.u32 s4, s3  }
0x13: {  	s14 =	simm.s32 $0x0;
	s4 =	sshrl.u32 s3, $0x3;
	s3 =	sadd.s32 $0x3000, s8  }
0x14: {  	s5 =	sadd.s32 s4, s8;
	s6 =	sadd.s32 s3, s25;
	s8 =	sadd.s32 $0x2A000, s8  }
0x15: {  	s25 =	simm.s32 $0x3;
	s4 =	sadd.s32 $0x92200, s5;
	s5 =	sadd.s32 $0x88400, s5  }
.LBB2_1:
0x16: {  	s2 =	simm.s32 $0x0  }
0x17: {  	[tilespmem:s2], [sflag:$0x1] =	stream.strided.gather [hbm4b:s4+s12], $0x2780, s13, s12, $0x38;
	[tilespmem:$0x1FF80] =	vst v63  }
0x18: {  	s0 =	simm.s32 $0x2780  }
0x19: {  	[tilespmem:s0], [sflag:$0x2] =	stream.strided.gather [hbm4b:s5+s12], $0x2780, s13, s12, $0x38;
	[tilespmem:$0x1FF80] =	vst v63  }
0x1a: {  	[spmem:s15], [sflag:s7] =	dma.local [hbm:s6], $0x2700  }
0x1b: {  	_ =	swait.ge [sflag:s16], $0x2700  }
0x1c: {  	[sflag:s16] =	ssyncset.done $0x0  }
0x1d: {  	s0 =	simm.s32 @!p0 $0x9;
	[sflag:s16] =	ssyncadd.s32 $0xFFFFD900  }
0x1e: {  	[spmem:s17], [sflag:s7] =	dma.local @!p0 [hbm:s8], $0x100  }
0x1f: {  	_ =	swait.ge @!p0 [sflag:s0], $0x100  }
0x20: {  	[sflag:s0] =	ssyncset.done @!p0 $0x0  }
0x21: {  	[sflag:s0] =	ssyncadd.s32 @!p0 $0xFFFFFF00  }
0x22: {  	_ =	swait.ge [sflag:s18], $0x2780  }
0x23: {  	[sflag:s18] =	ssyncset.done $0x0  }
0x24: {  	[sflag:s18] =	ssyncadd.s32 $0xFFFFD880  }
0x25: {  	_ =	swait.ge [sflag:s19], $0x2780  }
0x26: {  	[sflag:s19] =	ssyncset.done $0x0  }
0x27: {  	[sflag:s19] =	ssyncadd.s32 $0xFFFFD880  }
0x28: {  	[bflag:$0x0] =	sbarrier.arrive $0xFFFF  }
0x29: {  	[tilespmem:s21], [sflag:$0x3] =	stream.indirect.gather [hbm4b:s3+s20], $0x80, s2, s20, $0xb8;
	[tilespmem:$0x1FF80] =	vst v63  }
0x2a: {  	_ = 	snop  }
0x2b: {  	[tilespmem:s22], [sflag:$0x4] =	stream.indirect.gather [hbm4b:s3+s20], $0x80, s20, s20, $0xb8;
	[tilespmem:$0x1FF80] =	vst v63  }
0x2c: {  	s2 =	simm.s32 $0xA0  }
0x2d: {  	[tilespmem:s24], [sflag:$0x5] =	stream.indirect.gather [hbm4b:s3+s20], $0x80, s2, s20, $0xb8;
	[tilespmem:$0x1FF80] =	vst v63  }
0x2e: {  	_ =	swait.ge [sflag:s25], $0x2800  }
0x2f: {  	[sflag:s25] =	ssyncset.done $0x0  }
0x30: {  	s23 =	simm.s32 $0x2780;
	[sflag:s25] =	ssyncadd.s32 $0xFFFFD800  }
0x31: {  	[spmem:s1] =	stream.indirect.scatter.add.f32 [tilespmem:s21], [sflag:$0x6], $0x80, s23, s20, $0xb8;
	[tilespmem:$0x1FF80] =	vst v63  }
0x32: {  	_ =	swait.ge [sflag:s26], $0x2800  }
0x33: {  	[sflag:s26] =	ssyncset.done $0x0  }
0x34: {  	s2 =	simm.s32 $0x27D0;
	[sflag:s26] =	ssyncadd.s32 $0xFFFFD800  }
0x35: {  	[spmem:s1] =	stream.indirect.scatter.add.f32 [tilespmem:s22], [sflag:$0x7], $0x80, s2, s20, $0xb8;
	[tilespmem:$0x1FF80] =	vst v63  }
0x36: {  	_ =	swait.ge [sflag:s28], $0x2800  }
0x37: {  	[sflag:s28] =	ssyncset.done $0x0  }
0x38: {  	s23 =	simm.s32 $0x2820;
	[sflag:s28] =	ssyncadd.s32 $0xFFFFD800  }
0x39: {  	[spmem:s1] =	stream.indirect.scatter.add.f32 [tilespmem:s24], [sflag:$0x8], $0x80, s23, s20, $0xb8;
	[tilespmem:$0x1FF80] =	vst v63  }
0x3a: {  	_ =	swait.ge [sflag:s29], $0x2800  }
0x3b: {  	[sflag:s29] =	ssyncset.done $0x0  }
0x3c: {  	s2 =	simm.s32 $0xF0;
	[sflag:s29] =	ssyncadd.s32 $0xFFFFD800  }
0x3d: {  	[tilespmem:s21], [sflag:$0x3] =	stream.indirect.gather [hbm4b:s3+s20], $0x80, s2, s20, $0xb8;
	[tilespmem:$0x1FF80] =	vst v63  }
0x3e: {  	_ =	swait.ge [sflag:s30], $0x2800  }
0x3f: {  	[sflag:s30] =	ssyncset.done $0x0  }
0x40: {  	s23 =	simm.s32 $0x140;
	[sflag:s30] =	ssyncadd.s32 $0xFFFFD800  }
0x41: {  	[tilespmem:s22], [sflag:$0x4] =	stream.indirect.gather [hbm4b:s3+s20], $0x80, s23, s20, $0xb8;
	[tilespmem:$0x1FF80] =	vst v63  }
0x42: {  	_ =	swait.ge [sflag:s31], $0x2800  }
0x43: {  	[sflag:s31] =	ssyncset.done $0x0  }
0x44: {  	s0 =	simm.s32 $0x190;
	s23 =	simm.s32 $0x3C0;
	[sflag:s31] =	ssyncadd.s32 $0xFFFFD800  }
.LBB2_2:
0x45: {  	[tilespmem:s24], [sflag:$0x5] =	stream.indirect.gather [hbm4b:s3+s20], $0x80, s0, s20, $0xb8;
	[tilespmem:$0x1FF80] =	vst v63  }
0x46: {  	s0 =	smov.u32 s23  }
0x47: {  	p1 =	sne.s32 s23, $0x9240;
	s23 =	sadd.s32 $0x3C0, s23;
	_ =	swait.ge [sflag:s25], $0x2800  }
0x48: {  	s0 =	sshra.s32 s0, $0x2;
	[sflag:s25] =	ssyncset.done $0x0  }
0x49: {  	s2 =	sadd.s32 $0x2780, s0;
	[sflag:s25] =	ssyncadd.s32 $0xFFFFD800  }
0x4a: {  	[spmem:s1] =	stream.indirect.scatter.add.f32 [tilespmem:s21], [sflag:$0x6], $0x80, s2, s20, $0xb8;
	[tilespmem:$0x1FF80] =	vst v63  }
0x4b: {  	_ =	swait.ge [sflag:s26], $0x2800  }
0x4c: {  	[sflag:s26] =	ssyncset.done $0x0  }
0x4d: {  	s2 =	sadd.s32 $0x27D0, s0;
	[sflag:s26] =	ssyncadd.s32 $0xFFFFD800  }
0x4e: {  	[spmem:s1] =	stream.indirect.scatter.add.f32 [tilespmem:s22], [sflag:$0x7], $0x80, s2, s20, $0xb8;
	[tilespmem:$0x1FF80] =	vst v63  }
0x4f: {  	_ =	swait.ge [sflag:s28], $0x2800  }
0x50: {  	[sflag:s28] =	ssyncset.done $0x0  }
0x51: {  	s2 =	sadd.s32 $0x2820, s0;
	[sflag:s28] =	ssyncadd.s32 $0xFFFFD800  }
0x52: {  	[spmem:s1] =	stream.indirect.scatter.add.f32 [tilespmem:s24], [sflag:$0x8], $0x80, s2, s20, $0xb8;
	[tilespmem:$0x1FF80] =	vst v63  }
0x53: {  	_ =	swait.ge [sflag:s29], $0x2800  }
0x54: {  	[sflag:s29] =	ssyncset.done $0x0  }
0x55: {  	s2 =	sadd.s32 $0xF0, s0;
	[sflag:s29] =	ssyncadd.s32 $0xFFFFD800  }
0x56: {  	[tilespmem:s21], [sflag:$0x3] =	stream.indirect.gather [hbm4b:s3+s20], $0x80, s2, s20, $0xb8;
	[tilespmem:$0x1FF80] =	vst v63  }
0x57: {  	_ =	swait.ge [sflag:s30], $0x2800  }
0x58: {  	[sflag:s30] =	ssyncset.done $0x0  }
.Ltmp0:
0x59: {  	s2 =	sadd.s32 $0x140, s0;
	[sflag:s30] =	ssyncadd.s32 $0xFFFFD800;
	(pc) =	sbr.rel @p1 .LBB2_2-.Ltmp0, $4  }
0x5a: {  	[tilespmem:s22], [sflag:$0x4] =	stream.indirect.gather [hbm4b:s3+s20], $0x80, s2, s20, $0xb8;
	[tilespmem:$0x1FF80] =	vst v63  }
0x5b: {  	_ =	swait.ge [sflag:s31], $0x2800  }
0x5c: {  	[sflag:s31] =	ssyncset.done $0x0  }
0x5d: {  	s0 =	sadd.s32 $0x190, s0;
	[sflag:s31] =	ssyncadd.s32 $0xFFFFD800  }
0x5e: {  	[tilespmem:s24], [sflag:$0x5] =	stream.indirect.gather [hbm4b:s3+s20], $0x80, s0, s20, $0xb8;
	[tilespmem:$0x1FF80] =	vst v63  }
0x5f: {  	_ =	swait.ge [sflag:s25], $0x2800  }
0x60: {  	[sflag:s25] =	ssyncset.done $0x0  }
0x61: {  	s23 =	simm.s32 $0x4D00;
	[sflag:s25] =	ssyncadd.s32 $0xFFFFD800  }
0x62: {  	[spmem:s1] =	stream.indirect.scatter.add.f32 [tilespmem:s21], [sflag:$0x6], $0x80, s23, s20, $0xb8;
	[tilespmem:$0x1FF80] =	vst v63  }
0x63: {  	_ =	swait.ge [sflag:s26], $0x2800  }
0x64: {  	[sflag:s26] =	ssyncset.done $0x0  }
0x65: {  	s2 =	simm.s32 $0x4D50;
	[sflag:s26] =	ssyncadd.s32 $0xFFFFD800  }
0x66: {  	[spmem:s1] =	stream.indirect.scatter.add.f32 [tilespmem:s22], [sflag:$0x7], $0x80, s2, s20, $0xb8;
	[tilespmem:$0x1FF80] =	vst v63  }
0x67: {  	_ =	swait.ge [sflag:s28], $0x2800  }
0x68: {  	[sflag:s28] =	ssyncset.done $0x0  }
0x69: {  	s23 =	simm.s32 $0x4DA0;
	[sflag:s28] =	ssyncadd.s32 $0xFFFFD800  }
0x6a: {  	[spmem:s1] =	stream.indirect.scatter.add.f32 [tilespmem:s24], [sflag:$0x8], $0x80, s23, s20, $0xb8;
	[tilespmem:$0x1FF80] =	vst v63  }
0x6b: {  	_ =	swait.ge [sflag:s29], $0x2800  }
0x6c: {  	[sflag:s29] =	ssyncset.done $0x0  }
0x6d: {  	s2 =	simm.s32 $0x2670;
	[sflag:s29] =	ssyncadd.s32 $0xFFFFD800  }
0x6e: {  	[tilespmem:s21], [sflag:$0x3] =	stream.indirect.gather [hbm4b:s3+s20], $0x80, s2, s20, $0xb8;
	[tilespmem:$0x1FF80] =	vst v63  }
0x6f: {  	_ =	swait.ge [sflag:s30], $0x2800  }
0x70: {  	[sflag:s30] =	ssyncset.done $0x0  }
0x71: {  	s23 =	simm.s32 $0x26C0;
	[sflag:s30] =	ssyncadd.s32 $0xFFFFD800  }
0x72: {  	[tilespmem:s22], [sflag:$0x4] =	stream.indirect.gather [hbm4b:s3+s20], $0x80, s23, s20, $0xb8;
	[tilespmem:$0x1FF80] =	vst v63  }
0x73: {  	_ =	swait.ge [sflag:s31], $0x2800  }
0x74: {  	[sflag:s31] =	ssyncset.done $0x0  }
0x75: {  	[sflag:s31] =	ssyncadd.s32 $0xFFFFD800  }
0x76: {  	_ =	swait.ge [sflag:s25], $0x2800  }
0x77: {  	[sflag:s25] =	ssyncset.done $0x0  }
0x78: {  	s2 =	simm.s32 $0x4DF0;
	[sflag:s25] =	ssyncadd.s32 $0xFFFFD800  }
0x79: {  	[spmem:s1] =	stream.indirect.scatter.add.f32 [tilespmem:s21], [sflag:$0x9], $0x80, s2, s20, $0xb8;
	[tilespmem:$0x1FF80] =	vst v63  }
0x7a: {  	_ =	swait.ge [sflag:s16], $0x2800  }
0x7b: {  	[sflag:s16] =	ssyncset.done $0x0  }
0x7c: {  	[sflag:s16] =	ssyncadd.s32 $0xFFFFD800  }
0x7d: {  	_ =	swait.ge [sflag:s26], $0x2800  }
0x7e: {  	[sflag:s26] =	ssyncset.done $0x0  }
0x7f: {  	s23 =	simm.s32 $0x4E40;
	[sflag:s26] =	ssyncadd.s32 $0xFFFFD800  }
0x80: {  	[spmem:s1] =	stream.indirect.scatter.add.f32 [tilespmem:s22], [sflag:$0x9], $0x80, s23, s20, $0xb8;
	[tilespmem:$0x1FF80] =	vst v63  }
0x81: {  	_ =	swait.ge [sflag:s16], $0x2800  }
0x82: {  	[sflag:s16] =	ssyncset.done $0x0  }
0x83: {  	[sflag:s16] =	ssyncadd.s32 $0xFFFFD800  }
0x84: {  	[bflag:$0x0] =	sbarrier.arrive $0xFFFF  }
0x85: {  	[hbm:s9], [sflag:s7] =	dma.local [spmem:s15], $0x2700  }
0x86: {  	s14 =	sadd.s32 $0x1, s14;
	_ =	swait.ge [sflag:s16], $0x2700  }
0x87: {  	p1 =	sne.s32 s14, s11;
	[sflag:s16] =	ssyncset.done $0x0  }
.Ltmp1:
0x88: {  	s0 =	simm.s32 @!p0 $0x9;
	[sflag:s16] =	ssyncadd.s32 $0xFFFFD900;
	(pc) =	sbr.rel @p1 .LBB2_1-.Ltmp1, $4  }
0x89: {  	[hbm:s10], [sflag:s7] =	dma.local @!p0 [spmem:s17], $0x100  }
0x8a: {  	_ =	swait.ge @!p0 [sflag:s0], $0x100  }
0x8b: {  	[sflag:s0] =	ssyncset.done @!p0 $0x0  }
0x8c: {  	[sflag:s0] =	ssyncadd.s32 @!p0 $0xFFFFFF00  }
0x8d: {  	_ =	sfence.sel $0x180000  }
0x8e: {  	[bflag:$0x0] =	sbarrier.arrive $0xFFFF  }
0x8f: {  	_ =	strace $0x9000004A  }
0x90: {  	[bflag:$0x2] =	sbarrier.arrive $0xFFFF  }
0x91: {  	s0 =	rddreg [dreg:$0x2]  }
0x92: {  	s0 =	sadd.s32 @!p0 $0x100000, s0  }
0x93: {  	[sflag:s0] =	ssyncadd.tile.s32 @!p0 $0x1;
	_ =	shalt  }
.Lfunc_end2:
_tile_overlayer_lowered:
.L_overlay_start_2:
0x94: {  	(tag) =	ssettag $0x2  }
0x95: {  	s0 =	rddreg [dreg:$0x0];
	s2 =	stileid.u32  }
0x96: {  	s1 =	rddreg [dreg:$0x1];
	p0 =	sne.s32 s2, $0x0  }
0x97: {  	s3 =	rddreg [dreg:$0x2];
	[bflag:$0x3] =	sbarrier.arrive $0xFFFF;
	s2 =	simm.s32 @!p0 $0x1C09  }
0x98: {  	[timem:s3], [sflag:s2] =	dma.local @!p0 [hbm:s0], s1  }
0x99: {  	s0 =	simm.s32 @!p0 $0x9  }
0x9a: {  	_ =	swait.ge @!p0 [sflag:s0], s1  }
0x9b: {  	s1 =	ssub.s32 @!p0 $0x0, s1;
	[sflag:s0] =	ssyncset.done @!p0 $0x0  }
0x9c: {  	[sflag:s0] =	ssyncadd.s32 @!p0 s1  }
0x9d: {  	[bflag:$0x3] =	sbarrier.arrive $0xFFFF  }
0x9e: {  	_ =	shalt  }

// kernel: kernel.17.cloned.1.call-start
scs
__scs_entry_jumppad:
0x0: {  	(pc) =	sbr.rel $0x88, $3  }
0x1: {  	(tag) =	ssettag $0x0;
	lr =	simm.s32 $0x1  }
0x2: {  	[smem:$0x3F92] =	sst lr;
	_ =	strace $0xD0000000  }
0x3: {  	_ = 	snop  }
0x4: {  	_ = 	snop  }
0x5: {  	_ = 	snop  }
0x6: {  	_ = 	snop  }
0x7: {  	_ = 	snop  }
__scs_overlays_trampoline_lowered:
0x8: {  	[smem:$0x3FA1] =	sst s0  }
0x9: {  	[smem:$0x3FA2] =	sst s1  }
0xa: {  	[smem:$0x3FA3] =	sst s2  }
0xb: {  	[smem:$0x3FA4] =	sst s3  }
0xc: {  	[smem:$0x3FA5] =	sst s4  }
0xd: {  	[smem:$0x3FA6] =	sst s5  }
0xe: {  	[smem:$0x3FA7] =	sst s6  }
0xf: {  	[smem:$0x3FA8] =	sst s7  }
0x10: {  	[smem:$0x3FA9] =	sst s8  }
0x11: {  	[smem:$0x3FAA] =	sst s9;
	s0 =	simm.s32 @!p0 $0x0  }
0x12: {  	s1 =	sld [smem:$0x3F90];
	s0 =	simm.s32 @p0 $0x1  }
0x13: {  	[smem:$0x3FAB] =	sst s0;
	s0 =	simm.s32 @!p1 $0x0  }
0x14: {  	s2 =	sld [smem:$0x3F8F];
	s0 =	simm.s32 @p1 $0x1  }
0x15: {  	[smem:$0x3FAC] =	sst s0;
	s0 =	simm.s32 @!p2 $0x0  }
0x16: {  	s3 =	sld [smem:$0x3FDB];
	s0 =	simm.s32 @p2 $0x1  }
0x17: {  	s4 =	simm.s32 $0x1BF5;
	[smem:$0x3FAE] =	sst s0  }
0x18: {  	s0 =	sld [smem:$0x3F91];
	_ =	swait.ge [sflag:s4], $0x0  }
0x19: {  	s7 =	sld [smem:$0x3F92]  }
0x1a: {  	s8 =	sadd.s32 $0xFFFFE003, lr  }
0x1b: {  	s9 =	sadd.s32 $0xFFFFFEF7, lr;
	s5 =	simm.s32 $0xFFFFFFFF;
	p2 =	slt.u32 s8, $0xFFFFF086  }
0x1c: {  	p1 =	slt.u32 s9, $0xF7A;
	s5 =	simm.s32 @!p2 $0x0  }
0x1d: {  	s5 =	simm.s32 @p1 $0x1;
	p0 =	seq.s32 s7, s2  }
0x1e: {  	s7 =	smul.u32 @!p0 $0xF7A, s2;
	p2 =	seq.s32 @!p0 s5, $0x0  }
0x1f: {  	s9 =	smul.u32 $0xF7A, s1;
	s8 =	simm.s32 @!p0 $0x1BF5;
	p2 =	por !p2, p0  }
0x20: {  	[sflag:s8] =	ssyncset.s32 @!p0 $0xFFFFF086;
	s6 =	sadd.s32 @!p0 s3, s7;
	s7 =	simm.s32 @!p0 $0x108  }
0x21: {  	s3 =	sadd.s32 s3, s9;
	s6 =	sadd.s32 @!p0 $0x88, s6;
	s7 =	simm.s32 @p2 $0x1082  }
0x22: {  	[simem:s7], [sflag:s8] =	dma.local @!p0 [hbm:s6], $0xF7A  }
0x23: {  	s9 =	sor.u32 $0xD0000000, s2;
	s6 =	simm.s32 $0x108;
	_ =	swait.ge @!p0 [sflag:s8], $0x0  }
0x24: {  	s3 =	sadd.s32 $0x88, s3;
	s6 =	simm.s32 @!p1 $0x1082;
	[sflag:s4] =	ssyncset.s32 $0xFFFFF086  }
0x25: {  	[simem:s6], [sflag:s4] =	dma.local [hbm:s3], $0xF7A  }
0x26: {  	[smem:$0x3F92] =	sst s1;
	(tag) =	ssettag s2;
	_ =	strace s9  }
0x27: {  	s1 =	sld [smem:$0x3FA2]  }
0x28: {  	s2 =	sld [smem:$0x3FA3]  }
0x29: {  	s4 =	sld [smem:$0x3FA5]  }
0x2a: {  	p0 =	seq.s32 s5, $0x0;
	s5 =	sld [smem:$0x3FA6]  }
0x2b: {  	s6 =	sld [smem:$0x3FA7]  }
0x2c: {  	s7 =	sld [smem:$0x3FA8]  }
0x2d: {  	s3 =	simm.s32 $0x108;
	s8 =	sld [smem:$0x3FA9]  }
0x2e: {  	s3 =	simm.s32 @!p0 $0x1082;
	s9 =	sld [smem:$0x3FAA]  }
0x2f: {  	lr =	sadd.s32 s0, s3;
	s0 =	sld [smem:$0x3FA1]  }
0x30: {  	s3 =	sld [smem:$0x3FA4]  }
0x31: {  	[smem:$0x3FAD] =	sst s10  }
0x32: {  	s10 =	sld [smem:$0x3FAB];
	_ =	sdelay $0x3  }
0x33: {  	p0 =	seq.s32 s10, $0x1;
	s10 =	sld [smem:$0x3FAD];
	_ =	sdelay $0x3  }
0x34: {  	[smem:$0x3FAD] =	sst s10  }
0x35: {  	s10 =	sld [smem:$0x3FAC];
	_ =	sdelay $0x3  }
0x36: {  	p1 =	seq.s32 s10, $0x1;
	s10 =	sld [smem:$0x3FAD];
	_ =	sdelay $0x3  }
0x37: {  	[smem:$0x3FAD] =	sst s10  }
0x38: {  	s10 =	sld [smem:$0x3FAE]  }
0x39: {  	_ = 	snop;
	(pc) =	sbr.ind lr, $3  }
0x3a: {  	_ = 	snop  }
0x3b: {  	_ = 	snop  }
0x3c: {  	p2 =	seq.s32 s10, $0x1;
	s10 =	sld [smem:$0x3FAD]  }
0x3d: {  	_ =	shalt  }
0x3e: {  	_ =	shalt  }
0x3f: {  	_ =	shalt  }
0x40: {  	_ =	shalt  }
0x41: {  	_ =	shalt  }
0x42: {  	_ =	shalt  }
0x43: {  	_ =	shalt  }
0x44: {  	_ =	shalt  }
0x45: {  	_ =	shalt  }
0x46: {  	_ =	shalt  }
0x47: {  	_ =	shalt  }
0x48: {  	_ =	shalt  }
0x49: {  	_ =	shalt  }
0x4a: {  	_ =	shalt  }
0x4b: {  	_ =	shalt  }
0x4c: {  	_ =	shalt  }
0x4d: {  	_ =	shalt  }
0x4e: {  	_ =	shalt  }
0x4f: {  	_ =	shalt  }
0x50: {  	_ =	shalt  }
0x51: {  	_ =	shalt  }
0x52: {  	_ =	shalt  }
0x53: {  	_ =	shalt  }
0x54: {  	_ =	shalt  }
0x55: {  	_ =	shalt  }
0x56: {  	_ =	shalt  }
0x57: {  	_ =	shalt  }
0x58: {  	_ =	shalt  }
0x59: {  	_ =	shalt  }
0x5a: {  	_ =	shalt  }
0x5b: {  	_ =	shalt  }
0x5c: {  	_ =	shalt  }
0x5d: {  	_ =	shalt  }
0x5e: {  	_ =	shalt  }
0x5f: {  	_ =	shalt  }
0x60: {  	_ =	shalt  }
0x61: {  	_ =	shalt  }
0x62: {  	_ =	shalt  }
0x63: {  	_ =	shalt  }
0x64: {  	_ =	shalt  }
0x65: {  	_ =	shalt  }
0x66: {  	_ =	shalt  }
0x67: {  	_ =	shalt  }
0x68: {  	_ =	shalt  }
0x69: {  	_ =	shalt  }
0x6a: {  	_ =	shalt  }
0x6b: {  	_ =	shalt  }
0x6c: {  	_ =	shalt  }
0x6d: {  	_ =	shalt  }
0x6e: {  	_ =	shalt  }
0x6f: {  	_ =	shalt  }
0x70: {  	_ =	shalt  }
0x71: {  	_ =	shalt  }
0x72: {  	_ =	shalt  }
0x73: {  	_ =	shalt  }
0x74: {  	_ =	shalt  }
0x75: {  	_ =	shalt  }
0x76: {  	_ =	shalt  }
0x77: {  	_ =	shalt  }
0x78: {  	_ =	shalt  }
0x79: {  	_ =	shalt  }
0x7a: {  	_ =	shalt  }
0x7b: {  	_ =	shalt  }
0x7c: {  	_ =	shalt  }
0x7d: {  	_ =	shalt  }
0x7e: {  	_ =	shalt  }
0x7f: {  	_ =	shalt  }
0x80: {  	_ =	shalt  }
0x81: {  	_ =	shalt  }
0x82: {  	_ =	shalt  }
0x83: {  	_ =	shalt  }
0x84: {  	_ =	shalt  }
0x85: {  	_ =	shalt  }
0x86: {  	_ =	shalt  }
0x87: {  	_ =	shalt  }
.Lfunc_end0:
.L_simem_size_0:
called_computation.2_lowered:
.L_overlay_start_0:
0x88: {  	s2 =	sld [smem:$0x3FD9]  }
0x89: {  	s3 =	sld [smem:$0x3FFE];
	_ =	sdelay $0x1  }
0x8a: {  	s1 =	srdreg.scid  }
0x8b: {  	s0 =	sand.u32 $0x1, s1  }
0x8c: {  	s16 =	sshll.u32 s0, $0xA;
	s2 =	sadd.s32 s3, s2  }
0x8d: {  	s2 =	sadd.s32 s2, s16  }
0x8e: {  	[smem:$0x3FB9] =	sst s2  }
0x8f: {  	_ = 	snop  }
0x90: {  	(tm) =	ssettm $0x1  }
0x91: {  	s17 =	sld [smem:$0x3FFB];
	_ =	sdelay $0x3  }
0x92: {  	_ =	strace s17  }
0x93: {  	s2 =	sld [smem:$0x3FFC];
	_ =	sdelay $0x3  }
0x94: {  	_ =	strace s2  }
0x95: {  	s2 =	sld [smem:$0x3FFD];
	_ =	sdelay $0x3  }
0x96: {  	_ =	strace s2  }
0x97: {  	_ =	strace $0x8FFFFFFF  }
0x98: {  	s18 =	sld [smem:$0x3FDB];
	_ =	sdelay $0x1  }
0x99: {  	s19 =	simm.s32 $_scs_section_size  }
0x9a: {  	s4 =	simm.s32 $_size__tile_overlayer_lowered;
	s5 =	simm.s32 $_tile_overlayer_lowered  }
0x9b: {  	s22 =	simm.s32 $0x1BFF;
	s21 =	sshll.u32 s5, $0x1;
	s2 =	sadd.s32 s19, s18  }
0x9c: {  	s6 =	simm.s32 $0x0;
	s20 =	sshll.u32 s4, $0x1;
	s4 =	sadd.s32 s21, s2  }
0x9d: {  	[timem:s6], [sflag:s22] =	dma.local [hbm:s4], s20  }
0x9e: {  	_ =	swait.ge [sflag:s22], s20  }
0x9f: {  	s3 =	ssub.s32 $0x0, s20;
	[sflag:s22] =	ssyncset.done $0x0  }
0xa0: {  	[sflag:s22] =	ssyncadd.s32 s3;
	_ =	sdelay $0x1  }
0xa1: {  	s23 =	simm.s32 $0x1B8B  }
0xa2: {  	_ =	swait.ge [sflag:s23], $0x1  }
0xa3: {  	[sflag:s23] =	ssyncset.done $0x0  }
0xa4: {  	s25 =	simm.s32 $0x1B8E;
	s24 =	sld [smem:$0x3FFE];
	[sflag:s23] =	ssyncadd.s32 $0xFFFFFFFF  }
0xa5: {  	s26 =	simm.s32 $execute0_lowered;
	[smem:$0x3FD2] =	sst s25  }
0xa6: {  	s4 =	sshll.u32 s26, $0x1;
	_ =	strace $0x8000004C;
	[dreg:$0x1] =	wrdreg $0xFFFFFFFF  }
0xa7: {  	s28 =	simm.s32 $_size_execute0_lowered;
	s2 =	sadd.s32 s2, s4;
	[dreg:$0x0] =	wrdreg $0x0  }
0xa8: {  	s4 =	sshll.u32 s28, $0x1;
	[dreg:$0x2] =	wrdreg s2  }
0xa9: {  	[dreg:$0x3] =	wrdreg s4  }
0xaa: {  	[dreg:$0x4] =	wrdreg $0xC0  }
0xab: {  	_ =	task [dreg:s6], $0x5FFFF  }
0xac: {  	[dreg:$0x1] =	wrdreg $0xFFFFFFFF  }
0xad: {  	[dreg:$0x0] =	wrdreg $0x60  }
0xae: {  	[dreg:$0x2] =	wrdreg s24  }
0xaf: {  	[dreg:$0x3] =	wrdreg $0xC7000  }
0xb0: {  	[dreg:$0x4] =	wrdreg $0x9  }
0xb1: {  	_ =	task.clear_ibuf [dreg:s6], $0x5FFFF;
	_ =	strace $0x9000004C  }
0xb2: {  	s29 =	simm.s32 $0x9;
	_ =	strace $0x8000004E  }
0xb3: {  	_ =	swait.ge [sflag:s29], $0x1  }
0xb4: {  	[sflag:s29] =	ssyncadd.s32 $0xFFFFFFFF  }
0xb5: {  	_ =	strace $0x9000004E  }
0xb6: {  	_ =	sfence  }
0xb7: {  	s30 =	sld [smem:$0x0];
	_ =	sdelay $0x2  }
0xb8: {  	s31 =	sshll.u32 s1, $0xD;
	s1 =	sshrl.u32 s1, $0x2  }
0xb9: {  	s3 =	sand.u32 $0x4000, s31;
	s1 =	sadd.s32 s1, s30  }
0xba: {  	s0 =	sor.u32 s3, s0;
	s1 =	sshll.u32 s1, $0x11  }
0xbb: {  	s0 =	sor.u32 s1, s0  }
0xbc: {  	s0 =	sadd.s32 $0x8F2B, s0  }
0xbd: {  	[sflag:s0] =	ssyncadd.remote.s32 $0x1  }
0xbe: {  	_ =	sfence.sel $0xFFFF  }
0xbf: {  	[dreg:$0x0] =	wrdreg $0xFFFFFFFF;
	(pc) =	sbr.abs _section_cstart, $3  }
0xc0: {  	[dreg:$0x1] =	wrdreg $0xFFFFFFFF  }
0xc1: {  	_ =	task.clear_ibuf [dreg:s6], $0x2FFFF;
	_ =	strace $0x9FFFFFFF  }
0xc2: {  	(tm) =	ssettm $0x7FFFFFFF  }
0xc3: {  	_ =	shalt  }
tec
execute0_lowered:
.L_overlay_start_1:
0x0: {  	(tag) =	ssettag $0x1  }
0x1: {  	s0 =	srdreg.scid  }
0x2: {  	s12 =	stileid.u32;
	s8 =	rddreg [dreg:$0x0];
	s22 =	simm.s32 $0x0  }
0x3: {  	s13 =	simm.s32 $0x400;
	s16 =	simm.s32 $0x9;
	s18 =	simm.s32 $0x1  }
0x4: {  	s19 =	simm.s32 $0x2;
	s20 =	simm.s32 $0x50;
	s21 =	simm.s32 $0x4F00  }
0x5: {  	s28 =	simm.s32 $0x5;
	s29 =	simm.s32 $0x6;
	s30 =	simm.s32 $0x7  }
0x6: {  	s31 =	simm.s32 $0x8;
	s0 =	sand.u32 $0x1, s0;
	s4 =	sshll.u32 s12, $0x7  }
0x7: {  	[smem:$0x7FF] =	sst s22;
	s10 =	sadd.s32 $0x2A200, s8;
	s7 =	smul.u32 $0x4E000, s12  }
0x8: {  	s9 =	smul.u32 $0x13800, s12;
	s26 =	sshll.u32 s12, $0x6;
	p0 =	sne.s32 s12, $0x0  }
0x9: {  	s22 =	simm.s32 $0x7700;
	s1 =	sshll.u32 s0, $0x4;
	s4 =	sand.u32 $0x380, s4  }
0xa: {  	s23 =	ssub.s32 $0x2, s0;
	s0 =	smul.u32 $0x138800, s0;
	s1 =	sor.u32 s12, s1  }
0xb: {  	s6 =	sshrl.u32 s23, $0x1;
	s24 =	sshrl.u32 s7, $0x2;
	s25 =	sshrl.u32 s9, $0x3  }
0xc: {  	s7 =	sor.u32 $0x1C09, s26;
	s12 =	simm.s32 $0x80;
	s26 =	simm.s32 $0x4  }
0xd: {  	s2 =	sshrl.u32 s1, $0x3;
	s1 =	rddreg [dreg:$0x1];
	_ =	strace $0x8000004D  }
0xe: {  	s11 =	ssub.s32 s23, s6;
	s9 =	sadd.s32 s9, s0;
	s0 =	sshrl.u32 s0, $0x3  }
0xf: {  	s3 =	smul.u32 $0x13C00, s2;
	s14 =	sadd.s32 s24, s1;
	s17 =	sadd.s32 $0x138000, s1  }
0x10: {  	s9 =	sshrl.u32 s9, $0x3;
	s0 =	sadd.s32 s10, s0;
	s11 =	smax.u32 s11, $0x1  }
0x11: {  	s24 =	simm.s32 $0x9F00;
	s9 =	sadd.s32 s10, s9;
	s10 =	sadd.s32 $0x27000, s0  }
0x12: {  	s15 =	sshrl.u32 s14, $0x3;
	s17 =	sshrl.u32 @!p0 s17, $0x3;
	s3 =	sor.u32 s4, s3  }
0x13: {  	s14 =	simm.s32 $0x0;
	s4 =	sshrl.u32 s3, $0x3;
	s3 =	sadd.s32 $0x3000, s8  }
0x14: {  	s5 =	sadd.s32 s4, s8;
	s6 =	sadd.s32 s3, s25;
	s8 =	sadd.s32 $0x2A000, s8  }
0x15: {  	s25 =	simm.s32 $0x3;
	s4 =	sadd.s32 $0x92200, s5;
	s5 =	sadd.s32 $0x88400, s5  }
.LBB2_1:
0x16: {  	s2 =	simm.s32 $0x0  }
0x17: {  	[tilespmem:s2], [sflag:$0x1] =	stream.strided.gather [hbm4b:s4+s12], $0x2780, s13, s12, $0x38;
	[tilespmem:$0x1FF80] =	vst v63  }
0x18: {  	s0 =	simm.s32 $0x2780  }
0x19: {  	[tilespmem:s0], [sflag:$0x2] =	stream.strided.gather [hbm4b:s5+s12], $0x2780, s13, s12, $0x38;
	[tilespmem:$0x1FF80] =	vst v63  }
0x1a: {  	[spmem:s15], [sflag:s7] =	dma.local [hbm:s6], $0x2700  }
0x1b: {  	_ =	swait.ge [sflag:s16], $0x2700  }
0x1c: {  	[sflag:s16] =	ssyncset.done $0x0  }
0x1d: {  	s0 =	simm.s32 @!p0 $0x9;
	[sflag:s16] =	ssyncadd.s32 $0xFFFFD900  }
0x1e: {  	[spmem:s17], [sflag:s7] =	dma.local @!p0 [hbm:s8], $0x100  }
0x1f: {  	_ =	swait.ge @!p0 [sflag:s0], $0x100  }
0x20: {  	[sflag:s0] =	ssyncset.done @!p0 $0x0  }
0x21: {  	[sflag:s0] =	ssyncadd.s32 @!p0 $0xFFFFFF00  }
0x22: {  	_ =	swait.ge [sflag:s18], $0x2780  }
0x23: {  	[sflag:s18] =	ssyncset.done $0x0  }
0x24: {  	[sflag:s18] =	ssyncadd.s32 $0xFFFFD880  }
0x25: {  	_ =	swait.ge [sflag:s19], $0x2780  }
0x26: {  	[sflag:s19] =	ssyncset.done $0x0  }
0x27: {  	[sflag:s19] =	ssyncadd.s32 $0xFFFFD880  }
0x28: {  	[bflag:$0x0] =	sbarrier.arrive $0xFFFF  }
0x29: {  	[tilespmem:s21], [sflag:$0x3] =	stream.indirect.gather [hbm4b:s3+s20], $0x80, s2, s20, $0xb8;
	[tilespmem:$0x1FF80] =	vst v63  }
0x2a: {  	_ = 	snop  }
0x2b: {  	[tilespmem:s22], [sflag:$0x4] =	stream.indirect.gather [hbm4b:s3+s20], $0x80, s20, s20, $0xb8;
	[tilespmem:$0x1FF80] =	vst v63  }
0x2c: {  	s2 =	simm.s32 $0xA0  }
0x2d: {  	[tilespmem:s24], [sflag:$0x5] =	stream.indirect.gather [hbm4b:s3+s20], $0x80, s2, s20, $0xb8;
	[tilespmem:$0x1FF80] =	vst v63  }
0x2e: {  	_ =	swait.ge [sflag:s25], $0x2800  }
0x2f: {  	[sflag:s25] =	ssyncset.done $0x0  }
0x30: {  	s23 =	simm.s32 $0x2780;
	[sflag:s25] =	ssyncadd.s32 $0xFFFFD800  }
0x31: {  	[spmem:s1] =	stream.indirect.scatter.add.f32 [tilespmem:s21], [sflag:$0x6], $0x80, s23, s20, $0xb8;
	[tilespmem:$0x1FF80] =	vst v63  }
0x32: {  	_ =	swait.ge [sflag:s26], $0x2800  }
0x33: {  	[sflag:s26] =	ssyncset.done $0x0  }
0x34: {  	s2 =	simm.s32 $0x27D0;
	[sflag:s26] =	ssyncadd.s32 $0xFFFFD800  }
0x35: {  	[spmem:s1] =	stream.indirect.scatter.add.f32 [tilespmem:s22], [sflag:$0x7], $0x80, s2, s20, $0xb8;
	[tilespmem:$0x1FF80] =	vst v63  }
0x36: {  	_ =	swait.ge [sflag:s28], $0x2800  }
0x37: {  	[sflag:s28] =	ssyncset.done $0x0  }
0x38: {  	s23 =	simm.s32 $0x2820;
	[sflag:s28] =	ssyncadd.s32 $0xFFFFD800  }
0x39: {  	[spmem:s1] =	stream.indirect.scatter.add.f32 [tilespmem:s24], [sflag:$0x8], $0x80, s23, s20, $0xb8;
	[tilespmem:$0x1FF80] =	vst v63  }
0x3a: {  	_ =	swait.ge [sflag:s29], $0x2800  }
0x3b: {  	[sflag:s29] =	ssyncset.done $0x0  }
0x3c: {  	s2 =	simm.s32 $0xF0;
	[sflag:s29] =	ssyncadd.s32 $0xFFFFD800  }
0x3d: {  	[tilespmem:s21], [sflag:$0x3] =	stream.indirect.gather [hbm4b:s3+s20], $0x80, s2, s20, $0xb8;
	[tilespmem:$0x1FF80] =	vst v63  }
0x3e: {  	_ =	swait.ge [sflag:s30], $0x2800  }
0x3f: {  	[sflag:s30] =	ssyncset.done $0x0  }
0x40: {  	s23 =	simm.s32 $0x140;
	[sflag:s30] =	ssyncadd.s32 $0xFFFFD800  }
0x41: {  	[tilespmem:s22], [sflag:$0x4] =	stream.indirect.gather [hbm4b:s3+s20], $0x80, s23, s20, $0xb8;
	[tilespmem:$0x1FF80] =	vst v63  }
0x42: {  	_ =	swait.ge [sflag:s31], $0x2800  }
0x43: {  	[sflag:s31] =	ssyncset.done $0x0  }
0x44: {  	s0 =	simm.s32 $0x190;
	s23 =	simm.s32 $0x3C0;
	[sflag:s31] =	ssyncadd.s32 $0xFFFFD800  }
.LBB2_2:
0x45: {  	[tilespmem:s24], [sflag:$0x5] =	stream.indirect.gather [hbm4b:s3+s20], $0x80, s0, s20, $0xb8;
	[tilespmem:$0x1FF80] =	vst v63  }
0x46: {  	s0 =	smov.u32 s23  }
0x47: {  	p1 =	sne.s32 s23, $0x9240;
	s23 =	sadd.s32 $0x3C0, s23;
	_ =	swait.ge [sflag:s25], $0x2800  }
0x48: {  	s0 =	sshra.s32 s0, $0x2;
	[sflag:s25] =	ssyncset.done $0x0  }
0x49: {  	s2 =	sadd.s32 $0x2780, s0;
	[sflag:s25] =	ssyncadd.s32 $0xFFFFD800  }
0x4a: {  	[spmem:s1] =	stream.indirect.scatter.add.f32 [tilespmem:s21], [sflag:$0x6], $0x80, s2, s20, $0xb8;
	[tilespmem:$0x1FF80] =	vst v63  }
0x4b: {  	_ =	swait.ge [sflag:s26], $0x2800  }
0x4c: {  	[sflag:s26] =	ssyncset.done $0x0  }
0x4d: {  	s2 =	sadd.s32 $0x27D0, s0;
	[sflag:s26] =	ssyncadd.s32 $0xFFFFD800  }
0x4e: {  	[spmem:s1] =	stream.indirect.scatter.add.f32 [tilespmem:s22], [sflag:$0x7], $0x80, s2, s20, $0xb8;
	[tilespmem:$0x1FF80] =	vst v63  }
0x4f: {  	_ =	swait.ge [sflag:s28], $0x2800  }
0x50: {  	[sflag:s28] =	ssyncset.done $0x0  }
0x51: {  	s2 =	sadd.s32 $0x2820, s0;
	[sflag:s28] =	ssyncadd.s32 $0xFFFFD800  }
0x52: {  	[spmem:s1] =	stream.indirect.scatter.add.f32 [tilespmem:s24], [sflag:$0x8], $0x80, s2, s20, $0xb8;
	[tilespmem:$0x1FF80] =	vst v63  }
0x53: {  	_ =	swait.ge [sflag:s29], $0x2800  }
0x54: {  	[sflag:s29] =	ssyncset.done $0x0  }
0x55: {  	s2 =	sadd.s32 $0xF0, s0;
	[sflag:s29] =	ssyncadd.s32 $0xFFFFD800  }
0x56: {  	[tilespmem:s21], [sflag:$0x3] =	stream.indirect.gather [hbm4b:s3+s20], $0x80, s2, s20, $0xb8;
	[tilespmem:$0x1FF80] =	vst v63  }
0x57: {  	_ =	swait.ge [sflag:s30], $0x2800  }
0x58: {  	[sflag:s30] =	ssyncset.done $0x0  }
.Ltmp0:
0x59: {  	s2 =	sadd.s32 $0x140, s0;
	[sflag:s30] =	ssyncadd.s32 $0xFFFFD800;
	(pc) =	sbr.rel @p1 .LBB2_2-.Ltmp0, $4  }
0x5a: {  	[tilespmem:s22], [sflag:$0x4] =	stream.indirect.gather [hbm4b:s3+s20], $0x80, s2, s20, $0xb8;
	[tilespmem:$0x1FF80] =	vst v63  }
0x5b: {  	_ =	swait.ge [sflag:s31], $0x2800  }
0x5c: {  	[sflag:s31] =	ssyncset.done $0x0  }
0x5d: {  	s0 =	sadd.s32 $0x190, s0;
	[sflag:s31] =	ssyncadd.s32 $0xFFFFD800  }
0x5e: {  	[tilespmem:s24], [sflag:$0x5] =	stream.indirect.gather [hbm4b:s3+s20], $0x80, s0, s20, $0xb8;
	[tilespmem:$0x1FF80] =	vst v63  }
0x5f: {  	_ =	swait.ge [sflag:s25], $0x2800  }
0x60: {  	[sflag:s25] =	ssyncset.done $0x0  }
0x61: {  	s23 =	simm.s32 $0x4D00;
	[sflag:s25] =	ssyncadd.s32 $0xFFFFD800  }
0x62: {  	[spmem:s1] =	stream.indirect.scatter.add.f32 [tilespmem:s21], [sflag:$0x6], $0x80, s23, s20, $0xb8;
	[tilespmem:$0x1FF80] =	vst v63  }
0x63: {  	_ =	swait.ge [sflag:s26], $0x2800  }
0x64: {  	[sflag:s26] =	ssyncset.done $0x0  }
0x65: {  	s2 =	simm.s32 $0x4D50;
	[sflag:s26] =	ssyncadd.s32 $0xFFFFD800  }
0x66: {  	[spmem:s1] =	stream.indirect.scatter.add.f32 [tilespmem:s22], [sflag:$0x7], $0x80, s2, s20, $0xb8;
	[tilespmem:$0x1FF80] =	vst v63  }
0x67: {  	_ =	swait.ge [sflag:s28], $0x2800  }
0x68: {  	[sflag:s28] =	ssyncset.done $0x0  }
0x69: {  	s23 =	simm.s32 $0x4DA0;
	[sflag:s28] =	ssyncadd.s32 $0xFFFFD800  }
0x6a: {  	[spmem:s1] =	stream.indirect.scatter.add.f32 [tilespmem:s24], [sflag:$0x8], $0x80, s23, s20, $0xb8;
	[tilespmem:$0x1FF80] =	vst v63  }
0x6b: {  	_ =	swait.ge [sflag:s29], $0x2800  }
0x6c: {  	[sflag:s29] =	ssyncset.done $0x0  }
0x6d: {  	s2 =	simm.s32 $0x2670;
	[sflag:s29] =	ssyncadd.s32 $0xFFFFD800  }
0x6e: {  	[tilespmem:s21], [sflag:$0x3] =	stream.indirect.gather [hbm4b:s3+s20], $0x80, s2, s20, $0xb8;
	[tilespmem:$0x1FF80] =	vst v63  }
0x6f: {  	_ =	swait.ge [sflag:s30], $0x2800  }
0x70: {  	[sflag:s30] =	ssyncset.done $0x0  }
0x71: {  	s23 =	simm.s32 $0x26C0;
	[sflag:s30] =	ssyncadd.s32 $0xFFFFD800  }
0x72: {  	[tilespmem:s22], [sflag:$0x4] =	stream.indirect.gather [hbm4b:s3+s20], $0x80, s23, s20, $0xb8;
	[tilespmem:$0x1FF80] =	vst v63  }
0x73: {  	_ =	swait.ge [sflag:s31], $0x2800  }
0x74: {  	[sflag:s31] =	ssyncset.done $0x0  }
0x75: {  	[sflag:s31] =	ssyncadd.s32 $0xFFFFD800  }
0x76: {  	_ =	swait.ge [sflag:s25], $0x2800  }
0x77: {  	[sflag:s25] =	ssyncset.done $0x0  }
0x78: {  	s2 =	simm.s32 $0x4DF0;
	[sflag:s25] =	ssyncadd.s32 $0xFFFFD800  }
0x79: {  	[spmem:s1] =	stream.indirect.scatter.add.f32 [tilespmem:s21], [sflag:$0x9], $0x80, s2, s20, $0xb8;
	[tilespmem:$0x1FF80] =	vst v63  }
0x7a: {  	_ =	swait.ge [sflag:s16], $0x2800  }
0x7b: {  	[sflag:s16] =	ssyncset.done $0x0  }
0x7c: {  	[sflag:s16] =	ssyncadd.s32 $0xFFFFD800  }
0x7d: {  	_ =	swait.ge [sflag:s26], $0x2800  }
0x7e: {  	[sflag:s26] =	ssyncset.done $0x0  }
0x7f: {  	s23 =	simm.s32 $0x4E40;
	[sflag:s26] =	ssyncadd.s32 $0xFFFFD800  }
0x80: {  	[spmem:s1] =	stream.indirect.scatter.add.f32 [tilespmem:s22], [sflag:$0x9], $0x80, s23, s20, $0xb8;
	[tilespmem:$0x1FF80] =	vst v63  }
0x81: {  	_ =	swait.ge [sflag:s16], $0x2800  }
0x82: {  	[sflag:s16] =	ssyncset.done $0x0  }
0x83: {  	[sflag:s16] =	ssyncadd.s32 $0xFFFFD800  }
0x84: {  	[bflag:$0x0] =	sbarrier.arrive $0xFFFF  }
0x85: {  	[hbm:s9], [sflag:s7] =	dma.local [spmem:s15], $0x2700  }
0x86: {  	s14 =	sadd.s32 $0x1, s14;
	_ =	swait.ge [sflag:s16], $0x2700  }
0x87: {  	p1 =	sne.s32 s14, s11;
	[sflag:s16] =	ssyncset.done $0x0  }
.Ltmp1:
0x88: {  	s0 =	simm.s32 @!p0 $0x9;
	[sflag:s16] =	ssyncadd.s32 $0xFFFFD900;
	(pc) =	sbr.rel @p1 .LBB2_1-.Ltmp1, $4  }
0x89: {  	[hbm:s10], [sflag:s7] =	dma.local @!p0 [spmem:s17], $0x100  }
0x8a: {  	_ =	swait.ge @!p0 [sflag:s0], $0x100  }
0x8b: {  	[sflag:s0] =	ssyncset.done @!p0 $0x0  }
0x8c: {  	[sflag:s0] =	ssyncadd.s32 @!p0 $0xFFFFFF00  }
0x8d: {  	_ =	sfence.sel $0x180000  }
0x8e: {  	[bflag:$0x0] =	sbarrier.arrive $0xFFFF  }
0x8f: {  	_ =	strace $0x9000004D  }
0x90: {  	[bflag:$0x2] =	sbarrier.arrive $0xFFFF  }
0x91: {  	s0 =	rddreg [dreg:$0x2]  }
0x92: {  	s0 =	sadd.s32 @!p0 $0x100000, s0  }
0x93: {  	[sflag:s0] =	ssyncadd.tile.s32 @!p0 $0x1;
	_ =	shalt  }
.Lfunc_end2:
_tile_overlayer_lowered:
.L_overlay_start_2:
0x94: {  	(tag) =	ssettag $0x2  }
0x95: {  	s0 =	rddreg [dreg:$0x0];
	s2 =	stileid.u32  }
0x96: {  	s1 =	rddreg [dreg:$0x1];
	p0 =	sne.s32 s2, $0x0  }
0x97: {  	s3 =	rddreg [dreg:$0x2];
	[bflag:$0x3] =	sbarrier.arrive $0xFFFF;
	s2 =	simm.s32 @!p0 $0x1C09  }
0x98: {  	[timem:s3], [sflag:s2] =	dma.local @!p0 [hbm:s0], s1  }
0x99: {  	s0 =	simm.s32 @!p0 $0x9  }
0x9a: {  	_ =	swait.ge @!p0 [sflag:s0], s1  }
0x9b: {  	s1 =	ssub.s32 @!p0 $0x0, s1;
	[sflag:s0] =	ssyncset.done @!p0 $0x0  }
0x9c: {  	[sflag:s0] =	ssyncadd.s32 @!p0 s1  }
0x9d: {  	[bflag:$0x3] =	sbarrier.arrive $0xFFFF  }
0x9e: {  	_ =	shalt  }

// kernel: kernel.20.cloned.1.call-start
scs
__scs_entry_jumppad:
0x0: {  	(pc) =	sbr.rel $0x88, $3  }
0x1: {  	(tag) =	ssettag $0x0;
	lr =	simm.s32 $0x1  }
0x2: {  	[smem:$0x3F92] =	sst lr;
	_ =	strace $0xD0000000  }
0x3: {  	_ = 	snop  }
0x4: {  	_ = 	snop  }
0x5: {  	_ = 	snop  }
0x6: {  	_ = 	snop  }
0x7: {  	_ = 	snop  }
__scs_overlays_trampoline_lowered:
0x8: {  	[smem:$0x3FA1] =	sst s0  }
0x9: {  	[smem:$0x3FA2] =	sst s1  }
0xa: {  	[smem:$0x3FA3] =	sst s2  }
0xb: {  	[smem:$0x3FA4] =	sst s3  }
0xc: {  	[smem:$0x3FA5] =	sst s4  }
0xd: {  	[smem:$0x3FA6] =	sst s5  }
0xe: {  	[smem:$0x3FA7] =	sst s6  }
0xf: {  	[smem:$0x3FA8] =	sst s7  }
0x10: {  	[smem:$0x3FA9] =	sst s8  }
0x11: {  	[smem:$0x3FAA] =	sst s9;
	s0 =	simm.s32 @!p0 $0x0  }
0x12: {  	s1 =	sld [smem:$0x3F90];
	s0 =	simm.s32 @p0 $0x1  }
0x13: {  	[smem:$0x3FAB] =	sst s0;
	s0 =	simm.s32 @!p1 $0x0  }
0x14: {  	s2 =	sld [smem:$0x3F8F];
	s0 =	simm.s32 @p1 $0x1  }
0x15: {  	[smem:$0x3FAC] =	sst s0;
	s0 =	simm.s32 @!p2 $0x0  }
0x16: {  	s3 =	sld [smem:$0x3FDB];
	s0 =	simm.s32 @p2 $0x1  }
0x17: {  	s4 =	simm.s32 $0x1BF5;
	[smem:$0x3FAE] =	sst s0  }
0x18: {  	s0 =	sld [smem:$0x3F91];
	_ =	swait.ge [sflag:s4], $0x0  }
0x19: {  	s7 =	sld [smem:$0x3F92]  }
0x1a: {  	s8 =	sadd.s32 $0xFFFFE003, lr  }
0x1b: {  	s9 =	sadd.s32 $0xFFFFFEF7, lr;
	s5 =	simm.s32 $0xFFFFFFFF;
	p2 =	slt.u32 s8, $0xFFFFF086  }
0x1c: {  	p1 =	slt.u32 s9, $0xF7A;
	s5 =	simm.s32 @!p2 $0x0  }
0x1d: {  	s5 =	simm.s32 @p1 $0x1;
	p0 =	seq.s32 s7, s2  }
0x1e: {  	s7 =	smul.u32 @!p0 $0xF7A, s2;
	p2 =	seq.s32 @!p0 s5, $0x0  }
0x1f: {  	s9 =	smul.u32 $0xF7A, s1;
	s8 =	simm.s32 @!p0 $0x1BF5;
	p2 =	por !p2, p0  }
0x20: {  	[sflag:s8] =	ssyncset.s32 @!p0 $0xFFFFF086;
	s6 =	sadd.s32 @!p0 s3, s7;
	s7 =	simm.s32 @!p0 $0x108  }
0x21: {  	s3 =	sadd.s32 s3, s9;
	s6 =	sadd.s32 @!p0 $0x88, s6;
	s7 =	simm.s32 @p2 $0x1082  }
0x22: {  	[simem:s7], [sflag:s8] =	dma.local @!p0 [hbm:s6], $0xF7A  }
0x23: {  	s9 =	sor.u32 $0xD0000000, s2;
	s6 =	simm.s32 $0x108;
	_ =	swait.ge @!p0 [sflag:s8], $0x0  }
0x24: {  	s3 =	sadd.s32 $0x88, s3;
	s6 =	simm.s32 @!p1 $0x1082;
	[sflag:s4] =	ssyncset.s32 $0xFFFFF086  }
0x25: {  	[simem:s6], [sflag:s4] =	dma.local [hbm:s3], $0xF7A  }
0x26: {  	[smem:$0x3F92] =	sst s1;
	(tag) =	ssettag s2;
	_ =	strace s9  }
0x27: {  	s1 =	sld [smem:$0x3FA2]  }
0x28: {  	s2 =	sld [smem:$0x3FA3]  }
0x29: {  	s4 =	sld [smem:$0x3FA5]  }
0x2a: {  	p0 =	seq.s32 s5, $0x0;
	s5 =	sld [smem:$0x3FA6]  }
0x2b: {  	s6 =	sld [smem:$0x3FA7]  }
0x2c: {  	s7 =	sld [smem:$0x3FA8]  }
0x2d: {  	s3 =	simm.s32 $0x108;
	s8 =	sld [smem:$0x3FA9]  }
0x2e: {  	s3 =	simm.s32 @!p0 $0x1082;
	s9 =	sld [smem:$0x3FAA]  }
0x2f: {  	lr =	sadd.s32 s0, s3;
	s0 =	sld [smem:$0x3FA1]  }
0x30: {  	s3 =	sld [smem:$0x3FA4]  }
0x31: {  	[smem:$0x3FAD] =	sst s10  }
0x32: {  	s10 =	sld [smem:$0x3FAB];
	_ =	sdelay $0x3  }
0x33: {  	p0 =	seq.s32 s10, $0x1;
	s10 =	sld [smem:$0x3FAD];
	_ =	sdelay $0x3  }
0x34: {  	[smem:$0x3FAD] =	sst s10  }
0x35: {  	s10 =	sld [smem:$0x3FAC];
	_ =	sdelay $0x3  }
0x36: {  	p1 =	seq.s32 s10, $0x1;
	s10 =	sld [smem:$0x3FAD];
	_ =	sdelay $0x3  }
0x37: {  	[smem:$0x3FAD] =	sst s10  }
0x38: {  	s10 =	sld [smem:$0x3FAE]  }
0x39: {  	_ = 	snop;
	(pc) =	sbr.ind lr, $3  }
0x3a: {  	_ = 	snop  }
0x3b: {  	_ = 	snop  }
0x3c: {  	p2 =	seq.s32 s10, $0x1;
	s10 =	sld [smem:$0x3FAD]  }
0x3d: {  	_ =	shalt  }
0x3e: {  	_ =	shalt  }
0x3f: {  	_ =	shalt  }
0x40: {  	_ =	shalt  }
0x41: {  	_ =	shalt  }
0x42: {  	_ =	shalt  }
0x43: {  	_ =	shalt  }
0x44: {  	_ =	shalt  }
0x45: {  	_ =	shalt  }
0x46: {  	_ =	shalt  }
0x47: {  	_ =	shalt  }
0x48: {  	_ =	shalt  }
0x49: {  	_ =	shalt  }
0x4a: {  	_ =	shalt  }
0x4b: {  	_ =	shalt  }
0x4c: {  	_ =	shalt  }
0x4d: {  	_ =	shalt  }
0x4e: {  	_ =	shalt  }
0x4f: {  	_ =	shalt  }
0x50: {  	_ =	shalt  }
0x51: {  	_ =	shalt  }
0x52: {  	_ =	shalt  }
0x53: {  	_ =	shalt  }
0x54: {  	_ =	shalt  }
0x55: {  	_ =	shalt  }
0x56: {  	_ =	shalt  }
0x57: {  	_ =	shalt  }
0x58: {  	_ =	shalt  }
0x59: {  	_ =	shalt  }
0x5a: {  	_ =	shalt  }
0x5b: {  	_ =	shalt  }
0x5c: {  	_ =	shalt  }
0x5d: {  	_ =	shalt  }
0x5e: {  	_ =	shalt  }
0x5f: {  	_ =	shalt  }
0x60: {  	_ =	shalt  }
0x61: {  	_ =	shalt  }
0x62: {  	_ =	shalt  }
0x63: {  	_ =	shalt  }
0x64: {  	_ =	shalt  }
0x65: {  	_ =	shalt  }
0x66: {  	_ =	shalt  }
0x67: {  	_ =	shalt  }
0x68: {  	_ =	shalt  }
0x69: {  	_ =	shalt  }
0x6a: {  	_ =	shalt  }
0x6b: {  	_ =	shalt  }
0x6c: {  	_ =	shalt  }
0x6d: {  	_ =	shalt  }
0x6e: {  	_ =	shalt  }
0x6f: {  	_ =	shalt  }
0x70: {  	_ =	shalt  }
0x71: {  	_ =	shalt  }
0x72: {  	_ =	shalt  }
0x73: {  	_ =	shalt  }
0x74: {  	_ =	shalt  }
0x75: {  	_ =	shalt  }
0x76: {  	_ =	shalt  }
0x77: {  	_ =	shalt  }
0x78: {  	_ =	shalt  }
0x79: {  	_ =	shalt  }
0x7a: {  	_ =	shalt  }
0x7b: {  	_ =	shalt  }
0x7c: {  	_ =	shalt  }
0x7d: {  	_ =	shalt  }
0x7e: {  	_ =	shalt  }
0x7f: {  	_ =	shalt  }
0x80: {  	_ =	shalt  }
0x81: {  	_ =	shalt  }
0x82: {  	_ =	shalt  }
0x83: {  	_ =	shalt  }
0x84: {  	_ =	shalt  }
0x85: {  	_ =	shalt  }
0x86: {  	_ =	shalt  }
0x87: {  	_ =	shalt  }
.Lfunc_end0:
.L_simem_size_0:
called_computation.3_lowered:
.L_overlay_start_0:
0x88: {  	s2 =	sld [smem:$0x3FD9]  }
0x89: {  	s3 =	sld [smem:$0x3FFE];
	_ =	sdelay $0x1  }
0x8a: {  	s1 =	srdreg.scid  }
0x8b: {  	s0 =	sand.u32 $0x1, s1  }
0x8c: {  	s16 =	sshll.u32 s0, $0xA;
	s2 =	sadd.s32 s3, s2  }
0x8d: {  	s2 =	sadd.s32 s2, s16  }
0x8e: {  	[smem:$0x3FB9] =	sst s2  }
0x8f: {  	_ = 	snop  }
0x90: {  	(tm) =	ssettm $0x1  }
0x91: {  	s17 =	sld [smem:$0x3FFB];
	_ =	sdelay $0x3  }
0x92: {  	_ =	strace s17  }
0x93: {  	s2 =	sld [smem:$0x3FFC];
	_ =	sdelay $0x3  }
0x94: {  	_ =	strace s2  }
0x95: {  	s2 =	sld [smem:$0x3FFD];
	_ =	sdelay $0x3  }
0x96: {  	_ =	strace s2  }
0x97: {  	_ =	strace $0x8FFFFFFF  }
0x98: {  	s18 =	sld [smem:$0x3FDB];
	_ =	sdelay $0x1  }
0x99: {  	s19 =	simm.s32 $_scs_section_size  }
0x9a: {  	s4 =	simm.s32 $_size__tile_overlayer_lowered;
	s5 =	simm.s32 $_tile_overlayer_lowered  }
0x9b: {  	s22 =	simm.s32 $0x1BFF;
	s21 =	sshll.u32 s5, $0x1;
	s2 =	sadd.s32 s19, s18  }
0x9c: {  	s6 =	simm.s32 $0x0;
	s20 =	sshll.u32 s4, $0x1;
	s4 =	sadd.s32 s21, s2  }
0x9d: {  	[timem:s6], [sflag:s22] =	dma.local [hbm:s4], s20  }
0x9e: {  	_ =	swait.ge [sflag:s22], s20  }
0x9f: {  	s3 =	ssub.s32 $0x0, s20;
	[sflag:s22] =	ssyncset.done $0x0  }
0xa0: {  	[sflag:s22] =	ssyncadd.s32 s3;
	_ =	sdelay $0x1  }
0xa1: {  	s23 =	simm.s32 $0x1B8B  }
0xa2: {  	_ =	swait.ge [sflag:s23], $0x1  }
0xa3: {  	[sflag:s23] =	ssyncset.done $0x0  }
0xa4: {  	s25 =	simm.s32 $0x1B8E;
	s24 =	sld [smem:$0x3FFE];
	[sflag:s23] =	ssyncadd.s32 $0xFFFFFFFF  }
0xa5: {  	s26 =	simm.s32 $execute0_lowered;
	[smem:$0x3FD2] =	sst s25  }
0xa6: {  	s4 =	sshll.u32 s26, $0x1;
	_ =	strace $0x8000004F;
	[dreg:$0x1] =	wrdreg $0xFFFFFFFF  }
0xa7: {  	s28 =	simm.s32 $_size_execute0_lowered;
	s2 =	sadd.s32 s2, s4;
	[dreg:$0x0] =	wrdreg $0x0  }
0xa8: {  	s4 =	sshll.u32 s28, $0x1;
	[dreg:$0x2] =	wrdreg s2  }
0xa9: {  	[dreg:$0x3] =	wrdreg s4  }
0xaa: {  	[dreg:$0x4] =	wrdreg $0xC0  }
0xab: {  	_ =	task [dreg:s6], $0x5FFFF  }
0xac: {  	[dreg:$0x1] =	wrdreg $0xFFFFFFFF  }
0xad: {  	[dreg:$0x0] =	wrdreg $0x60  }
0xae: {  	[dreg:$0x2] =	wrdreg s24  }
0xaf: {  	[dreg:$0x3] =	wrdreg $0xC7000  }
0xb0: {  	[dreg:$0x4] =	wrdreg $0x9  }
0xb1: {  	_ =	task.clear_ibuf [dreg:s6], $0x5FFFF;
	_ =	strace $0x9000004F  }
0xb2: {  	s29 =	simm.s32 $0x9;
	_ =	strace $0x80000051  }
0xb3: {  	_ =	swait.ge [sflag:s29], $0x1  }
0xb4: {  	[sflag:s29] =	ssyncadd.s32 $0xFFFFFFFF  }
0xb5: {  	_ =	strace $0x90000051  }
0xb6: {  	_ =	sfence  }
0xb7: {  	s30 =	sld [smem:$0x0];
	_ =	sdelay $0x2  }
0xb8: {  	s31 =	sshll.u32 s1, $0xD;
	s1 =	sshrl.u32 s1, $0x2  }
0xb9: {  	s3 =	sand.u32 $0x4000, s31;
	s1 =	sadd.s32 s1, s30  }
0xba: {  	s0 =	sor.u32 s3, s0;
	s1 =	sshll.u32 s1, $0x11  }
0xbb: {  	s0 =	sor.u32 s1, s0  }
0xbc: {  	s0 =	sadd.s32 $0x8F2B, s0  }
0xbd: {  	[sflag:s0] =	ssyncadd.remote.s32 $0x1  }
0xbe: {  	_ =	sfence.sel $0xFFFF  }
0xbf: {  	[dreg:$0x0] =	wrdreg $0xFFFFFFFF;
	(pc) =	sbr.abs _section_cstart, $3  }
0xc0: {  	[dreg:$0x1] =	wrdreg $0xFFFFFFFF  }
0xc1: {  	_ =	task.clear_ibuf [dreg:s6], $0x2FFFF;
	_ =	strace $0x9FFFFFFF  }
0xc2: {  	(tm) =	ssettm $0x7FFFFFFF  }
0xc3: {  	_ =	shalt  }
tec
execute0_lowered:
.L_overlay_start_1:
0x0: {  	(tag) =	ssettag $0x1  }
0x1: {  	s0 =	srdreg.scid  }
0x2: {  	s12 =	stileid.u32;
	s8 =	rddreg [dreg:$0x0];
	s22 =	simm.s32 $0x0  }
0x3: {  	s13 =	simm.s32 $0x400;
	s16 =	simm.s32 $0x9;
	s18 =	simm.s32 $0x1  }
0x4: {  	s19 =	simm.s32 $0x2;
	s20 =	simm.s32 $0x50;
	s21 =	simm.s32 $0x4F00  }
0x5: {  	s28 =	simm.s32 $0x5;
	s29 =	simm.s32 $0x6;
	s30 =	simm.s32 $0x7  }
0x6: {  	s31 =	simm.s32 $0x8;
	s0 =	sand.u32 $0x1, s0;
	s4 =	sshll.u32 s12, $0x7  }
0x7: {  	[smem:$0x7FF] =	sst s22;
	s10 =	sadd.s32 $0x2A200, s8;
	s7 =	smul.u32 $0x4E000, s12  }
0x8: {  	s9 =	smul.u32 $0x13800, s12;
	s26 =	sshll.u32 s12, $0x6;
	p0 =	sne.s32 s12, $0x0  }
0x9: {  	s22 =	simm.s32 $0x7700;
	s1 =	sshll.u32 s0, $0x4;
	s4 =	sand.u32 $0x380, s4  }
0xa: {  	s23 =	ssub.s32 $0x2, s0;
	s0 =	smul.u32 $0x138800, s0;
	s1 =	sor.u32 s12, s1  }
0xb: {  	s6 =	sshrl.u32 s23, $0x1;
	s24 =	sshrl.u32 s7, $0x2;
	s25 =	sshrl.u32 s9, $0x3  }
0xc: {  	s7 =	sor.u32 $0x1C09, s26;
	s12 =	simm.s32 $0x80;
	s26 =	simm.s32 $0x4  }
0xd: {  	s2 =	sshrl.u32 s1, $0x3;
	s1 =	rddreg [dreg:$0x1];
	_ =	strace $0x80000050  }
0xe: {  	s11 =	ssub.s32 s23, s6;
	s9 =	sadd.s32 s9, s0;
	s0 =	sshrl.u32 s0, $0x3  }
0xf: {  	s3 =	smul.u32 $0x13C00, s2;
	s14 =	sadd.s32 s24, s1;
	s17 =	sadd.s32 $0x138000, s1  }
0x10: {  	s9 =	sshrl.u32 s9, $0x3;
	s0 =	sadd.s32 s10, s0;
	s11 =	smax.u32 s11, $0x1  }
0x11: {  	s24 =	simm.s32 $0x9F00;
	s9 =	sadd.s32 s10, s9;
	s10 =	sadd.s32 $0x27000, s0  }
0x12: {  	s15 =	sshrl.u32 s14, $0x3;
	s17 =	sshrl.u32 @!p0 s17, $0x3;
	s3 =	sor.u32 s4, s3  }
0x13: {  	s14 =	simm.s32 $0x0;
	s4 =	sshrl.u32 s3, $0x3;
	s3 =	sadd.s32 $0x3000, s8  }
0x14: {  	s5 =	sadd.s32 s4, s8;
	s6 =	sadd.s32 s3, s25;
	s8 =	sadd.s32 $0x2A000, s8  }
0x15: {  	s25 =	simm.s32 $0x3;
	s4 =	sadd.s32 $0x92200, s5;
	s5 =	sadd.s32 $0x88400, s5  }
.LBB2_1:
0x16: {  	s2 =	simm.s32 $0x0  }
0x17: {  	[tilespmem:s2], [sflag:$0x1] =	stream.strided.gather [hbm4b:s4+s12], $0x2780, s13, s12, $0x38;
	[tilespmem:$0x1FF80] =	vst v63  }
0x18: {  	s0 =	simm.s32 $0x2780  }
0x19: {  	[tilespmem:s0], [sflag:$0x2] =	stream.strided.gather [hbm4b:s5+s12], $0x2780, s13, s12, $0x38;
	[tilespmem:$0x1FF80] =	vst v63  }
0x1a: {  	[spmem:s15], [sflag:s7] =	dma.local [hbm:s6], $0x2700  }
0x1b: {  	_ =	swait.ge [sflag:s16], $0x2700  }
0x1c: {  	[sflag:s16] =	ssyncset.done $0x0  }
0x1d: {  	s0 =	simm.s32 @!p0 $0x9;
	[sflag:s16] =	ssyncadd.s32 $0xFFFFD900  }
0x1e: {  	[spmem:s17], [sflag:s7] =	dma.local @!p0 [hbm:s8], $0x100  }
0x1f: {  	_ =	swait.ge @!p0 [sflag:s0], $0x100  }
0x20: {  	[sflag:s0] =	ssyncset.done @!p0 $0x0  }
0x21: {  	[sflag:s0] =	ssyncadd.s32 @!p0 $0xFFFFFF00  }
0x22: {  	_ =	swait.ge [sflag:s18], $0x2780  }
0x23: {  	[sflag:s18] =	ssyncset.done $0x0  }
0x24: {  	[sflag:s18] =	ssyncadd.s32 $0xFFFFD880  }
0x25: {  	_ =	swait.ge [sflag:s19], $0x2780  }
0x26: {  	[sflag:s19] =	ssyncset.done $0x0  }
0x27: {  	[sflag:s19] =	ssyncadd.s32 $0xFFFFD880  }
0x28: {  	[bflag:$0x0] =	sbarrier.arrive $0xFFFF  }
0x29: {  	[tilespmem:s21], [sflag:$0x3] =	stream.indirect.gather [hbm4b:s3+s20], $0x80, s2, s20, $0xb8;
	[tilespmem:$0x1FF80] =	vst v63  }
0x2a: {  	_ = 	snop  }
0x2b: {  	[tilespmem:s22], [sflag:$0x4] =	stream.indirect.gather [hbm4b:s3+s20], $0x80, s20, s20, $0xb8;
	[tilespmem:$0x1FF80] =	vst v63  }
0x2c: {  	s2 =	simm.s32 $0xA0  }
0x2d: {  	[tilespmem:s24], [sflag:$0x5] =	stream.indirect.gather [hbm4b:s3+s20], $0x80, s2, s20, $0xb8;
	[tilespmem:$0x1FF80] =	vst v63  }
0x2e: {  	_ =	swait.ge [sflag:s25], $0x2800  }
0x2f: {  	[sflag:s25] =	ssyncset.done $0x0  }
0x30: {  	s23 =	simm.s32 $0x2780;
	[sflag:s25] =	ssyncadd.s32 $0xFFFFD800  }
0x31: {  	[spmem:s1] =	stream.indirect.scatter.add.f32 [tilespmem:s21], [sflag:$0x6], $0x80, s23, s20, $0xb8;
	[tilespmem:$0x1FF80] =	vst v63  }
0x32: {  	_ =	swait.ge [sflag:s26], $0x2800  }
0x33: {  	[sflag:s26] =	ssyncset.done $0x0  }
0x34: {  	s2 =	simm.s32 $0x27D0;
	[sflag:s26] =	ssyncadd.s32 $0xFFFFD800  }
0x35: {  	[spmem:s1] =	stream.indirect.scatter.add.f32 [tilespmem:s22], [sflag:$0x7], $0x80, s2, s20, $0xb8;
	[tilespmem:$0x1FF80] =	vst v63  }
0x36: {  	_ =	swait.ge [sflag:s28], $0x2800  }
0x37: {  	[sflag:s28] =	ssyncset.done $0x0  }
0x38: {  	s23 =	simm.s32 $0x2820;
	[sflag:s28] =	ssyncadd.s32 $0xFFFFD800  }
0x39: {  	[spmem:s1] =	stream.indirect.scatter.add.f32 [tilespmem:s24], [sflag:$0x8], $0x80, s23, s20, $0xb8;
	[tilespmem:$0x1FF80] =	vst v63  }
0x3a: {  	_ =	swait.ge [sflag:s29], $0x2800  }
0x3b: {  	[sflag:s29] =	ssyncset.done $0x0  }
0x3c: {  	s2 =	simm.s32 $0xF0;
	[sflag:s29] =	ssyncadd.s32 $0xFFFFD800  }
0x3d: {  	[tilespmem:s21], [sflag:$0x3] =	stream.indirect.gather [hbm4b:s3+s20], $0x80, s2, s20, $0xb8;
	[tilespmem:$0x1FF80] =	vst v63  }
0x3e: {  	_ =	swait.ge [sflag:s30], $0x2800  }
0x3f: {  	[sflag:s30] =	ssyncset.done $0x0  }
0x40: {  	s23 =	simm.s32 $0x140;
	[sflag:s30] =	ssyncadd.s32 $0xFFFFD800  }
0x41: {  	[tilespmem:s22], [sflag:$0x4] =	stream.indirect.gather [hbm4b:s3+s20], $0x80, s23, s20, $0xb8;
	[tilespmem:$0x1FF80] =	vst v63  }
0x42: {  	_ =	swait.ge [sflag:s31], $0x2800  }
0x43: {  	[sflag:s31] =	ssyncset.done $0x0  }
0x44: {  	s0 =	simm.s32 $0x190;
	s23 =	simm.s32 $0x3C0;
	[sflag:s31] =	ssyncadd.s32 $0xFFFFD800  }
.LBB2_2:
0x45: {  	[tilespmem:s24], [sflag:$0x5] =	stream.indirect.gather [hbm4b:s3+s20], $0x80, s0, s20, $0xb8;
	[tilespmem:$0x1FF80] =	vst v63  }
0x46: {  	s0 =	smov.u32 s23  }
0x47: {  	p1 =	sne.s32 s23, $0x9240;
	s23 =	sadd.s32 $0x3C0, s23;
	_ =	swait.ge [sflag:s25], $0x2800  }
0x48: {  	s0 =	sshra.s32 s0, $0x2;
	[sflag:s25] =	ssyncset.done $0x0  }
0x49: {  	s2 =	sadd.s32 $0x2780, s0;
	[sflag:s25] =	ssyncadd.s32 $0xFFFFD800  }
0x4a: {  	[spmem:s1] =	stream.indirect.scatter.add.f32 [tilespmem:s21], [sflag:$0x6], $0x80, s2, s20, $0xb8;
	[tilespmem:$0x1FF80] =	vst v63  }
0x4b: {  	_ =	swait.ge [sflag:s26], $0x2800  }
0x4c: {  	[sflag:s26] =	ssyncset.done $0x0  }
0x4d: {  	s2 =	sadd.s32 $0x27D0, s0;
	[sflag:s26] =	ssyncadd.s32 $0xFFFFD800  }
0x4e: {  	[spmem:s1] =	stream.indirect.scatter.add.f32 [tilespmem:s22], [sflag:$0x7], $0x80, s2, s20, $0xb8;
	[tilespmem:$0x1FF80] =	vst v63  }
0x4f: {  	_ =	swait.ge [sflag:s28], $0x2800  }
0x50: {  	[sflag:s28] =	ssyncset.done $0x0  }
0x51: {  	s2 =	sadd.s32 $0x2820, s0;
	[sflag:s28] =	ssyncadd.s32 $0xFFFFD800  }
0x52: {  	[spmem:s1] =	stream.indirect.scatter.add.f32 [tilespmem:s24], [sflag:$0x8], $0x80, s2, s20, $0xb8;
	[tilespmem:$0x1FF80] =	vst v63  }
0x53: {  	_ =	swait.ge [sflag:s29], $0x2800  }
0x54: {  	[sflag:s29] =	ssyncset.done $0x0  }
0x55: {  	s2 =	sadd.s32 $0xF0, s0;
	[sflag:s29] =	ssyncadd.s32 $0xFFFFD800  }
0x56: {  	[tilespmem:s21], [sflag:$0x3] =	stream.indirect.gather [hbm4b:s3+s20], $0x80, s2, s20, $0xb8;
	[tilespmem:$0x1FF80] =	vst v63  }
0x57: {  	_ =	swait.ge [sflag:s30], $0x2800  }
0x58: {  	[sflag:s30] =	ssyncset.done $0x0  }
.Ltmp0:
0x59: {  	s2 =	sadd.s32 $0x140, s0;
	[sflag:s30] =	ssyncadd.s32 $0xFFFFD800;
	(pc) =	sbr.rel @p1 .LBB2_2-.Ltmp0, $4  }
0x5a: {  	[tilespmem:s22], [sflag:$0x4] =	stream.indirect.gather [hbm4b:s3+s20], $0x80, s2, s20, $0xb8;
	[tilespmem:$0x1FF80] =	vst v63  }
0x5b: {  	_ =	swait.ge [sflag:s31], $0x2800  }
0x5c: {  	[sflag:s31] =	ssyncset.done $0x0  }
0x5d: {  	s0 =	sadd.s32 $0x190, s0;
	[sflag:s31] =	ssyncadd.s32 $0xFFFFD800  }
0x5e: {  	[tilespmem:s24], [sflag:$0x5] =	stream.indirect.gather [hbm4b:s3+s20], $0x80, s0, s20, $0xb8;
	[tilespmem:$0x1FF80] =	vst v63  }
0x5f: {  	_ =	swait.ge [sflag:s25], $0x2800  }
0x60: {  	[sflag:s25] =	ssyncset.done $0x0  }
0x61: {  	s23 =	simm.s32 $0x4D00;
	[sflag:s25] =	ssyncadd.s32 $0xFFFFD800  }
0x62: {  	[spmem:s1] =	stream.indirect.scatter.add.f32 [tilespmem:s21], [sflag:$0x6], $0x80, s23, s20, $0xb8;
	[tilespmem:$0x1FF80] =	vst v63  }
0x63: {  	_ =	swait.ge [sflag:s26], $0x2800  }
0x64: {  	[sflag:s26] =	ssyncset.done $0x0  }
0x65: {  	s2 =	simm.s32 $0x4D50;
	[sflag:s26] =	ssyncadd.s32 $0xFFFFD800  }
0x66: {  	[spmem:s1] =	stream.indirect.scatter.add.f32 [tilespmem:s22], [sflag:$0x7], $0x80, s2, s20, $0xb8;
	[tilespmem:$0x1FF80] =	vst v63  }
0x67: {  	_ =	swait.ge [sflag:s28], $0x2800  }
0x68: {  	[sflag:s28] =	ssyncset.done $0x0  }
0x69: {  	s23 =	simm.s32 $0x4DA0;
	[sflag:s28] =	ssyncadd.s32 $0xFFFFD800  }
0x6a: {  	[spmem:s1] =	stream.indirect.scatter.add.f32 [tilespmem:s24], [sflag:$0x8], $0x80, s23, s20, $0xb8;
	[tilespmem:$0x1FF80] =	vst v63  }
0x6b: {  	_ =	swait.ge [sflag:s29], $0x2800  }
0x6c: {  	[sflag:s29] =	ssyncset.done $0x0  }
0x6d: {  	s2 =	simm.s32 $0x2670;
	[sflag:s29] =	ssyncadd.s32 $0xFFFFD800  }
0x6e: {  	[tilespmem:s21], [sflag:$0x3] =	stream.indirect.gather [hbm4b:s3+s20], $0x80, s2, s20, $0xb8;
	[tilespmem:$0x1FF80] =	vst v63  }
0x6f: {  	_ =	swait.ge [sflag:s30], $0x2800  }
0x70: {  	[sflag:s30] =	ssyncset.done $0x0  }
0x71: {  	s23 =	simm.s32 $0x26C0;
	[sflag:s30] =	ssyncadd.s32 $0xFFFFD800  }
0x72: {  	[tilespmem:s22], [sflag:$0x4] =	stream.indirect.gather [hbm4b:s3+s20], $0x80, s23, s20, $0xb8;
	[tilespmem:$0x1FF80] =	vst v63  }
0x73: {  	_ =	swait.ge [sflag:s31], $0x2800  }
0x74: {  	[sflag:s31] =	ssyncset.done $0x0  }
0x75: {  	[sflag:s31] =	ssyncadd.s32 $0xFFFFD800  }
0x76: {  	_ =	swait.ge [sflag:s25], $0x2800  }
0x77: {  	[sflag:s25] =	ssyncset.done $0x0  }
0x78: {  	s2 =	simm.s32 $0x4DF0;
	[sflag:s25] =	ssyncadd.s32 $0xFFFFD800  }
0x79: {  	[spmem:s1] =	stream.indirect.scatter.add.f32 [tilespmem:s21], [sflag:$0x9], $0x80, s2, s20, $0xb8;
	[tilespmem:$0x1FF80] =	vst v63  }
0x7a: {  	_ =	swait.ge [sflag:s16], $0x2800  }
0x7b: {  	[sflag:s16] =	ssyncset.done $0x0  }
0x7c: {  	[sflag:s16] =	ssyncadd.s32 $0xFFFFD800  }
0x7d: {  	_ =	swait.ge [sflag:s26], $0x2800  }
0x7e: {  	[sflag:s26] =	ssyncset.done $0x0  }
0x7f: {  	s23 =	simm.s32 $0x4E40;
	[sflag:s26] =	ssyncadd.s32 $0xFFFFD800  }
0x80: {  	[spmem:s1] =	stream.indirect.scatter.add.f32 [tilespmem:s22], [sflag:$0x9], $0x80, s23, s20, $0xb8;
	[tilespmem:$0x1FF80] =	vst v63  }
0x81: {  	_ =	swait.ge [sflag:s16], $0x2800  }
0x82: {  	[sflag:s16] =	ssyncset.done $0x0  }
0x83: {  	[sflag:s16] =	ssyncadd.s32 $0xFFFFD800  }
0x84: {  	[bflag:$0x0] =	sbarrier.arrive $0xFFFF  }
0x85: {  	[hbm:s9], [sflag:s7] =	dma.local [spmem:s15], $0x2700  }
0x86: {  	s14 =	sadd.s32 $0x1, s14;
	_ =	swait.ge [sflag:s16], $0x2700  }
0x87: {  	p1 =	sne.s32 s14, s11;
	[sflag:s16] =	ssyncset.done $0x0  }
.Ltmp1:
0x88: {  	s0 =	simm.s32 @!p0 $0x9;
	[sflag:s16] =	ssyncadd.s32 $0xFFFFD900;
	(pc) =	sbr.rel @p1 .LBB2_1-.Ltmp1, $4  }
0x89: {  	[hbm:s10], [sflag:s7] =	dma.local @!p0 [spmem:s17], $0x100  }
0x8a: {  	_ =	swait.ge @!p0 [sflag:s0], $0x100  }
0x8b: {  	[sflag:s0] =	ssyncset.done @!p0 $0x0  }
0x8c: {  	[sflag:s0] =	ssyncadd.s32 @!p0 $0xFFFFFF00  }
0x8d: {  	_ =	sfence.sel $0x180000  }
0x8e: {  	[bflag:$0x0] =	sbarrier.arrive $0xFFFF  }
0x8f: {  	_ =	strace $0x90000050  }
0x90: {  	[bflag:$0x2] =	sbarrier.arrive $0xFFFF  }
0x91: {  	s0 =	rddreg [dreg:$0x2]  }
0x92: {  	s0 =	sadd.s32 @!p0 $0x100000, s0  }
0x93: {  	[sflag:s0] =	ssyncadd.tile.s32 @!p0 $0x1;
	_ =	shalt  }
.Lfunc_end2:
_tile_overlayer_lowered:
.L_overlay_start_2:
0x94: {  	(tag) =	ssettag $0x2  }
0x95: {  	s0 =	rddreg [dreg:$0x0];
	s2 =	stileid.u32  }
0x96: {  	s1 =	rddreg [dreg:$0x1];
	p0 =	sne.s32 s2, $0x0  }
0x97: {  	s3 =	rddreg [dreg:$0x2];
	[bflag:$0x3] =	sbarrier.arrive $0xFFFF;
	s2 =	simm.s32 @!p0 $0x1C09  }
0x98: {  	[timem:s3], [sflag:s2] =	dma.local @!p0 [hbm:s0], s1  }
0x99: {  	s0 =	simm.s32 @!p0 $0x9  }
0x9a: {  	_ =	swait.ge @!p0 [sflag:s0], s1  }
0x9b: {  	s1 =	ssub.s32 @!p0 $0x0, s1;
	[sflag:s0] =	ssyncset.done @!p0 $0x0  }
0x9c: {  	[sflag:s0] =	ssyncadd.s32 @!p0 s1  }
0x9d: {  	[bflag:$0x3] =	sbarrier.arrive $0xFFFF  }
0x9e: {  	_ =	shalt  }

</sc_bundles>
